<compile_context>
chip_gen: v7x
topology: tpu7x:2x2x1
jax: 0.10.2.dev20260603
libtpu: 0.0.44.dev20260713+nightly
codegen_flags: <defaults>
</compile_context>

<pallas_src>
import functools

import jax
import jax.numpy as jnp
from jax import lax
from jax.experimental import pallas as pl
from jax.experimental.pallas import tpu as pltpu
from jax.experimental.pallas import tpu_sc as plsc

NC = 2
NS = 16
NW = NC * NS
L = 16


def _k1_proj(x_pad, lin, ats, atd, Np, D, C, R):
    G = Np // R

    def body(x_ref, lin_ref, ats_ref, atd_ref,
             xp_ref, as_ref, ad_ref, m_ref, asacc, adacc):
        i = pl.program_id(0)
        xp = jnp.dot(x_ref[...], lin_ref[...],
                     preferred_element_type=jnp.float32)
        xp_ref[...] = xp
        a_s = jnp.sum(xp * ats_ref[...], axis=1).reshape(R // 128, 128)
        a_d = jnp.sum(xp * atd_ref[...], axis=1).reshape(R // 128, 128)
        as_ref[...] = a_s
        ad_ref[...] = a_d

        @pl.when(i == 0)
        def _():
            asacc[...] = jnp.full((8, 128), -jnp.inf, jnp.float32)
            adacc[...] = jnp.full((8, 128), -jnp.inf, jnp.float32)

        asacc[...] = jnp.maximum(asacc[...], a_s)
        adacc[...] = jnp.maximum(adacc[...], a_d)

        @pl.when(i == G - 1)
        def _():
            m = jnp.maximum(jnp.max(asacc[...]) + jnp.max(adacc[...]), 0.0)
            m_ref[...] = jnp.full((8, 128), m, jnp.float32)

    return pl.pallas_call(
        body,
        grid=(G,),
        in_specs=[
            pl.BlockSpec((R, D), lambda i: (i, 0)),
            pl.BlockSpec((D, C), lambda i: (0, 0)),
            pl.BlockSpec((1, C), lambda i: (0, 0)),
            pl.BlockSpec((1, C), lambda i: (0, 0)),
        ],
        out_specs=[
            pl.BlockSpec((R, C), lambda i: (i, 0)),
            pl.BlockSpec((R // 128, 128), lambda i: (i, 0)),
            pl.BlockSpec((R // 128, 128), lambda i: (i, 0)),
            pl.BlockSpec((8, 128), lambda i: (0, 0)),
        ],
        out_shape=[
            jax.ShapeDtypeStruct((Np, C), jnp.float32),
            jax.ShapeDtypeStruct((Np // 128, 128), jnp.float32),
            jax.ShapeDtypeStruct((Np // 128, 128), jnp.float32),
            jax.ShapeDtypeStruct((8, 128), jnp.float32),
        ],
        scratch_shapes=[
            pltpu.VMEM((8, 128), jnp.float32),
            pltpu.VMEM((8, 128), jnp.float32),
        ],
    )(x_pad, lin, ats, atd)


def _k24_fused(src4, dst4, as_flat, ad_flat, m_flat, xp, Np, NB, B, C, SB):
    mesh = plsc.VectorSubcoreMesh(core_axis_name="c", subcore_axis_name="s")
    rpt = Np // NS
    NST = NB // SB
    PAIRS = (SB - 1) // 2
    assert SB % 2 == 1

    @functools.partial(
        pl.kernel,
        mesh=mesh,
        out_type=[
            jax.ShapeDtypeStruct((NC, Np, C), jnp.float32),
            jax.ShapeDtypeStruct((NC, Np), jnp.float32),
        ],
        scratch_types=[
            pltpu.VMEM((SB, B), jnp.int32),
            pltpu.VMEM((SB, B), jnp.int32),
            pltpu.VMEM((B, C), jnp.float32),
            pltpu.VMEM((B, C), jnp.float32),
            pltpu.VMEM((B,), jnp.float32),
            pltpu.VMEM((B,), jnp.float32),
            pltpu.VMEM((B,), jnp.float32),
            pltpu.VMEM((B,), jnp.float32),
            pltpu.VMEM((SB, B), jnp.float32),
            pltpu.VMEM((L,), jnp.float32),
            pltpu.VMEM((rpt,), jnp.float32),
            pltpu.VMEM_SHARED((Np, C), jnp.float32),
            pltpu.VMEM_SHARED((Np,), jnp.float32),
            pltpu.VMEM_SHARED((Np,), jnp.float32),
            pltpu.VMEM_SHARED((Np,), jnp.float32),
            pltpu.SemaphoreType.DMA,
            pltpu.SemaphoreType.DMA,
            pltpu.SemaphoreType.DMA,
            pltpu.SemaphoreType.DMA,
            pltpu.SemaphoreType.DMA,
            pltpu.SemaphoreType.DMA,
            pltpu.SemaphoreType.DMA,
            pltpu.SemaphoreType.DMA,
        ],
        compiler_params=pltpu.CompilerParams(needs_layout_passes=False),
    )
    def k24(src_h, dst_h, as_h, ad_h, m_h, xp_h, out_h, den_h,
            src_v, dst_v, rows_a, rows_b, asb_a, adb_a, asb_b, adb_b,
            exs_v, m_v, zden_v, out_sh, den_sh, as_sh, ad_sh,
            sem_ga, sem_gb, sem_aa, sem_ab,
            sem_sa, sem_sb, sem_da, sem_db):
        c = lax.axis_index("c")
        s = lax.axis_index("s")
        wid = c * NS + s
        pltpu.sync_copy(m_h.at[pl.ds(0, L)], m_v)
        pltpu.sync_copy(as_h.at[pl.ds(s * rpt, rpt)],
                        as_sh.at[pl.ds(s * rpt, rpt)])
        pltpu.sync_copy(ad_h.at[pl.ds(s * rpt, rpt)],
                        ad_sh.at[pl.ds(s * rpt, rpt)])

        def zrow(r, _):
            for j in range(C // L):
                rows_a[r, pl.ds(j * L, L)] = jnp.zeros((L,), jnp.float32)
            return _

        lax.fori_loop(0, B, zrow, 0)

        def zden(j, _):
            zden_v[pl.ds(j * L, L)] = jnp.zeros((L,), jnp.float32)
            return _

        lax.fori_loop(0, rpt // L, zden, 0)
        for k in range(rpt // B):
            pltpu.sync_copy(rows_a, out_sh.at[pl.ds(s * rpt + k * B, B)])
        pltpu.sync_copy(zden_v, den_sh.at[pl.ds(s * rpt, rpt)])
        plsc.subcore_barrier()

        mval = m_v[...]

        def g_start(b, rows, sem):
            pltpu.make_async_copy(xp_h.at[src_v.at[b]], rows, sem).start()

        def a_start(b, asb, adb, sem):
            pltpu.make_async_copy(as_sh.at[src_v.at[b]], asb, sem).start()
            pltpu.make_async_copy(ad_sh.at[dst_v.at[b]], adb, sem).start()

        def prefetch(b, rows, asb, adb, sem_g, sem_a):
            g_start(b, rows, sem_g)
            a_start(b, asb, adb, sem_a)

        def s_wait(b, rows, sem):
            pltpu.make_async_copy(rows, out_sh.at[dst_v.at[b]], sem).wait()

        def process(b, rows, asb, adb, sem_g, sem_a, sem_s, sem_d):
            pltpu.make_async_copy(as_sh.at[src_v.at[b]], asb, sem_a).wait()
            pltpu.make_async_copy(ad_sh.at[dst_v.at[b]], adb, sem_a).wait()
            for g in range(B // L):
                sv = src_v[b, pl.ds(g * L, L)]
                dv = dst_v[b, pl.ds(g * L, L)]
                al = asb[pl.ds(g * L, L)] + adb[pl.ds(g * L, L)]
                al = jnp.where(al >= 0.0, al, 0.2 * al) - mval
                exv = jnp.exp(al)
                exv = jnp.where(sv != dv, exv, 0.0)
                exs_v[b, pl.ds(g * L, L)] = exv
            pltpu.make_async_copy(
                exs_v.at[b], den_sh.at[dst_v.at[b]], sem_d).start(add=True)
            pltpu.make_async_copy(xp_h.at[src_v.at[b]], rows, sem_g).wait()
            bidx = jnp.full((L,), b, jnp.int32)

            @plsc.parallel_loop(0, B, 1, unroll=4)
            def _scale(e):
                av = plsc.load_gather(
                    exs_v, [bidx, jnp.full((L,), e, jnp.int32)])
                for q in range(C // L):
                    rows[e, pl.ds(q * L, L)] = (
                        rows[e, pl.ds(q * L, L)] * av)
            pltpu.make_async_copy(
                rows, out_sh.at[dst_v.at[b]], sem_s).start(add=True)
            pltpu.make_async_copy(
                exs_v.at[b], den_sh.at[dst_v.at[b]], sem_d).wait()

        def stage(t, _):
            pltpu.make_async_copy(src_h.at[wid, t], src_v, sem_ga).start()
            pltpu.make_async_copy(dst_h.at[wid, t], dst_v, sem_gb).start()
            pltpu.make_async_copy(src_h.at[wid, t], src_v, sem_ga).wait()
            pltpu.make_async_copy(dst_h.at[wid, t], dst_v, sem_gb).wait()
            prefetch(0, rows_a, asb_a, adb_a, sem_ga, sem_aa)

            def pair(i, _1):
                b0 = 2 * i
                b1 = 2 * i + 1
                prefetch(b1, rows_b, asb_b, adb_b, sem_gb, sem_ab)
                process(b0, rows_a, asb_a, adb_a,
                        sem_ga, sem_aa, sem_sa, sem_da)
                process(b1, rows_b, asb_b, adb_b,
                        sem_gb, sem_ab, sem_sb, sem_db)
                s_wait(b0, rows_a, sem_sa)
                prefetch(b1 + 1, rows_a, asb_a, adb_a, sem_ga, sem_aa)
                s_wait(b1, rows_b, sem_sb)
                return _1

            lax.fori_loop(0, PAIRS, pair, 0)
            b_last = SB - 1
            process(b_last, rows_a, asb_a, adb_a,
                    sem_ga, sem_aa, sem_sa, sem_da)
            s_wait(b_last, rows_a, sem_sa)
            return _

        lax.fori_loop(0, NST, stage, 0)
        plsc.subcore_barrier()
        pltpu.sync_copy(out_sh.at[pl.ds(s * rpt, rpt)],
                        out_h.at[c, pl.ds(s * rpt, rpt)])
        pltpu.sync_copy(den_sh.at[pl.ds(s * rpt, rpt)],
                        den_h.at[c, pl.ds(s * rpt, rpt)])

    return k24(src4, dst4, as_flat, ad_flat, m_flat, xp)


def _k5_combine(outp, xp, as_col, ad_col, d0_col, d1_col, m_sc, bias2,
                Np, C, R):
    G = Np // R

    def body(p_ref, xp_ref, as_ref, ad_ref, d0_ref, d1_ref, m_ref, b_ref,
             o_ref):
        a = as_ref[...] + ad_ref[...]
        a = jnp.where(a >= 0.0, a, 0.2 * a) - m_ref[...]
        exs = jnp.exp(a)
        dt = d0_ref[...] + d1_ref[...] + exs
        inv = 1.0 / (dt + 1e-16)
        p = p_ref[...]
        o_ref[...] = (p[0] + p[1] + xp_ref[...] * exs) * inv + b_ref[...]

    return pl.pallas_call(
        body,
        grid=(G,),
        in_specs=[
            pl.BlockSpec((2, R, C), lambda i: (0, i, 0)),
            pl.BlockSpec((R, C), lambda i: (i, 0)),
            pl.BlockSpec((R, 1), lambda i: (i, 0)),
            pl.BlockSpec((R, 1), lambda i: (i, 0)),
            pl.BlockSpec((R, 1), lambda i: (i, 0)),
            pl.BlockSpec((R, 1), lambda i: (i, 0)),
            pl.BlockSpec((1, 1), lambda i: (0, 0)),
            pl.BlockSpec((1, C), lambda i: (0, 0)),
        ],
        out_specs=pl.BlockSpec((R, C), lambda i: (i, 0)),
        out_shape=jax.ShapeDtypeStruct((Np, C), jnp.float32),
    )(outp, xp, as_col, ad_col, d0_col, d1_col, m_sc, bias2)


def kernel(x, edge_index, lin_src, att_src, att_dst, bias):
    N, D = x.shape
    C = lin_src.shape[1]
    H = att_src.shape[1]
    E = edge_index.shape[1]
    Np = ((N + 1023) // 1024) * 1024
    EW = E // NW
    B = 80
    NB = EW // B
    assert EW * NW == E and NB * B == EW and C % L == 0 and H == 1

    x_pad = jnp.pad(x, ((0, Np - N), (0, 0)))
    src3 = edge_index[0].astype(jnp.int32).reshape(NW, NB, B)
    dst3 = edge_index[1].astype(jnp.int32).reshape(NW, NB, B)
    ats = att_src.reshape(1, C)
    atd = att_dst.reshape(1, C)

    xp, as2, ad2, m2 = _k1_proj(x_pad, lin_src, ats, atd, Np, D, C, 1024)
    m_flat = m2.reshape(8 * 128)
    SB = 25
    src4 = src3.reshape(NW, NB // SB, SB, B)
    dst4 = dst3.reshape(NW, NB // SB, SB, B)
    outp, den2 = _k24_fused(src4, dst4, as2.reshape(Np), ad2.reshape(Np),
                            m_flat, xp, Np, NB, B, C, SB)
    out = _k5_combine(outp, xp, as2.reshape(Np, 1), ad2.reshape(Np, 1),
                      den2[0].reshape(Np, 1), den2[1].reshape(Np, 1),
                      m_flat[:1].reshape(1, 1), bias.reshape(1, C),
                      Np, C, 2048)
    return out[:N]

# --- scband reference (transcript-rebuilt; emitter-appended) ---
"""Pipeline reference for scband-gatconv-88656714924157 (READ-ONLY COPY).

The authoritative reference and input builder live on the scoring server;
editing this copy changes nothing except your own understanding.
"""

import jax, jax.numpy as jnp
import numpy as np

N = 10000
E = 320000
D_IN = 128
H = 1
C = 128


def setup_inputs(seed: int = 0) -> dict:
    key = jax.random.key(seed)
    k1, k2, k3, k4, k5 = jax.random.split(key, 5)
    x = jax.random.normal(k1, (N, D_IN), dtype=jnp.float32)
    edge_index = jax.random.randint(k2, (2, E), 0, N)
    # xavier_normal with gain=1.414
    gain = 1.414
    std_lin = gain * np.sqrt(2.0 / (D_IN + C))
    lin_src = jax.random.normal(k3, (D_IN, C), dtype=jnp.float32) * std_lin
    std_att = gain * np.sqrt(2.0 / (C + C))
    att_src = jax.random.normal(k4, (1, H, C), dtype=jnp.float32) * std_att
    att_dst = jax.random.normal(k5, (1, H, C), dtype=jnp.float32) * std_att
    bias = jnp.zeros((H * C,), dtype=jnp.float32)
    return {"x": x, "edge_index": edge_index, "lin_src": lin_src,
            "att_src": att_src, "att_dst": att_dst, "bias": bias}


def reference(x, edge_index, lin_src, att_src, att_dst, bias):
    # linear projection (lin_dst shares weights with lin_src since in_channels is int)
    x_proj = jnp.matmul(x, lin_src).reshape(-1, H, C)
    num_nodes = x_proj.shape[0]
    # add_self_loops: remove existing self loops, append loop edges
    mask = edge_index[0] != edge_index[1]
    loop = jnp.arange(num_nodes, dtype=edge_index.dtype)
    ei = jnp.concatenate([edge_index, jnp.stack([loop, loop], axis=0)], axis=1)
    valid = jnp.concatenate([mask, jnp.ones((num_nodes,), dtype=bool)], axis=0)
    src, dst = ei[0], ei[1]
    # attention logits
    alpha_src = (x_proj * att_src).sum(axis=-1)  # [N, H]
    alpha_dst = (x_proj * att_dst).sum(axis=-1)  # [N, H]
    alpha = alpha_src[src] + alpha_dst[dst]      # [E+N, H]
    alpha = jnp.where(alpha >= 0, alpha, 0.2 * alpha)  # leaky_relu(0.2)
    # scatter softmax over dst (global max subtraction as in torch code)
    amax = jnp.max(jnp.where(valid[:, None], alpha, -jnp.inf))
    ex = jnp.where(valid[:, None], jnp.exp(alpha - amax), 0.0)
    denom = jax.ops.segment_sum(ex, dst, num_segments=num_nodes)
    alpha = ex / (denom[dst] + 1e-16)
    # weighted aggregation
    weighted = x_proj[src] * alpha[..., None]
    out = jnp.zeros((num_nodes, H, C), dtype=x_proj.dtype).at[dst].add(weighted)
    # concat=True
    out = out.reshape(-1, H * C)
    out = out + bias
    return out

if __name__ == "__main__":
    import jax
    _d = setup_inputs()
    print(jax.jit(kernel)(*tuple(_d.values())))

</pallas_src>

<mosaic_0001>
#map = affine_map<(d0, d1) -> (0, 0, 0, 0)>
#map1 = affine_map<(d0, d1) -> (0)>
#map2 = affine_map<(d0, d1) -> (0, 0)>
#map3 = affine_map<(d0, d1) -> (0, 0, 0)>
module attributes {stable_mosaic.version = 14 : i64} {
  func.func @k24(%arg0: i32, %arg1: i32, %arg2: memref<32x5x25x80xi32, #tpu.memory_space<hbm>>, %arg3: memref<32x5x25x80xi32, #tpu.memory_space<hbm>>, %arg4: memref<10240xf32, #tpu.memory_space<hbm>>, %arg5: memref<10240xf32, #tpu.memory_space<hbm>>, %arg6: memref<1024xf32, #tpu.memory_space<hbm>>, %arg7: memref<10240x128xf32, #tpu.memory_space<hbm>>, %arg8: memref<2x10240x128xf32, #tpu.memory_space<hbm>>, %arg9: memref<2x10240xf32, #tpu.memory_space<hbm>>, %arg10: memref<25x80xi32, #tpu.memory_space<vmem>>, %arg11: memref<25x80xi32, #tpu.memory_space<vmem>>, %arg12: memref<80x128xf32, #tpu.memory_space<vmem>>, %arg13: memref<80x128xf32, #tpu.memory_space<vmem>>, %arg14: memref<80xf32, #tpu.memory_space<vmem>>, %arg15: memref<80xf32, #tpu.memory_space<vmem>>, %arg16: memref<80xf32, #tpu.memory_space<vmem>>, %arg17: memref<80xf32, #tpu.memory_space<vmem>>, %arg18: memref<25x80xf32, #tpu.memory_space<vmem>>, %arg19: memref<16xf32, #tpu.memory_space<vmem>>, %arg20: memref<640xf32, #tpu.memory_space<vmem>>, %arg21: memref<10240x128xf32, #tpu.memory_space<vmem_shared>>, %arg22: memref<10240xf32, #tpu.memory_space<vmem_shared>>, %arg23: memref<10240xf32, #tpu.memory_space<vmem_shared>>, %arg24: memref<10240xf32, #tpu.memory_space<vmem_shared>>, %arg25: memref<!tpu.dma_semaphore, #tpu.memory_space<semaphore_mem>>, %arg26: memref<!tpu.dma_semaphore, #tpu.memory_space<semaphore_mem>>, %arg27: memref<!tpu.dma_semaphore, #tpu.memory_space<semaphore_mem>>, %arg28: memref<!tpu.dma_semaphore, #tpu.memory_space<semaphore_mem>>, %arg29: memref<!tpu.dma_semaphore, #tpu.memory_space<semaphore_mem>>, %arg30: memref<!tpu.dma_semaphore, #tpu.memory_space<semaphore_mem>>, %arg31: memref<!tpu.dma_semaphore, #tpu.memory_space<semaphore_mem>>, %arg32: memref<!tpu.dma_semaphore, #tpu.memory_space<semaphore_mem>>) attributes {dimension_semantics = [#tpu.dimension_semantics<core_parallel>, #tpu.dimension_semantics<subcore_parallel>], iteration_bounds = array<i64: 2, 16>, scalar_prefetch = 0 : i64, scratch_operands = 23 : i64, tpu.core_type = #tpu.core_type<sc_vector_subcore>, window_params = [{transform_indices = #map}, {transform_indices = #map}, {transform_indices = #map1}, {transform_indices = #map1}, {transform_indices = #map1}, {transform_indices = #map2}, {transform_indices = #map3}, {transform_indices = #map2}]} {
    %mul3A = arith.constant 16 : i32
    %mul3A_0 = arith.muli %arg0, %mul3A : i32
    %add3A = arith.addi %mul3A_0, %arg1 : i32
    "tpu.region"() ({
      %run_scoped3A = tpu.sem_alloc : memref<!tpu.dma_semaphore, #tpu.memory_space<semaphore_mem>>
      %dma_start3A = arith.constant 0 : i32
      %dma_start3A_70 = tpu.memref_slice %arg6[%dma_start3A] : memref<1024xf32, #tpu.memory_space<hbm>> -> memref<16xf32, #tpu.memory_space<hbm>>
      %dma_start3A_71 = arith.constant 0 : i32
      %dma_start3A_72 = tpu.memref_slice %arg6[%dma_start3A_71] : memref<1024xf32, #tpu.memory_space<hbm>> -> memref<16xf32, #tpu.memory_space<hbm>>
      tpu.enqueue_dma source(%dma_start3A_72 : memref<16xf32, #tpu.memory_space<hbm>>) target(%arg19 : memref<16xf32, #tpu.memory_space<vmem>>) target_semaphore(%run_scoped3A : memref<!tpu.dma_semaphore, #tpu.memory_space<semaphore_mem>>)
      %dma_wait3A = arith.constant 0 : i32
      %dma_wait3A_73 = tpu.memref_slice %arg6[%dma_wait3A] : memref<1024xf32, #tpu.memory_space<hbm>> -> memref<16xf32, #tpu.memory_space<hbm>>
      %dma_wait3A_74 = arith.constant 0 : i32
      %dma_wait3A_75 = tpu.memref_slice %arg6[%dma_wait3A_74] : memref<1024xf32, #tpu.memory_space<hbm>> -> memref<16xf32, #tpu.memory_space<hbm>>
      tpu.wait_dma2 semaphore(%run_scoped3A : memref<!tpu.dma_semaphore, #tpu.memory_space<semaphore_mem>>) src(%dma_wait3A_75 : memref<16xf32, #tpu.memory_space<hbm>>) dst(%arg19 : memref<16xf32, #tpu.memory_space<vmem>>)
      tpu.yield
    }) : () -> ()
    %mul3A_1 = arith.constant 640 : i32
    %mul3A_2 = arith.muli %arg1, %mul3A_1 : i32
    %mul3A_3 = arith.constant 640 : i32
    %mul3A_4 = arith.muli %arg1, %mul3A_3 : i32
    "tpu.region"() ({
      %run_scoped3A = tpu.sem_alloc : memref<!tpu.dma_semaphore, #tpu.memory_space<semaphore_mem>>
      %dma_start3A = tpu.memref_slice %arg23[%mul3A_4] : memref<10240xf32, #tpu.memory_space<vmem_shared>> -> memref<640xf32, #tpu.memory_space<vmem_shared>>
      %dma_start3A_70 = tpu.memref_slice %arg4[%mul3A_2] : memref<10240xf32, #tpu.memory_space<hbm>> -> memref<640xf32, #tpu.memory_space<hbm>>
      tpu.enqueue_dma source(%dma_start3A_70 : memref<640xf32, #tpu.memory_space<hbm>>) target(%dma_start3A : memref<640xf32, #tpu.memory_space<vmem_shared>>) target_semaphore(%run_scoped3A : memref<!tpu.dma_semaphore, #tpu.memory_space<semaphore_mem>>)
      %dma_wait3A = tpu.memref_slice %arg23[%mul3A_4] : memref<10240xf32, #tpu.memory_space<vmem_shared>> -> memref<640xf32, #tpu.memory_space<vmem_shared>>
      %dma_wait3A_71 = tpu.memref_slice %arg4[%mul3A_2] : memref<10240xf32, #tpu.memory_space<hbm>> -> memref<640xf32, #tpu.memory_space<hbm>>
      tpu.wait_dma2 semaphore(%run_scoped3A : memref<!tpu.dma_semaphore, #tpu.memory_space<semaphore_mem>>) src(%dma_wait3A_71 : memref<640xf32, #tpu.memory_space<hbm>>) dst(%dma_wait3A : memref<640xf32, #tpu.memory_space<vmem_shared>>)
      tpu.yield
    }) : () -> ()
    %mul3A_5 = arith.constant 640 : i32
    %mul3A_6 = arith.muli %arg1, %mul3A_5 : i32
    %mul3A_7 = arith.constant 640 : i32
    %mul3A_8 = arith.muli %arg1, %mul3A_7 : i32
    "tpu.region"() ({
      %run_scoped3A = tpu.sem_alloc : memref<!tpu.dma_semaphore, #tpu.memory_space<semaphore_mem>>
      %dma_start3A = tpu.memref_slice %arg24[%mul3A_8] : memref<10240xf32, #tpu.memory_space<vmem_shared>> -> memref<640xf32, #tpu.memory_space<vmem_shared>>
      %dma_start3A_70 = tpu.memref_slice %arg5[%mul3A_6] : memref<10240xf32, #tpu.memory_space<hbm>> -> memref<640xf32, #tpu.memory_space<hbm>>
      tpu.enqueue_dma source(%dma_start3A_70 : memref<640xf32, #tpu.memory_space<hbm>>) target(%dma_start3A : memref<640xf32, #tpu.memory_space<vmem_shared>>) target_semaphore(%run_scoped3A : memref<!tpu.dma_semaphore, #tpu.memory_space<semaphore_mem>>)
      %dma_wait3A = tpu.memref_slice %arg24[%mul3A_8] : memref<10240xf32, #tpu.memory_space<vmem_shared>> -> memref<640xf32, #tpu.memory_space<vmem_shared>>
      %dma_wait3A_71 = tpu.memref_slice %arg5[%mul3A_6] : memref<10240xf32, #tpu.memory_space<hbm>> -> memref<640xf32, #tpu.memory_space<hbm>>
      tpu.wait_dma2 semaphore(%run_scoped3A : memref<!tpu.dma_semaphore, #tpu.memory_space<semaphore_mem>>) src(%dma_wait3A_71 : memref<640xf32, #tpu.memory_space<hbm>>) dst(%dma_wait3A : memref<640xf32, #tpu.memory_space<vmem_shared>>)
      tpu.yield
    }) : () -> ()
    %scan3A = arith.constant 0 : i32
    %scan3A_9 = arith.constant 0 : i32
    %scan3A_10 = arith.constant 80 : i32
    %scan3A_11 = arith.addi %scan3A_9, %scan3A_10 : i32
    %scan3A_12 = arith.constant 1 : i32
    scf.for %scan3A_70 = %scan3A_9 to %scan3A_11 step %scan3A_12  : i32 {
      %broadcast_in_dim3A = arith.constant 0.000000e+00 : f32
      %broadcast_in_dim3A_71 = vector.broadcast %broadcast_in_dim3A : f32 to vector<16xf32>
      %swap3A = arith.index_cast %scan3A_70 : i32 to index
      %swap3A_72 = arith.constant 0 : index
      %swap3A_73 = tpu.vector_load %arg12[%swap3A, %swap3A_72] {strides = array<i32>} : memref<80x128xf32, #tpu.memory_space<vmem>>, vector<16xf32>,
      tpu.vector_store %arg12[%swap3A, %swap3A_72], %broadcast_in_dim3A_71 {strides = array<i32>} : memref<80x128xf32, #tpu.memory_space<vmem>>, vector<16xf32>,
      %broadcast_in_dim3A_74 = arith.constant 0.000000e+00 : f32
      %broadcast_in_dim3A_75 = vector.broadcast %broadcast_in_dim3A_74 : f32 to vector<16xf32>
      %swap3A_76 = arith.index_cast %scan3A_70 : i32 to index
      %swap3A_77 = arith.constant 16 : index
      %swap3A_78 = tpu.vector_load %arg12[%swap3A_76, %swap3A_77] {strides = array<i32>} : memref<80x128xf32, #tpu.memory_space<vmem>>, vector<16xf32>,
      tpu.vector_store %arg12[%swap3A_76, %swap3A_77], %broadcast_in_dim3A_75 {strides = array<i32>} : memref<80x128xf32, #tpu.memory_space<vmem>>, vector<16xf32>,
      %broadcast_in_dim3A_79 = arith.constant 0.000000e+00 : f32
      %broadcast_in_dim3A_80 = vector.broadcast %broadcast_in_dim3A_79 : f32 to vector<16xf32>
      %swap3A_81 = arith.index_cast %scan3A_70 : i32 to index
      %swap3A_82 = arith.constant 32 : index
      %swap3A_83 = tpu.vector_load %arg12[%swap3A_81, %swap3A_82] {strides = array<i32>} : memref<80x128xf32, #tpu.memory_space<vmem>>, vector<16xf32>,
      tpu.vector_store %arg12[%swap3A_81, %swap3A_82], %broadcast_in_dim3A_80 {strides = array<i32>} : memref<80x128xf32, #tpu.memory_space<vmem>>, vector<16xf32>,
      %broadcast_in_dim3A_84 = arith.constant 0.000000e+00 : f32
      %broadcast_in_dim3A_85 = vector.broadcast %broadcast_in_dim3A_84 : f32 to vector<16xf32>
      %swap3A_86 = arith.index_cast %scan3A_70 : i32 to index
      %swap3A_87 = arith.constant 48 : index
      %swap3A_88 = tpu.vector_load %arg12[%swap3A_86, %swap3A_87] {strides = array<i32>} : memref<80x128xf32, #tpu.memory_space<vmem>>, vector<16xf32>,
      tpu.vector_store %arg12[%swap3A_86, %swap3A_87], %broadcast_in_dim3A_85 {strides = array<i32>} : memref<80x128xf32, #tpu.memory_space<vmem>>, vector<16xf32>,
      %broadcast_in_dim3A_89 = arith.constant 0.000000e+00 : f32
      %broadcast_in_dim3A_90 = vector.broadcast %broadcast_in_dim3A_89 : f32 to vector<16xf32>
      %swap3A_91 = arith.index_cast %scan3A_70 : i32 to index
      %swap3A_92 = arith.constant 64 : index
      %swap3A_93 = tpu.vector_load %arg12[%swap3A_91, %swap3A_92] {strides = array<i32>} : memref<80x128xf32, #tpu.memory_space<vmem>>, vector<16xf32>,
      tpu.vector_store %arg12[%swap3A_91, %swap3A_92], %broadcast_in_dim3A_90 {strides = array<i32>} : memref<80x128xf32, #tpu.memory_space<vmem>>, vector<16xf32>,
      %broadcast_in_dim3A_94 = arith.constant 0.000000e+00 : f32
      %broadcast_in_dim3A_95 = vector.broadcast %broadcast_in_dim3A_94 : f32 to vector<16xf32>
      %swap3A_96 = arith.index_cast %scan3A_70 : i32 to index
      %swap3A_97 = arith.constant 80 : index
      %swap3A_98 = tpu.vector_load %arg12[%swap3A_96, %swap3A_97] {strides = array<i32>} : memref<80x128xf32, #tpu.memory_space<vmem>>, vector<16xf32>,
      tpu.vector_store %arg12[%swap3A_96, %swap3A_97], %broadcast_in_dim3A_95 {strides = array<i32>} : memref<80x128xf32, #tpu.memory_space<vmem>>, vector<16xf32>,
      %broadcast_in_dim3A_99 = arith.constant 0.000000e+00 : f32
      %broadcast_in_dim3A_100 = vector.broadcast %broadcast_in_dim3A_99 : f32 to vector<16xf32>
      %swap3A_101 = arith.index_cast %scan3A_70 : i32 to index
      %swap3A_102 = arith.constant 96 : index
      %swap3A_103 = tpu.vector_load %arg12[%swap3A_101, %swap3A_102] {strides = array<i32>} : memref<80x128xf32, #tpu.memory_space<vmem>>, vector<16xf32>,
      tpu.vector_store %arg12[%swap3A_101, %swap3A_102], %broadcast_in_dim3A_100 {strides = array<i32>} : memref<80x128xf32, #tpu.memory_space<vmem>>, vector<16xf32>,
      %broadcast_in_dim3A_104 = arith.constant 0.000000e+00 : f32
      %broadcast_in_dim3A_105 = vector.broadcast %broadcast_in_dim3A_104 : f32 to vector<16xf32>
      %swap3A_106 = arith.index_cast %scan3A_70 : i32 to index
      %swap3A_107 = arith.constant 112 : index
      %swap3A_108 = tpu.vector_load %arg12[%swap3A_106, %swap3A_107] {strides = array<i32>} : memref<80x128xf32, #tpu.memory_space<vmem>>, vector<16xf32>,
      tpu.vector_store %arg12[%swap3A_106, %swap3A_107], %broadcast_in_dim3A_105 {strides = array<i32>} : memref<80x128xf32, #tpu.memory_space<vmem>>, vector<16xf32>,
    }
    %scan3A_13 = arith.constant 80 : i32
    %scan3A_14 = arith.constant 0 : i32
    %scan3A_15 = arith.constant 0 : i32
    %scan3A_16 = arith.constant 40 : i32
    %scan3A_17 = arith.addi %scan3A_15, %scan3A_16 : i32
    %scan3A_18 = arith.constant 1 : i32
    scf.for %scan3A_70 = %scan3A_15 to %scan3A_17 step %scan3A_18  : i32 {
      %broadcast_in_dim3A = arith.constant 0.000000e+00 : f32
      %broadcast_in_dim3A_71 = vector.broadcast %broadcast_in_dim3A : f32 to vector<16xf32>
      %mul3A_72 = arith.constant 16 : i32
      %mul3A_73 = arith.muli %scan3A_70, %mul3A_72 : i32
      %swap3A = arith.index_cast %mul3A_73 : i32 to index
      %swap3A_74 = tpu.vector_load %arg20[%swap3A] {strides = array<i32>} : memref<640xf32, #tpu.memory_space<vmem>>, vector<16xf32>,
      tpu.vector_store %arg20[%swap3A], %broadcast_in_dim3A_71 {strides = array<i32>} : memref<640xf32, #tpu.memory_space<vmem>>, vector<16xf32>,
    }
    %scan3A_19 = arith.constant 40 : i32
    %mul3A_20 = arith.constant 640 : i32
    %mul3A_21 = arith.muli %arg1, %mul3A_20 : i32
    %add3A_22 = arith.constant 0 : i32
    %add3A_23 = arith.addi %mul3A_21, %add3A_22 : i32
    "tpu.region"() ({
      %run_scoped3A = tpu.sem_alloc : memref<!tpu.dma_semaphore, #tpu.memory_space<semaphore_mem>>
      %dma_start3A = arith.constant 0 : i32
      %dma_start3A_70 = tpu.memref_slice %arg21[%add3A_23, %dma_start3A] : memref<10240x128xf32, #tpu.memory_space<vmem_shared>> -> memref<80x128xf32, #tpu.memory_space<vmem_shared>>
      %dma_start3A_71 = arith.constant 0 : i32
      %dma_start3A_72 = tpu.memref_slice %arg21[%add3A_23, %dma_start3A_71] : memref<10240x128xf32, #tpu.memory_space<vmem_shared>> -> memref<80x128xf32, #tpu.memory_space<vmem_shared>>
      tpu.enqueue_dma source(%arg12 : memref<80x128xf32, #tpu.memory_space<vmem>>) target(%dma_start3A_72 : memref<80x128xf32, #tpu.memory_space<vmem_shared>>) target_semaphore(%run_scoped3A : memref<!tpu.dma_semaphore, #tpu.memory_space<semaphore_mem>>)
      %dma_wait3A = arith.constant 0 : i32
      %dma_wait3A_73 = tpu.memref_slice %arg21[%add3A_23, %dma_wait3A] : memref<10240x128xf32, #tpu.memory_space<vmem_shared>> -> memref<80x128xf32, #tpu.memory_space<vmem_shared>>
      %dma_wait3A_74 = arith.constant 0 : i32
      %dma_wait3A_75 = tpu.memref_slice %arg21[%add3A_23, %dma_wait3A_74] : memref<10240x128xf32, #tpu.memory_space<vmem_shared>> -> memref<80x128xf32, #tpu.memory_space<vmem_shared>>
      tpu.wait_dma2 semaphore(%run_scoped3A : memref<!tpu.dma_semaphore, #tpu.memory_space<semaphore_mem>>) src(%arg12 : memref<80x128xf32, #tpu.memory_space<vmem>>) dst(%dma_wait3A_75 : memref<80x128xf32, #tpu.memory_space<vmem_shared>>)
      tpu.yield
    }) : () -> ()
    %mul3A_24 = arith.constant 640 : i32
    %mul3A_25 = arith.muli %arg1, %mul3A_24 : i32
    %add3A_26 = arith.constant 80 : i32
    %add3A_27 = arith.addi %mul3A_25, %add3A_26 : i32
    "tpu.region"() ({
      %run_scoped3A = tpu.sem_alloc : memref<!tpu.dma_semaphore, #tpu.memory_space<semaphore_mem>>
      %dma_start3A = arith.constant 0 : i32
      %dma_start3A_70 = tpu.memref_slice %arg21[%add3A_27, %dma_start3A] : memref<10240x128xf32, #tpu.memory_space<vmem_shared>> -> memref<80x128xf32, #tpu.memory_space<vmem_shared>>
      %dma_start3A_71 = arith.constant 0 : i32
      %dma_start3A_72 = tpu.memref_slice %arg21[%add3A_27, %dma_start3A_71] : memref<10240x128xf32, #tpu.memory_space<vmem_shared>> -> memref<80x128xf32, #tpu.memory_space<vmem_shared>>
      tpu.enqueue_dma source(%arg12 : memref<80x128xf32, #tpu.memory_space<vmem>>) target(%dma_start3A_72 : memref<80x128xf32, #tpu.memory_space<vmem_shared>>) target_semaphore(%run_scoped3A : memref<!tpu.dma_semaphore, #tpu.memory_space<semaphore_mem>>)
      %dma_wait3A = arith.constant 0 : i32
      %dma_wait3A_73 = tpu.memref_slice %arg21[%add3A_27, %dma_wait3A] : memref<10240x128xf32, #tpu.memory_space<vmem_shared>> -> memref<80x128xf32, #tpu.memory_space<vmem_shared>>
      %dma_wait3A_74 = arith.constant 0 : i32
      %dma_wait3A_75 = tpu.memref_slice %arg21[%add3A_27, %dma_wait3A_74] : memref<10240x128xf32, #tpu.memory_space<vmem_shared>> -> memref<80x128xf32, #tpu.memory_space<vmem_shared>>
      tpu.wait_dma2 semaphore(%run_scoped3A : memref<!tpu.dma_semaphore, #tpu.memory_space<semaphore_mem>>) src(%arg12 : memref<80x128xf32, #tpu.memory_space<vmem>>) dst(%dma_wait3A_75 : memref<80x128xf32, #tpu.memory_space<vmem_shared>>)
      tpu.yield
    }) : () -> ()
    %mul3A_28 = arith.constant 640 : i32
    %mul3A_29 = arith.muli %arg1, %mul3A_28 : i32
    %add3A_30 = arith.constant 160 : i32
    %add3A_31 = arith.addi %mul3A_29, %add3A_30 : i32
    "tpu.region"() ({
      %run_scoped3A = tpu.sem_alloc : memref<!tpu.dma_semaphore, #tpu.memory_space<semaphore_mem>>
      %dma_start3A = arith.constant 0 : i32
      %dma_start3A_70 = tpu.memref_slice %arg21[%add3A_31, %dma_start3A] : memref<10240x128xf32, #tpu.memory_space<vmem_shared>> -> memref<80x128xf32, #tpu.memory_space<vmem_shared>>
      %dma_start3A_71 = arith.constant 0 : i32
      %dma_start3A_72 = tpu.memref_slice %arg21[%add3A_31, %dma_start3A_71] : memref<10240x128xf32, #tpu.memory_space<vmem_shared>> -> memref<80x128xf32, #tpu.memory_space<vmem_shared>>
      tpu.enqueue_dma source(%arg12 : memref<80x128xf32, #tpu.memory_space<vmem>>) target(%dma_start3A_72 : memref<80x128xf32, #tpu.memory_space<vmem_shared>>) target_semaphore(%run_scoped3A : memref<!tpu.dma_semaphore, #tpu.memory_space<semaphore_mem>>)
      %dma_wait3A = arith.constant 0 : i32
      %dma_wait3A_73 = tpu.memref_slice %arg21[%add3A_31, %dma_wait3A] : memref<10240x128xf32, #tpu.memory_space<vmem_shared>> -> memref<80x128xf32, #tpu.memory_space<vmem_shared>>
      %dma_wait3A_74 = arith.constant 0 : i32
      %dma_wait3A_75 = tpu.memref_slice %arg21[%add3A_31, %dma_wait3A_74] : memref<10240x128xf32, #tpu.memory_space<vmem_shared>> -> memref<80x128xf32, #tpu.memory_space<vmem_shared>>
      tpu.wait_dma2 semaphore(%run_scoped3A : memref<!tpu.dma_semaphore, #tpu.memory_space<semaphore_mem>>) src(%arg12 : memref<80x128xf32, #tpu.memory_space<vmem>>) dst(%dma_wait3A_75 : memref<80x128xf32, #tpu.memory_space<vmem_shared>>)
      tpu.yield
    }) : () -> ()
    %mul3A_32 = arith.constant 640 : i32
    %mul3A_33 = arith.muli %arg1, %mul3A_32 : i32
    %add3A_34 = arith.constant 240 : i32
    %add3A_35 = arith.addi %mul3A_33, %add3A_34 : i32
    "tpu.region"() ({
      %run_scoped3A = tpu.sem_alloc : memref<!tpu.dma_semaphore, #tpu.memory_space<semaphore_mem>>
      %dma_start3A = arith.constant 0 : i32
      %dma_start3A_70 = tpu.memref_slice %arg21[%add3A_35, %dma_start3A] : memref<10240x128xf32, #tpu.memory_space<vmem_shared>> -> memref<80x128xf32, #tpu.memory_space<vmem_shared>>
      %dma_start3A_71 = arith.constant 0 : i32
      %dma_start3A_72 = tpu.memref_slice %arg21[%add3A_35, %dma_start3A_71] : memref<10240x128xf32, #tpu.memory_space<vmem_shared>> -> memref<80x128xf32, #tpu.memory_space<vmem_shared>>
      tpu.enqueue_dma source(%arg12 : memref<80x128xf32, #tpu.memory_space<vmem>>) target(%dma_start3A_72 : memref<80x128xf32, #tpu.memory_space<vmem_shared>>) target_semaphore(%run_scoped3A : memref<!tpu.dma_semaphore, #tpu.memory_space<semaphore_mem>>)
      %dma_wait3A = arith.constant 0 : i32
      %dma_wait3A_73 = tpu.memref_slice %arg21[%add3A_35, %dma_wait3A] : memref<10240x128xf32, #tpu.memory_space<vmem_shared>> -> memref<80x128xf32, #tpu.memory_space<vmem_shared>>
      %dma_wait3A_74 = arith.constant 0 : i32
      %dma_wait3A_75 = tpu.memref_slice %arg21[%add3A_35, %dma_wait3A_74] : memref<10240x128xf32, #tpu.memory_space<vmem_shared>> -> memref<80x128xf32, #tpu.memory_space<vmem_shared>>
      tpu.wait_dma2 semaphore(%run_scoped3A : memref<!tpu.dma_semaphore, #tpu.memory_space<semaphore_mem>>) src(%arg12 : memref<80x128xf32, #tpu.memory_space<vmem>>) dst(%dma_wait3A_75 : memref<80x128xf32, #tpu.memory_space<vmem_shared>>)
      tpu.yield
    }) : () -> ()
    %mul3A_36 = arith.constant 640 : i32
    %mul3A_37 = arith.muli %arg1, %mul3A_36 : i32
    %add3A_38 = arith.constant 320 : i32
    %add3A_39 = arith.addi %mul3A_37, %add3A_38 : i32
    "tpu.region"() ({
      %run_scoped3A = tpu.sem_alloc : memref<!tpu.dma_semaphore, #tpu.memory_space<semaphore_mem>>
      %dma_start3A = arith.constant 0 : i32
      %dma_start3A_70 = tpu.memref_slice %arg21[%add3A_39, %dma_start3A] : memref<10240x128xf32, #tpu.memory_space<vmem_shared>> -> memref<80x128xf32, #tpu.memory_space<vmem_shared>>
      %dma_start3A_71 = arith.constant 0 : i32
      %dma_start3A_72 = tpu.memref_slice %arg21[%add3A_39, %dma_start3A_71] : memref<10240x128xf32, #tpu.memory_space<vmem_shared>> -> memref<80x128xf32, #tpu.memory_space<vmem_shared>>
      tpu.enqueue_dma source(%arg12 : memref<80x128xf32, #tpu.memory_space<vmem>>) target(%dma_start3A_72 : memref<80x128xf32, #tpu.memory_space<vmem_shared>>) target_semaphore(%run_scoped3A : memref<!tpu.dma_semaphore, #tpu.memory_space<semaphore_mem>>)
      %dma_wait3A = arith.constant 0 : i32
      %dma_wait3A_73 = tpu.memref_slice %arg21[%add3A_39, %dma_wait3A] : memref<10240x128xf32, #tpu.memory_space<vmem_shared>> -> memref<80x128xf32, #tpu.memory_space<vmem_shared>>
      %dma_wait3A_74 = arith.constant 0 : i32
      %dma_wait3A_75 = tpu.memref_slice %arg21[%add3A_39, %dma_wait3A_74] : memref<10240x128xf32, #tpu.memory_space<vmem_shared>> -> memref<80x128xf32, #tpu.memory_space<vmem_shared>>
      tpu.wait_dma2 semaphore(%run_scoped3A : memref<!tpu.dma_semaphore, #tpu.memory_space<semaphore_mem>>) src(%arg12 : memref<80x128xf32, #tpu.memory_space<vmem>>) dst(%dma_wait3A_75 : memref<80x128xf32, #tpu.memory_space<vmem_shared>>)
      tpu.yield
    }) : () -> ()
    %mul3A_40 = arith.constant 640 : i32
    %mul3A_41 = arith.muli %arg1, %mul3A_40 : i32
    %add3A_42 = arith.constant 400 : i32
    %add3A_43 = arith.addi %mul3A_41, %add3A_42 : i32
    "tpu.region"() ({
      %run_scoped3A = tpu.sem_alloc : memref<!tpu.dma_semaphore, #tpu.memory_space<semaphore_mem>>
      %dma_start3A = arith.constant 0 : i32
      %dma_start3A_70 = tpu.memref_slice %arg21[%add3A_43, %dma_start3A] : memref<10240x128xf32, #tpu.memory_space<vmem_shared>> -> memref<80x128xf32, #tpu.memory_space<vmem_shared>>
      %dma_start3A_71 = arith.constant 0 : i32
      %dma_start3A_72 = tpu.memref_slice %arg21[%add3A_43, %dma_start3A_71] : memref<10240x128xf32, #tpu.memory_space<vmem_shared>> -> memref<80x128xf32, #tpu.memory_space<vmem_shared>>
      tpu.enqueue_dma source(%arg12 : memref<80x128xf32, #tpu.memory_space<vmem>>) target(%dma_start3A_72 : memref<80x128xf32, #tpu.memory_space<vmem_shared>>) target_semaphore(%run_scoped3A : memref<!tpu.dma_semaphore, #tpu.memory_space<semaphore_mem>>)
      %dma_wait3A = arith.constant 0 : i32
      %dma_wait3A_73 = tpu.memref_slice %arg21[%add3A_43, %dma_wait3A] : memref<10240x128xf32, #tpu.memory_space<vmem_shared>> -> memref<80x128xf32, #tpu.memory_space<vmem_shared>>
      %dma_wait3A_74 = arith.constant 0 : i32
      %dma_wait3A_75 = tpu.memref_slice %arg21[%add3A_43, %dma_wait3A_74] : memref<10240x128xf32, #tpu.memory_space<vmem_shared>> -> memref<80x128xf32, #tpu.memory_space<vmem_shared>>
      tpu.wait_dma2 semaphore(%run_scoped3A : memref<!tpu.dma_semaphore, #tpu.memory_space<semaphore_mem>>) src(%arg12 : memref<80x128xf32, #tpu.memory_space<vmem>>) dst(%dma_wait3A_75 : memref<80x128xf32, #tpu.memory_space<vmem_shared>>)
      tpu.yield
    }) : () -> ()
    %mul3A_44 = arith.constant 640 : i32
    %mul3A_45 = arith.muli %arg1, %mul3A_44 : i32
    %add3A_46 = arith.constant 480 : i32
    %add3A_47 = arith.addi %mul3A_45, %add3A_46 : i32
    "tpu.region"() ({
      %run_scoped3A = tpu.sem_alloc : memref<!tpu.dma_semaphore, #tpu.memory_space<semaphore_mem>>
      %dma_start3A = arith.constant 0 : i32
      %dma_start3A_70 = tpu.memref_slice %arg21[%add3A_47, %dma_start3A] : memref<10240x128xf32, #tpu.memory_space<vmem_shared>> -> memref<80x128xf32, #tpu.memory_space<vmem_shared>>
      %dma_start3A_71 = arith.constant 0 : i32
      %dma_start3A_72 = tpu.memref_slice %arg21[%add3A_47, %dma_start3A_71] : memref<10240x128xf32, #tpu.memory_space<vmem_shared>> -> memref<80x128xf32, #tpu.memory_space<vmem_shared>>
      tpu.enqueue_dma source(%arg12 : memref<80x128xf32, #tpu.memory_space<vmem>>) target(%dma_start3A_72 : memref<80x128xf32, #tpu.memory_space<vmem_shared>>) target_semaphore(%run_scoped3A : memref<!tpu.dma_semaphore, #tpu.memory_space<semaphore_mem>>)
      %dma_wait3A = arith.constant 0 : i32
      %dma_wait3A_73 = tpu.memref_slice %arg21[%add3A_47, %dma_wait3A] : memref<10240x128xf32, #tpu.memory_space<vmem_shared>> -> memref<80x128xf32, #tpu.memory_space<vmem_shared>>
      %dma_wait3A_74 = arith.constant 0 : i32
      %dma_wait3A_75 = tpu.memref_slice %arg21[%add3A_47, %dma_wait3A_74] : memref<10240x128xf32, #tpu.memory_space<vmem_shared>> -> memref<80x128xf32, #tpu.memory_space<vmem_shared>>
      tpu.wait_dma2 semaphore(%run_scoped3A : memref<!tpu.dma_semaphore, #tpu.memory_space<semaphore_mem>>) src(%arg12 : memref<80x128xf32, #tpu.memory_space<vmem>>) dst(%dma_wait3A_75 : memref<80x128xf32, #tpu.memory_space<vmem_shared>>)
      tpu.yield
    }) : () -> ()
    %mul3A_48 = arith.constant 640 : i32
    %mul3A_49 = arith.muli %arg1, %mul3A_48 : i32
    %add3A_50 = arith.constant 560 : i32
    %add3A_51 = arith.addi %mul3A_49, %add3A_50 : i32
    "tpu.region"() ({
      %run_scoped3A = tpu.sem_alloc : memref<!tpu.dma_semaphore, #tpu.memory_space<semaphore_mem>>
      %dma_start3A = arith.constant 0 : i32
      %dma_start3A_70 = tpu.memref_slice %arg21[%add3A_51, %dma_start3A] : memref<10240x128xf32, #tpu.memory_space<vmem_shared>> -> memref<80x128xf32, #tpu.memory_space<vmem_shared>>
      %dma_start3A_71 = arith.constant 0 : i32
      %dma_start3A_72 = tpu.memref_slice %arg21[%add3A_51, %dma_start3A_71] : memref<10240x128xf32, #tpu.memory_space<vmem_shared>> -> memref<80x128xf32, #tpu.memory_space<vmem_shared>>
      tpu.enqueue_dma source(%arg12 : memref<80x128xf32, #tpu.memory_space<vmem>>) target(%dma_start3A_72 : memref<80x128xf32, #tpu.memory_space<vmem_shared>>) target_semaphore(%run_scoped3A : memref<!tpu.dma_semaphore, #tpu.memory_space<semaphore_mem>>)
      %dma_wait3A = arith.constant 0 : i32
      %dma_wait3A_73 = tpu.memref_slice %arg21[%add3A_51, %dma_wait3A] : memref<10240x128xf32, #tpu.memory_space<vmem_shared>> -> memref<80x128xf32, #tpu.memory_space<vmem_shared>>
      %dma_wait3A_74 = arith.constant 0 : i32
      %dma_wait3A_75 = tpu.memref_slice %arg21[%add3A_51, %dma_wait3A_74] : memref<10240x128xf32, #tpu.memory_space<vmem_shared>> -> memref<80x128xf32, #tpu.memory_space<vmem_shared>>
      tpu.wait_dma2 semaphore(%run_scoped3A : memref<!tpu.dma_semaphore, #tpu.memory_space<semaphore_mem>>) src(%arg12 : memref<80x128xf32, #tpu.memory_space<vmem>>) dst(%dma_wait3A_75 : memref<80x128xf32, #tpu.memory_space<vmem_shared>>)
      tpu.yield
    }) : () -> ()
    %mul3A_52 = arith.constant 640 : i32
    %mul3A_53 = arith.muli %arg1, %mul3A_52 : i32
    "tpu.region"() ({
      %run_scoped3A = tpu.sem_alloc : memref<!tpu.dma_semaphore, #tpu.memory_space<semaphore_mem>>
      %dma_start3A = tpu.memref_slice %arg22[%mul3A_53] : memref<10240xf32, #tpu.memory_space<vmem_shared>> -> memref<640xf32, #tpu.memory_space<vmem_shared>>
      %dma_start3A_70 = tpu.memref_slice %arg22[%mul3A_53] : memref<10240xf32, #tpu.memory_space<vmem_shared>> -> memref<640xf32, #tpu.memory_space<vmem_shared>>
      tpu.enqueue_dma source(%arg20 : memref<640xf32, #tpu.memory_space<vmem>>) target(%dma_start3A_70 : memref<640xf32, #tpu.memory_space<vmem_shared>>) target_semaphore(%run_scoped3A : memref<!tpu.dma_semaphore, #tpu.memory_space<semaphore_mem>>)
      %dma_wait3A = tpu.memref_slice %arg22[%mul3A_53] : memref<10240xf32, #tpu.memory_space<vmem_shared>> -> memref<640xf32, #tpu.memory_space<vmem_shared>>
      %dma_wait3A_71 = tpu.memref_slice %arg22[%mul3A_53] : memref<10240xf32, #tpu.memory_space<vmem_shared>> -> memref<640xf32, #tpu.memory_space<vmem_shared>>
      tpu.wait_dma2 semaphore(%run_scoped3A : memref<!tpu.dma_semaphore, #tpu.memory_space<semaphore_mem>>) src(%arg20 : memref<640xf32, #tpu.memory_space<vmem>>) dst(%dma_wait3A_71 : memref<640xf32, #tpu.memory_space<vmem_shared>>)
      tpu.yield
    }) : () -> ()
    %barrier3A = arith.constant 0 : index
    tpu.barrier barrier_id(%barrier3A)
    %get3A = arith.constant 0 : index
    %get3A_54 = tpu.vector_load %arg19[%get3A] {strides = array<i32>} : memref<16xf32, #tpu.memory_space<vmem>>, vector<16xf32>,
    %scan3A_55 = arith.constant 0 : i32
    %scan3A_56 = arith.constant 0 : i32
    %scan3A_57 = arith.constant 5 : i32
    %scan3A_58 = arith.addi %scan3A_56, %scan3A_57 : i32
    %scan3A_59 = arith.constant 1 : i32
    scf.for %scan3A_70 = %scan3A_56 to %scan3A_58 step %scan3A_59  : i32 {
      %dma_start3A = arith.constant 0 : i32
      %dma_start3A_71 = arith.constant 0 : i32
      %dma_start3A_72 = tpu.memref_slice %arg2[%add3A, %scan3A_70, %dma_start3A, %dma_start3A_71] : memref<32x5x25x80xi32, #tpu.memory_space<hbm>> -> memref<1x1x25x80xi32, #tpu.memory_space<hbm>>
      %dma_start3A_73 = tpu.memref_squeeze %dma_start3A_72 : memref<1x1x25x80xi32, #tpu.memory_space<hbm>> -> memref<25x80xi32, #tpu.memory_space<hbm>>
      %dma_start3A_74 = arith.constant 0 : i32
      %dma_start3A_75 = arith.constant 0 : i32
      %dma_start3A_76 = tpu.memref_slice %arg2[%add3A, %scan3A_70, %dma_start3A_74, %dma_start3A_75] : memref<32x5x25x80xi32, #tpu.memory_space<hbm>> -> memref<1x1x25x80xi32, #tpu.memory_space<hbm>>
      %dma_start3A_77 = tpu.memref_squeeze %dma_start3A_76 : memref<1x1x25x80xi32, #tpu.memory_space<hbm>> -> memref<25x80xi32, #tpu.memory_space<hbm>>
      tpu.enqueue_dma source(%dma_start3A_77 : memref<25x80xi32, #tpu.memory_space<hbm>>) target(%arg10 : memref<25x80xi32, #tpu.memory_space<vmem>>) target_semaphore(%arg25 : memref<!tpu.dma_semaphore, #tpu.memory_space<semaphore_mem>>)
      %dma_start3A_78 = arith.constant 0 : i32
      %dma_start3A_79 = arith.constant 0 : i32
      %dma_start3A_80 = tpu.memref_slice %arg3[%add3A, %scan3A_70, %dma_start3A_78, %dma_start3A_79] : memref<32x5x25x80xi32, #tpu.memory_space<hbm>> -> memref<1x1x25x80xi32, #tpu.memory_space<hbm>>
      %dma_start3A_81 = tpu.memref_squeeze %dma_start3A_80 : memref<1x1x25x80xi32, #tpu.memory_space<hbm>> -> memref<25x80xi32, #tpu.memory_space<hbm>>
      %dma_start3A_82 = arith.constant 0 : i32
      %dma_start3A_83 = arith.constant 0 : i32
      %dma_start3A_84 = tpu.memref_slice %arg3[%add3A, %scan3A_70, %dma_start3A_82, %dma_start3A_83] : memref<32x5x25x80xi32, #tpu.memory_space<hbm>> -> memref<1x1x25x80xi32, #tpu.memory_space<hbm>>
      %dma_start3A_85 = tpu.memref_squeeze %dma_start3A_84 : memref<1x1x25x80xi32, #tpu.memory_space<hbm>> -> memref<25x80xi32, #tpu.memory_space<hbm>>
      tpu.enqueue_dma source(%dma_start3A_85 : memref<25x80xi32, #tpu.memory_space<hbm>>) target(%arg11 : memref<25x80xi32, #tpu.memory_space<vmem>>) target_semaphore(%arg26 : memref<!tpu.dma_semaphore, #tpu.memory_space<semaphore_mem>>)
      %dma_wait3A = arith.constant 0 : i32
      %dma_wait3A_86 = arith.constant 0 : i32
      %dma_wait3A_87 = tpu.memref_slice %arg2[%add3A, %scan3A_70, %dma_wait3A, %dma_wait3A_86] : memref<32x5x25x80xi32, #tpu.memory_space<hbm>> -> memref<1x1x25x80xi32, #tpu.memory_space<hbm>>
      %dma_wait3A_88 = tpu.memref_squeeze %dma_wait3A_87 : memref<1x1x25x80xi32, #tpu.memory_space<hbm>> -> memref<25x80xi32, #tpu.memory_space<hbm>>
      %dma_wait3A_89 = arith.constant 0 : i32
      %dma_wait3A_90 = arith.constant 0 : i32
      %dma_wait3A_91 = tpu.memref_slice %arg2[%add3A, %scan3A_70, %dma_wait3A_89, %dma_wait3A_90] : memref<32x5x25x80xi32, #tpu.memory_space<hbm>> -> memref<1x1x25x80xi32, #tpu.memory_space<hbm>>
      %dma_wait3A_92 = tpu.memref_squeeze %dma_wait3A_91 : memref<1x1x25x80xi32, #tpu.memory_space<hbm>> -> memref<25x80xi32, #tpu.memory_space<hbm>>
      tpu.wait_dma2 semaphore(%arg25 : memref<!tpu.dma_semaphore, #tpu.memory_space<semaphore_mem>>) src(%dma_wait3A_92 : memref<25x80xi32, #tpu.memory_space<hbm>>) dst(%arg10 : memref<25x80xi32, #tpu.memory_space<vmem>>)
      %dma_wait3A_93 = arith.constant 0 : i32
      %dma_wait3A_94 = arith.constant 0 : i32
      %dma_wait3A_95 = tpu.memref_slice %arg3[%add3A, %scan3A_70, %dma_wait3A_93, %dma_wait3A_94] : memref<32x5x25x80xi32, #tpu.memory_space<hbm>> -> memref<1x1x25x80xi32, #tpu.memory_space<hbm>>
      %dma_wait3A_96 = tpu.memref_squeeze %dma_wait3A_95 : memref<1x1x25x80xi32, #tpu.memory_space<hbm>> -> memref<25x80xi32, #tpu.memory_space<hbm>>
      %dma_wait3A_97 = arith.constant 0 : i32
      %dma_wait3A_98 = arith.constant 0 : i32
      %dma_wait3A_99 = tpu.memref_slice %arg3[%add3A, %scan3A_70, %dma_wait3A_97, %dma_wait3A_98] : memref<32x5x25x80xi32, #tpu.memory_space<hbm>> -> memref<1x1x25x80xi32, #tpu.memory_space<hbm>>
      %dma_wait3A_100 = tpu.memref_squeeze %dma_wait3A_99 : memref<1x1x25x80xi32, #tpu.memory_space<hbm>> -> memref<25x80xi32, #tpu.memory_space<hbm>>
      tpu.wait_dma2 semaphore(%arg26 : memref<!tpu.dma_semaphore, #tpu.memory_space<semaphore_mem>>) src(%dma_wait3A_100 : memref<25x80xi32, #tpu.memory_space<hbm>>) dst(%arg11 : memref<25x80xi32, #tpu.memory_space<vmem>>)
      %dma_start3A_101 = arith.constant 0 : i32
      %dma_start3A_102 = arith.constant 0 : i32
      %dma_start3A_103 = tpu.memref_slice %arg10[%dma_start3A_101, %dma_start3A_102] : memref<25x80xi32, #tpu.memory_space<vmem>> -> memref<1x80xi32, #tpu.memory_space<vmem>>
      %dma_start3A_104 = tpu.memref_squeeze %dma_start3A_103 : memref<1x80xi32, #tpu.memory_space<vmem>> -> memref<80xi32, #tpu.memory_space<vmem>>
      %dma_start3A_105 = arith.constant 0 : i32
      %dma_start3A_106 = arith.constant 0 : i32
      %dma_start3A_107 = tpu.memref_slice %arg7[%dma_start3A_105, %dma_start3A_106] : memref<10240x128xf32, #tpu.memory_space<hbm>> -> memref<10240x128xf32, #tpu.memory_space<hbm>>
      tpu.enqueue_indirect_dma source(%dma_start3A_107 : memref<10240x128xf32, #tpu.memory_space<hbm>>) target(%arg12 : memref<80x128xf32, #tpu.memory_space<vmem>>) offsets(%dma_start3A_104 : memref<80xi32, #tpu.memory_space<vmem>>) semaphore(%arg25 : memref<!tpu.dma_semaphore, #tpu.memory_space<semaphore_mem>>)
      %dma_start3A_108 = arith.constant 0 : i32
      %dma_start3A_109 = arith.constant 0 : i32
      %dma_start3A_110 = tpu.memref_slice %arg10[%dma_start3A_108, %dma_start3A_109] : memref<25x80xi32, #tpu.memory_space<vmem>> -> memref<1x80xi32, #tpu.memory_space<vmem>>
      %dma_start3A_111 = tpu.memref_squeeze %dma_start3A_110 : memref<1x80xi32, #tpu.memory_space<vmem>> -> memref<80xi32, #tpu.memory_space<vmem>>
      %dma_start3A_112 = arith.constant 0 : i32
      %dma_start3A_113 = tpu.memref_slice %arg23[%dma_start3A_112] : memref<10240xf32, #tpu.memory_space<vmem_shared>> -> memref<10240xf32, #tpu.memory_space<vmem_shared>>
      tpu.enqueue_indirect_dma source(%dma_start3A_113 : memref<10240xf32, #tpu.memory_space<vmem_shared>>) target(%arg14 : memref<80xf32, #tpu.memory_space<vmem>>) offsets(%dma_start3A_111 : memref<80xi32, #tpu.memory_space<vmem>>) semaphore(%arg27 : memref<!tpu.dma_semaphore, #tpu.memory_space<semaphore_mem>>)
      %dma_start3A_114 = arith.constant 0 : i32
      %dma_start3A_115 = arith.constant 0 : i32
      %dma_start3A_116 = tpu.memref_slice %arg11[%dma_start3A_114, %dma_start3A_115] : memref<25x80xi32, #tpu.memory_space<vmem>> -> memref<1x80xi32, #tpu.memory_space<vmem>>
      %dma_start3A_117 = tpu.memref_squeeze %dma_start3A_116 : memref<1x80xi32, #tpu.memory_space<vmem>> -> memref<80xi32, #tpu.memory_space<vmem>>
      %dma_start3A_118 = arith.constant 0 : i32
      %dma_start3A_119 = tpu.memref_slice %arg24[%dma_start3A_118] : memref<10240xf32, #tpu.memory_space<vmem_shared>> -> memref<10240xf32, #tpu.memory_space<vmem_shared>>
      tpu.enqueue_indirect_dma source(%dma_start3A_119 : memref<10240xf32, #tpu.memory_space<vmem_shared>>) target(%arg15 : memref<80xf32, #tpu.memory_space<vmem>>) offsets(%dma_start3A_117 : memref<80xi32, #tpu.memory_space<vmem>>) semaphore(%arg27 : memref<!tpu.dma_semaphore, #tpu.memory_space<semaphore_mem>>)
      %scan3A_120 = arith.constant 0 : i32
      %scan3A_121 = arith.constant 0 : i32
      %scan3A_122 = arith.constant 12 : i32
      %scan3A_123 = arith.addi %scan3A_121, %scan3A_122 : i32
      %scan3A_124 = arith.constant 1 : i32
      scf.for %scan3A_325 = %scan3A_121 to %scan3A_123 step %scan3A_124  : i32 {
        %mul3A_326 = arith.constant 2 : i32
        %mul3A_327 = arith.muli %mul3A_326, %scan3A_325 : i32
        %mul3A_328 = arith.constant 2 : i32
        %mul3A_329 = arith.muli %mul3A_328, %scan3A_325 : i32
        %add3A_330 = arith.constant 1 : i32
        %add3A_331 = arith.addi %mul3A_329, %add3A_330 : i32
        %dma_start3A_332 = arith.constant 0 : i32
        %dma_start3A_333 = tpu.memref_slice %arg10[%add3A_331, %dma_start3A_332] : memref<25x80xi32, #tpu.memory_space<vmem>> -> memref<1x80xi32, #tpu.memory_space<vmem>>
        %dma_start3A_334 = tpu.memref_squeeze %dma_start3A_333 : memref<1x80xi32, #tpu.memory_space<vmem>> -> memref<80xi32, #tpu.memory_space<vmem>>
        %dma_start3A_335 = arith.constant 0 : i32
        %dma_start3A_336 = arith.constant 0 : i32
        %dma_start3A_337 = tpu.memref_slice %arg7[%dma_start3A_335, %dma_start3A_336] : memref<10240x128xf32, #tpu.memory_space<hbm>> -> memref<10240x128xf32, #tpu.memory_space<hbm>>
        tpu.enqueue_indirect_dma source(%dma_start3A_337 : memref<10240x128xf32, #tpu.memory_space<hbm>>) target(%arg13 : memref<80x128xf32, #tpu.memory_space<vmem>>) offsets(%dma_start3A_334 : memref<80xi32, #tpu.memory_space<vmem>>) semaphore(%arg26 : memref<!tpu.dma_semaphore, #tpu.memory_space<semaphore_mem>>)
        %dma_start3A_338 = arith.constant 0 : i32
        %dma_start3A_339 = tpu.memref_slice %arg10[%add3A_331, %dma_start3A_338] : memref<25x80xi32, #tpu.memory_space<vmem>> -> memref<1x80xi32, #tpu.memory_space<vmem>>
        %dma_start3A_340 = tpu.memref_squeeze %dma_start3A_339 : memref<1x80xi32, #tpu.memory_space<vmem>> -> memref<80xi32, #tpu.memory_space<vmem>>
        %dma_start3A_341 = arith.constant 0 : i32
        %dma_start3A_342 = tpu.memref_slice %arg23[%dma_start3A_341] : memref<10240xf32, #tpu.memory_space<vmem_shared>> -> memref<10240xf32, #tpu.memory_space<vmem_shared>>
        tpu.enqueue_indirect_dma source(%dma_start3A_342 : memref<10240xf32, #tpu.memory_space<vmem_shared>>) target(%arg16 : memref<80xf32, #tpu.memory_space<vmem>>) offsets(%dma_start3A_340 : memref<80xi32, #tpu.memory_space<vmem>>) semaphore(%arg28 : memref<!tpu.dma_semaphore, #tpu.memory_space<semaphore_mem>>)
        %dma_start3A_343 = arith.constant 0 : i32
        %dma_start3A_344 = tpu.memref_slice %arg11[%add3A_331, %dma_start3A_343] : memref<25x80xi32, #tpu.memory_space<vmem>> -> memref<1x80xi32, #tpu.memory_space<vmem>>
        %dma_start3A_345 = tpu.memref_squeeze %dma_start3A_344 : memref<1x80xi32, #tpu.memory_space<vmem>> -> memref<80xi32, #tpu.memory_space<vmem>>
        %dma_start3A_346 = arith.constant 0 : i32
        %dma_start3A_347 = tpu.memref_slice %arg24[%dma_start3A_346] : memref<10240xf32, #tpu.memory_space<vmem_shared>> -> memref<10240xf32, #tpu.memory_space<vmem_shared>>
        tpu.enqueue_indirect_dma source(%dma_start3A_347 : memref<10240xf32, #tpu.memory_space<vmem_shared>>) target(%arg17 : memref<80xf32, #tpu.memory_space<vmem>>) offsets(%dma_start3A_345 : memref<80xi32, #tpu.memory_space<vmem>>) semaphore(%arg28 : memref<!tpu.dma_semaphore, #tpu.memory_space<semaphore_mem>>)
        %dma_wait3A_348 = arith.constant 0 : i32
        %dma_wait3A_349 = tpu.memref_slice %arg10[%mul3A_327, %dma_wait3A_348] : memref<25x80xi32, #tpu.memory_space<vmem>> -> memref<1x80xi32, #tpu.memory_space<vmem>>
        %dma_wait3A_350 = tpu.memref_squeeze %dma_wait3A_349 : memref<1x80xi32, #tpu.memory_space<vmem>> -> memref<80xi32, #tpu.memory_space<vmem>>
        %dma_wait3A_351 = arith.constant 0 : i32
        %dma_wait3A_352 = tpu.memref_slice %arg23[%dma_wait3A_351] : memref<10240xf32, #tpu.memory_space<vmem_shared>> -> memref<10240xf32, #tpu.memory_space<vmem_shared>>
        tpu.wait_indirect_dma semaphore(%arg27 : memref<!tpu.dma_semaphore, #tpu.memory_space<semaphore_mem>>) src(%dma_wait3A_352 : memref<10240xf32, #tpu.memory_space<vmem_shared>>) dst(%arg14 : memref<80xf32, #tpu.memory_space<vmem>>)
        %dma_wait3A_353 = arith.constant 0 : i32
        %dma_wait3A_354 = tpu.memref_slice %arg11[%mul3A_327, %dma_wait3A_353] : memref<25x80xi32, #tpu.memory_space<vmem>> -> memref<1x80xi32, #tpu.memory_space<vmem>>
        %dma_wait3A_355 = tpu.memref_squeeze %dma_wait3A_354 : memref<1x80xi32, #tpu.memory_space<vmem>> -> memref<80xi32, #tpu.memory_space<vmem>>
        %dma_wait3A_356 = arith.constant 0 : i32
        %dma_wait3A_357 = tpu.memref_slice %arg24[%dma_wait3A_356] : memref<10240xf32, #tpu.memory_space<vmem_shared>> -> memref<10240xf32, #tpu.memory_space<vmem_shared>>
        tpu.wait_indirect_dma semaphore(%arg27 : memref<!tpu.dma_semaphore, #tpu.memory_space<semaphore_mem>>) src(%dma_wait3A_357 : memref<10240xf32, #tpu.memory_space<vmem_shared>>) dst(%arg15 : memref<80xf32, #tpu.memory_space<vmem>>)
        %get3A_358 = arith.index_cast %mul3A_327 : i32 to index
        %get3A_359 = arith.constant 0 : index
        %get3A_360 = tpu.vector_load %arg10[%get3A_358, %get3A_359] {strides = array<i32>} : memref<25x80xi32, #tpu.memory_space<vmem>>, vector<16xi32>,
        %get3A_361 = arith.index_cast %mul3A_327 : i32 to index
        %get3A_362 = arith.constant 0 : index
        %get3A_363 = tpu.vector_load %arg11[%get3A_361, %get3A_362] {strides = array<i32>} : memref<25x80xi32, #tpu.memory_space<vmem>>, vector<16xi32>,
        %get3A_364 = arith.constant 0 : index
        %get3A_365 = tpu.vector_load %arg14[%get3A_364] {strides = array<i32>} : memref<80xf32, #tpu.memory_space<vmem>>, vector<16xf32>,
        %get3A_366 = arith.constant 0 : index
        %get3A_367 = tpu.vector_load %arg15[%get3A_366] {strides = array<i32>} : memref<80xf32, #tpu.memory_space<vmem>>, vector<16xf32>,
        %add3A_368 = arith.addf %get3A_365, %get3A_367 : vector<16xf32>
        %ge3A_369 = arith.constant 0.000000e+00 : f32
        %ge3A_370 = vector.broadcast %ge3A_369 : f32 to vector<16xf32>
        %ge3A_371 = arith.cmpf oge, %add3A_368, %ge3A_370 : vector<16xf32>
        %mul3A_372 = arith.constant 2.000000e-01 : f32
        %mul3A_373 = vector.broadcast %mul3A_372 : f32 to vector<16xf32>
        %mul3A_374 = arith.mulf %mul3A_373, %add3A_368 : vector<16xf32>
        %select_n3A_375 = arith.select %ge3A_371, %add3A_368, %mul3A_374 : vector<16xi1>, vector<16xf32>
        %sub3A_376 = arith.subf %select_n3A_375, %get3A_54 : vector<16xf32>
        %exp3A_377 = math.exp %sub3A_376 : vector<16xf32>
        %ne3A_378 = arith.cmpi ne, %get3A_360, %get3A_363 : vector<16xi32>
        %jit3A_379 = arith.constant 0.000000e+00 : f32
        %broadcast_in_dim3A_380 = vector.broadcast %jit3A_379 : f32 to vector<16xf32>
        %select_n3A_381 = arith.select %ne3A_378, %exp3A_377, %broadcast_in_dim3A_380 : vector<16xi1>, vector<16xf32>
        %swap3A_382 = arith.index_cast %mul3A_327 : i32 to index
        %swap3A_383 = arith.constant 0 : index
        %swap3A_384 = tpu.vector_load %arg18[%swap3A_382, %swap3A_383] {strides = array<i32>} : memref<25x80xf32, #tpu.memory_space<vmem>>, vector<16xf32>,
        tpu.vector_store %arg18[%swap3A_382, %swap3A_383], %select_n3A_381 {strides = array<i32>} : memref<25x80xf32, #tpu.memory_space<vmem>>, vector<16xf32>,
        %get3A_385 = arith.index_cast %mul3A_327 : i32 to index
        %get3A_386 = arith.constant 16 : index
        %get3A_387 = tpu.vector_load %arg10[%get3A_385, %get3A_386] {strides = array<i32>} : memref<25x80xi32, #tpu.memory_space<vmem>>, vector<16xi32>,
        %get3A_388 = arith.index_cast %mul3A_327 : i32 to index
        %get3A_389 = arith.constant 16 : index
        %get3A_390 = tpu.vector_load %arg11[%get3A_388, %get3A_389] {strides = array<i32>} : memref<25x80xi32, #tpu.memory_space<vmem>>, vector<16xi32>,
        %get3A_391 = arith.constant 16 : index
        %get3A_392 = tpu.vector_load %arg14[%get3A_391] {strides = array<i32>} : memref<80xf32, #tpu.memory_space<vmem>>, vector<16xf32>,
        %get3A_393 = arith.constant 16 : index
        %get3A_394 = tpu.vector_load %arg15[%get3A_393] {strides = array<i32>} : memref<80xf32, #tpu.memory_space<vmem>>, vector<16xf32>,
        %add3A_395 = arith.addf %get3A_392, %get3A_394 : vector<16xf32>
        %ge3A_396 = arith.constant 0.000000e+00 : f32
        %ge3A_397 = vector.broadcast %ge3A_396 : f32 to vector<16xf32>
        %ge3A_398 = arith.cmpf oge, %add3A_395, %ge3A_397 : vector<16xf32>
        %mul3A_399 = arith.constant 2.000000e-01 : f32
        %mul3A_400 = vector.broadcast %mul3A_399 : f32 to vector<16xf32>
        %mul3A_401 = arith.mulf %mul3A_400, %add3A_395 : vector<16xf32>
        %select_n3A_402 = arith.select %ge3A_398, %add3A_395, %mul3A_401 : vector<16xi1>, vector<16xf32>
        %sub3A_403 = arith.subf %select_n3A_402, %get3A_54 : vector<16xf32>
        %exp3A_404 = math.exp %sub3A_403 : vector<16xf32>
        %ne3A_405 = arith.cmpi ne, %get3A_387, %get3A_390 : vector<16xi32>
        %jit3A_406 = arith.constant 0.000000e+00 : f32
        %broadcast_in_dim3A_407 = vector.broadcast %jit3A_406 : f32 to vector<16xf32>
        %select_n3A_408 = arith.select %ne3A_405, %exp3A_404, %broadcast_in_dim3A_407 : vector<16xi1>, vector<16xf32>
        %swap3A_409 = arith.index_cast %mul3A_327 : i32 to index
        %swap3A_410 = arith.constant 16 : index
        %swap3A_411 = tpu.vector_load %arg18[%swap3A_409, %swap3A_410] {strides = array<i32>} : memref<25x80xf32, #tpu.memory_space<vmem>>, vector<16xf32>,
        tpu.vector_store %arg18[%swap3A_409, %swap3A_410], %select_n3A_408 {strides = array<i32>} : memref<25x80xf32, #tpu.memory_space<vmem>>, vector<16xf32>,
        %get3A_412 = arith.index_cast %mul3A_327 : i32 to index
        %get3A_413 = arith.constant 32 : index
        %get3A_414 = tpu.vector_load %arg10[%get3A_412, %get3A_413] {strides = array<i32>} : memref<25x80xi32, #tpu.memory_space<vmem>>, vector<16xi32>,
        %get3A_415 = arith.index_cast %mul3A_327 : i32 to index
        %get3A_416 = arith.constant 32 : index
        %get3A_417 = tpu.vector_load %arg11[%get3A_415, %get3A_416] {strides = array<i32>} : memref<25x80xi32, #tpu.memory_space<vmem>>, vector<16xi32>,
        %get3A_418 = arith.constant 32 : index
        %get3A_419 = tpu.vector_load %arg14[%get3A_418] {strides = array<i32>} : memref<80xf32, #tpu.memory_space<vmem>>, vector<16xf32>,
        %get3A_420 = arith.constant 32 : index
        %get3A_421 = tpu.vector_load %arg15[%get3A_420] {strides = array<i32>} : memref<80xf32, #tpu.memory_space<vmem>>, vector<16xf32>,
        %add3A_422 = arith.addf %get3A_419, %get3A_421 : vector<16xf32>
        %ge3A_423 = arith.constant 0.000000e+00 : f32
        %ge3A_424 = vector.broadcast %ge3A_423 : f32 to vector<16xf32>
        %ge3A_425 = arith.cmpf oge, %add3A_422, %ge3A_424 : vector<16xf32>
        %mul3A_426 = arith.constant 2.000000e-01 : f32
        %mul3A_427 = vector.broadcast %mul3A_426 : f32 to vector<16xf32>
        %mul3A_428 = arith.mulf %mul3A_427, %add3A_422 : vector<16xf32>
        %select_n3A_429 = arith.select %ge3A_425, %add3A_422, %mul3A_428 : vector<16xi1>, vector<16xf32>
        %sub3A_430 = arith.subf %select_n3A_429, %get3A_54 : vector<16xf32>
        %exp3A_431 = math.exp %sub3A_430 : vector<16xf32>
        %ne3A_432 = arith.cmpi ne, %get3A_414, %get3A_417 : vector<16xi32>
        %jit3A_433 = arith.constant 0.000000e+00 : f32
        %broadcast_in_dim3A_434 = vector.broadcast %jit3A_433 : f32 to vector<16xf32>
        %select_n3A_435 = arith.select %ne3A_432, %exp3A_431, %broadcast_in_dim3A_434 : vector<16xi1>, vector<16xf32>
        %swap3A_436 = arith.index_cast %mul3A_327 : i32 to index
        %swap3A_437 = arith.constant 32 : index
        %swap3A_438 = tpu.vector_load %arg18[%swap3A_436, %swap3A_437] {strides = array<i32>} : memref<25x80xf32, #tpu.memory_space<vmem>>, vector<16xf32>,
        tpu.vector_store %arg18[%swap3A_436, %swap3A_437], %select_n3A_435 {strides = array<i32>} : memref<25x80xf32, #tpu.memory_space<vmem>>, vector<16xf32>,
        %get3A_439 = arith.index_cast %mul3A_327 : i32 to index
        %get3A_440 = arith.constant 48 : index
        %get3A_441 = tpu.vector_load %arg10[%get3A_439, %get3A_440] {strides = array<i32>} : memref<25x80xi32, #tpu.memory_space<vmem>>, vector<16xi32>,
        %get3A_442 = arith.index_cast %mul3A_327 : i32 to index
        %get3A_443 = arith.constant 48 : index
        %get3A_444 = tpu.vector_load %arg11[%get3A_442, %get3A_443] {strides = array<i32>} : memref<25x80xi32, #tpu.memory_space<vmem>>, vector<16xi32>,
        %get3A_445 = arith.constant 48 : index
        %get3A_446 = tpu.vector_load %arg14[%get3A_445] {strides = array<i32>} : memref<80xf32, #tpu.memory_space<vmem>>, vector<16xf32>,
        %get3A_447 = arith.constant 48 : index
        %get3A_448 = tpu.vector_load %arg15[%get3A_447] {strides = array<i32>} : memref<80xf32, #tpu.memory_space<vmem>>, vector<16xf32>,
        %add3A_449 = arith.addf %get3A_446, %get3A_448 : vector<16xf32>
        %ge3A_450 = arith.constant 0.000000e+00 : f32
        %ge3A_451 = vector.broadcast %ge3A_450 : f32 to vector<16xf32>
        %ge3A_452 = arith.cmpf oge, %add3A_449, %ge3A_451 : vector<16xf32>
        %mul3A_453 = arith.constant 2.000000e-01 : f32
        %mul3A_454 = vector.broadcast %mul3A_453 : f32 to vector<16xf32>
        %mul3A_455 = arith.mulf %mul3A_454, %add3A_449 : vector<16xf32>
        %select_n3A_456 = arith.select %ge3A_452, %add3A_449, %mul3A_455 : vector<16xi1>, vector<16xf32>
        %sub3A_457 = arith.subf %select_n3A_456, %get3A_54 : vector<16xf32>
        %exp3A_458 = math.exp %sub3A_457 : vector<16xf32>
        %ne3A_459 = arith.cmpi ne, %get3A_441, %get3A_444 : vector<16xi32>
        %jit3A_460 = arith.constant 0.000000e+00 : f32
        %broadcast_in_dim3A_461 = vector.broadcast %jit3A_460 : f32 to vector<16xf32>
        %select_n3A_462 = arith.select %ne3A_459, %exp3A_458, %broadcast_in_dim3A_461 : vector<16xi1>, vector<16xf32>
        %swap3A_463 = arith.index_cast %mul3A_327 : i32 to index
        %swap3A_464 = arith.constant 48 : index
        %swap3A_465 = tpu.vector_load %arg18[%swap3A_463, %swap3A_464] {strides = array<i32>} : memref<25x80xf32, #tpu.memory_space<vmem>>, vector<16xf32>,
        tpu.vector_store %arg18[%swap3A_463, %swap3A_464], %select_n3A_462 {strides = array<i32>} : memref<25x80xf32, #tpu.memory_space<vmem>>, vector<16xf32>,
        %get3A_466 = arith.index_cast %mul3A_327 : i32 to index
        %get3A_467 = arith.constant 64 : index
        %get3A_468 = tpu.vector_load %arg10[%get3A_466, %get3A_467] {strides = array<i32>} : memref<25x80xi32, #tpu.memory_space<vmem>>, vector<16xi32>,
        %get3A_469 = arith.index_cast %mul3A_327 : i32 to index
        %get3A_470 = arith.constant 64 : index
        %get3A_471 = tpu.vector_load %arg11[%get3A_469, %get3A_470] {strides = array<i32>} : memref<25x80xi32, #tpu.memory_space<vmem>>, vector<16xi32>,
        %get3A_472 = arith.constant 64 : index
        %get3A_473 = tpu.vector_load %arg14[%get3A_472] {strides = array<i32>} : memref<80xf32, #tpu.memory_space<vmem>>, vector<16xf32>,
        %get3A_474 = arith.constant 64 : index
        %get3A_475 = tpu.vector_load %arg15[%get3A_474] {strides = array<i32>} : memref<80xf32, #tpu.memory_space<vmem>>, vector<16xf32>,
        %add3A_476 = arith.addf %get3A_473, %get3A_475 : vector<16xf32>
        %ge3A_477 = arith.constant 0.000000e+00 : f32
        %ge3A_478 = vector.broadcast %ge3A_477 : f32 to vector<16xf32>
        %ge3A_479 = arith.cmpf oge, %add3A_476, %ge3A_478 : vector<16xf32>
        %mul3A_480 = arith.constant 2.000000e-01 : f32
        %mul3A_481 = vector.broadcast %mul3A_480 : f32 to vector<16xf32>
        %mul3A_482 = arith.mulf %mul3A_481, %add3A_476 : vector<16xf32>
        %select_n3A_483 = arith.select %ge3A_479, %add3A_476, %mul3A_482 : vector<16xi1>, vector<16xf32>
        %sub3A_484 = arith.subf %select_n3A_483, %get3A_54 : vector<16xf32>
        %exp3A_485 = math.exp %sub3A_484 : vector<16xf32>
        %ne3A_486 = arith.cmpi ne, %get3A_468, %get3A_471 : vector<16xi32>
        %jit3A_487 = arith.constant 0.000000e+00 : f32
        %broadcast_in_dim3A_488 = vector.broadcast %jit3A_487 : f32 to vector<16xf32>
        %select_n3A_489 = arith.select %ne3A_486, %exp3A_485, %broadcast_in_dim3A_488 : vector<16xi1>, vector<16xf32>
        %swap3A_490 = arith.index_cast %mul3A_327 : i32 to index
        %swap3A_491 = arith.constant 64 : index
        %swap3A_492 = tpu.vector_load %arg18[%swap3A_490, %swap3A_491] {strides = array<i32>} : memref<25x80xf32, #tpu.memory_space<vmem>>, vector<16xf32>,
        tpu.vector_store %arg18[%swap3A_490, %swap3A_491], %select_n3A_489 {strides = array<i32>} : memref<25x80xf32, #tpu.memory_space<vmem>>, vector<16xf32>,
        %dma_start3A_493 = arith.constant 0 : i32
        %dma_start3A_494 = tpu.memref_slice %arg18[%mul3A_327, %dma_start3A_493] : memref<25x80xf32, #tpu.memory_space<vmem>> -> memref<1x80xf32, #tpu.memory_space<vmem>>
        %dma_start3A_495 = tpu.memref_squeeze %dma_start3A_494 : memref<1x80xf32, #tpu.memory_space<vmem>> -> memref<80xf32, #tpu.memory_space<vmem>>
        %dma_start3A_496 = arith.constant 0 : i32
        %dma_start3A_497 = tpu.memref_slice %arg11[%mul3A_327, %dma_start3A_496] : memref<25x80xi32, #tpu.memory_space<vmem>> -> memref<1x80xi32, #tpu.memory_space<vmem>>
        %dma_start3A_498 = tpu.memref_squeeze %dma_start3A_497 : memref<1x80xi32, #tpu.memory_space<vmem>> -> memref<80xi32, #tpu.memory_space<vmem>>
        %dma_start3A_499 = arith.constant 0 : i32
        %dma_start3A_500 = tpu.memref_slice %arg22[%dma_start3A_499] : memref<10240xf32, #tpu.memory_space<vmem_shared>> -> memref<10240xf32, #tpu.memory_space<vmem_shared>>
        tpu.enqueue_indirect_dma source(%dma_start3A_495 : memref<80xf32, #tpu.memory_space<vmem>>) target(%dma_start3A_500 : memref<10240xf32, #tpu.memory_space<vmem_shared>>) offsets(%dma_start3A_498 : memref<80xi32, #tpu.memory_space<vmem>>) semaphore(%arg31 : memref<!tpu.dma_semaphore, #tpu.memory_space<semaphore_mem>>) {add = true}
        %dma_wait3A_501 = arith.constant 0 : i32
        %dma_wait3A_502 = tpu.memref_slice %arg10[%mul3A_327, %dma_wait3A_501] : memref<25x80xi32, #tpu.memory_space<vmem>> -> memref<1x80xi32, #tpu.memory_space<vmem>>
        %dma_wait3A_503 = tpu.memref_squeeze %dma_wait3A_502 : memref<1x80xi32, #tpu.memory_space<vmem>> -> memref<80xi32, #tpu.memory_space<vmem>>
        %dma_wait3A_504 = arith.constant 0 : i32
        %dma_wait3A_505 = arith.constant 0 : i32
        %dma_wait3A_506 = tpu.memref_slice %arg7[%dma_wait3A_504, %dma_wait3A_505] : memref<10240x128xf32, #tpu.memory_space<hbm>> -> memref<10240x128xf32, #tpu.memory_space<hbm>>
        tpu.wait_indirect_dma semaphore(%arg25 : memref<!tpu.dma_semaphore, #tpu.memory_space<semaphore_mem>>) src(%dma_wait3A_506 : memref<10240x128xf32, #tpu.memory_space<hbm>>) dst(%arg12 : memref<80x128xf32, #tpu.memory_space<vmem>>)
        %broadcast_in_dim3A_507 = vector.broadcast %mul3A_327 : i32 to vector<16xi32>
        %parallel_loop3A_508 = arith.constant 0 : i32
        %parallel_loop3A_509 = arith.constant 80 : i32
        %parallel_loop3A_510 = arith.constant 1 : i32
        scf.for %parallel_loop3A_732 = %parallel_loop3A_508 to %parallel_loop3A_509 step %parallel_loop3A_510  : i32 {
          %parallel_loop3A_733 = vector.broadcast %parallel_loop3A_732 : i32 to vector<16xi32>
          %parallel_loop3A_734 = tpu.vector_load_idx %arg18[%broadcast_in_dim3A_507, %parallel_loop3A_733] : memref<25x80xf32, #tpu.memory_space<vmem>>[vector<16xi32>, vector<16xi32>], vector<16xf32>,
          %parallel_loop3A_735 = arith.index_cast %parallel_loop3A_732 : i32 to index
          %parallel_loop3A_736 = arith.constant 0 : index
          %parallel_loop3A_737 = tpu.vector_load %arg12[%parallel_loop3A_735, %parallel_loop3A_736] {strides = array<i32>} : memref<80x128xf32, #tpu.memory_space<vmem>>, vector<16xf32>,
          %parallel_loop3A_738 = arith.mulf %parallel_loop3A_737, %parallel_loop3A_734 : vector<16xf32>
          %parallel_loop3A_739 = arith.index_cast %parallel_loop3A_732 : i32 to index
          %parallel_loop3A_740 = arith.constant 0 : index
          %parallel_loop3A_741 = tpu.vector_load %arg12[%parallel_loop3A_739, %parallel_loop3A_740] {strides = array<i32>} : memref<80x128xf32, #tpu.memory_space<vmem>>, vector<16xf32>,
          tpu.vector_store %arg12[%parallel_loop3A_739, %parallel_loop3A_740], %parallel_loop3A_738 {strides = array<i32>} : memref<80x128xf32, #tpu.memory_space<vmem>>, vector<16xf32>,
          %parallel_loop3A_742 = arith.index_cast %parallel_loop3A_732 : i32 to index
          %parallel_loop3A_743 = arith.constant 16 : index
          %parallel_loop3A_744 = tpu.vector_load %arg12[%parallel_loop3A_742, %parallel_loop3A_743] {strides = array<i32>} : memref<80x128xf32, #tpu.memory_space<vmem>>, vector<16xf32>,
          %parallel_loop3A_745 = arith.mulf %parallel_loop3A_744, %parallel_loop3A_734 : vector<16xf32>
          %parallel_loop3A_746 = arith.index_cast %parallel_loop3A_732 : i32 to index
          %parallel_loop3A_747 = arith.constant 16 : index
          %parallel_loop3A_748 = tpu.vector_load %arg12[%parallel_loop3A_746, %parallel_loop3A_747] {strides = array<i32>} : memref<80x128xf32, #tpu.memory_space<vmem>>, vector<16xf32>,
          tpu.vector_store %arg12[%parallel_loop3A_746, %parallel_loop3A_747], %parallel_loop3A_745 {strides = array<i32>} : memref<80x128xf32, #tpu.memory_space<vmem>>, vector<16xf32>,
          %parallel_loop3A_749 = arith.index_cast %parallel_loop3A_732 : i32 to index
          %parallel_loop3A_750 = arith.constant 32 : index
          %parallel_loop3A_751 = tpu.vector_load %arg12[%parallel_loop3A_749, %parallel_loop3A_750] {strides = array<i32>} : memref<80x128xf32, #tpu.memory_space<vmem>>, vector<16xf32>,
          %parallel_loop3A_752 = arith.mulf %parallel_loop3A_751, %parallel_loop3A_734 : vector<16xf32>
          %parallel_loop3A_753 = arith.index_cast %parallel_loop3A_732 : i32 to index
          %parallel_loop3A_754 = arith.constant 32 : index
          %parallel_loop3A_755 = tpu.vector_load %arg12[%parallel_loop3A_753, %parallel_loop3A_754] {strides = array<i32>} : memref<80x128xf32, #tpu.memory_space<vmem>>, vector<16xf32>,
          tpu.vector_store %arg12[%parallel_loop3A_753, %parallel_loop3A_754], %parallel_loop3A_752 {strides = array<i32>} : memref<80x128xf32, #tpu.memory_space<vmem>>, vector<16xf32>,
          %parallel_loop3A_756 = arith.index_cast %parallel_loop3A_732 : i32 to index
          %parallel_loop3A_757 = arith.constant 48 : index
          %parallel_loop3A_758 = tpu.vector_load %arg12[%parallel_loop3A_756, %parallel_loop3A_757] {strides = array<i32>} : memref<80x128xf32, #tpu.memory_space<vmem>>, vector<16xf32>,
          %parallel_loop3A_759 = arith.mulf %parallel_loop3A_758, %parallel_loop3A_734 : vector<16xf32>
          %parallel_loop3A_760 = arith.index_cast %parallel_loop3A_732 : i32 to index
          %parallel_loop3A_761 = arith.constant 48 : index
          %parallel_loop3A_762 = tpu.vector_load %arg12[%parallel_loop3A_760, %parallel_loop3A_761] {strides = array<i32>} : memref<80x128xf32, #tpu.memory_space<vmem>>, vector<16xf32>,
          tpu.vector_store %arg12[%parallel_loop3A_760, %parallel_loop3A_761], %parallel_loop3A_759 {strides = array<i32>} : memref<80x128xf32, #tpu.memory_space<vmem>>, vector<16xf32>,
          %parallel_loop3A_763 = arith.index_cast %parallel_loop3A_732 : i32 to index
          %parallel_loop3A_764 = arith.constant 64 : index
          %parallel_loop3A_765 = tpu.vector_load %arg12[%parallel_loop3A_763, %parallel_loop3A_764] {strides = array<i32>} : memref<80x128xf32, #tpu.memory_space<vmem>>, vector<16xf32>,
          %parallel_loop3A_766 = arith.mulf %parallel_loop3A_765, %parallel_loop3A_734 : vector<16xf32>
          %parallel_loop3A_767 = arith.index_cast %parallel_loop3A_732 : i32 to index
          %parallel_loop3A_768 = arith.constant 64 : index
          %parallel_loop3A_769 = tpu.vector_load %arg12[%parallel_loop3A_767, %parallel_loop3A_768] {strides = array<i32>} : memref<80x128xf32, #tpu.memory_space<vmem>>, vector<16xf32>,
          tpu.vector_store %arg12[%parallel_loop3A_767, %parallel_loop3A_768], %parallel_loop3A_766 {strides = array<i32>} : memref<80x128xf32, #tpu.memory_space<vmem>>, vector<16xf32>,
          %parallel_loop3A_770 = arith.index_cast %parallel_loop3A_732 : i32 to index
          %parallel_loop3A_771 = arith.constant 80 : index
          %parallel_loop3A_772 = tpu.vector_load %arg12[%parallel_loop3A_770, %parallel_loop3A_771] {strides = array<i32>} : memref<80x128xf32, #tpu.memory_space<vmem>>, vector<16xf32>,
          %parallel_loop3A_773 = arith.mulf %parallel_loop3A_772, %parallel_loop3A_734 : vector<16xf32>
          %parallel_loop3A_774 = arith.index_cast %parallel_loop3A_732 : i32 to index
          %parallel_loop3A_775 = arith.constant 80 : index
          %parallel_loop3A_776 = tpu.vector_load %arg12[%parallel_loop3A_774, %parallel_loop3A_775] {strides = array<i32>} : memref<80x128xf32, #tpu.memory_space<vmem>>, vector<16xf32>,
          tpu.vector_store %arg12[%parallel_loop3A_774, %parallel_loop3A_775], %parallel_loop3A_773 {strides = array<i32>} : memref<80x128xf32, #tpu.memory_space<vmem>>, vector<16xf32>,
          %parallel_loop3A_777 = arith.index_cast %parallel_loop3A_732 : i32 to index
          %parallel_loop3A_778 = arith.constant 96 : index
          %parallel_loop3A_779 = tpu.vector_load %arg12[%parallel_loop3A_777, %parallel_loop3A_778] {strides = array<i32>} : memref<80x128xf32, #tpu.memory_space<vmem>>, vector<16xf32>,
          %parallel_loop3A_780 = arith.mulf %parallel_loop3A_779, %parallel_loop3A_734 : vector<16xf32>
          %parallel_loop3A_781 = arith.index_cast %parallel_loop3A_732 : i32 to index
          %parallel_loop3A_782 = arith.constant 96 : index
          %parallel_loop3A_783 = tpu.vector_load %arg12[%parallel_loop3A_781, %parallel_loop3A_782] {strides = array<i32>} : memref<80x128xf32, #tpu.memory_space<vmem>>, vector<16xf32>,
          tpu.vector_store %arg12[%parallel_loop3A_781, %parallel_loop3A_782], %parallel_loop3A_780 {strides = array<i32>} : memref<80x128xf32, #tpu.memory_space<vmem>>, vector<16xf32>,
          %parallel_loop3A_784 = arith.index_cast %parallel_loop3A_732 : i32 to index
          %parallel_loop3A_785 = arith.constant 112 : index
          %parallel_loop3A_786 = tpu.vector_load %arg12[%parallel_loop3A_784, %parallel_loop3A_785] {strides = array<i32>} : memref<80x128xf32, #tpu.memory_space<vmem>>, vector<16xf32>,
          %parallel_loop3A_787 = arith.mulf %parallel_loop3A_786, %parallel_loop3A_734 : vector<16xf32>
          %parallel_loop3A_788 = arith.index_cast %parallel_loop3A_732 : i32 to index
          %parallel_loop3A_789 = arith.constant 112 : index
          %parallel_loop3A_790 = tpu.vector_load %arg12[%parallel_loop3A_788, %parallel_loop3A_789] {strides = array<i32>} : memref<80x128xf32, #tpu.memory_space<vmem>>, vector<16xf32>,
          tpu.vector_store %arg12[%parallel_loop3A_788, %parallel_loop3A_789], %parallel_loop3A_787 {strides = array<i32>} : memref<80x128xf32, #tpu.memory_space<vmem>>, vector<16xf32>,
        } {sc.loop_unroll_factor = 4 : i64, sc.parallel_access}
        %dma_start3A_511 = arith.constant 0 : i32
        %dma_start3A_512 = tpu.memref_slice %arg11[%mul3A_327, %dma_start3A_511] : memref<25x80xi32, #tpu.memory_space<vmem>> -> memref<1x80xi32, #tpu.memory_space<vmem>>
        %dma_start3A_513 = tpu.memref_squeeze %dma_start3A_512 : memref<1x80xi32, #tpu.memory_space<vmem>> -> memref<80xi32, #tpu.memory_space<vmem>>
        %dma_start3A_514 = arith.constant 0 : i32
        %dma_start3A_515 = arith.constant 0 : i32
        %dma_start3A_516 = tpu.memref_slice %arg21[%dma_start3A_514, %dma_start3A_515] : memref<10240x128xf32, #tpu.memory_space<vmem_shared>> -> memref<10240x128xf32, #tpu.memory_space<vmem_shared>>
        tpu.enqueue_indirect_dma source(%arg12 : memref<80x128xf32, #tpu.memory_space<vmem>>) target(%dma_start3A_516 : memref<10240x128xf32, #tpu.memory_space<vmem_shared>>) offsets(%dma_start3A_513 : memref<80xi32, #tpu.memory_space<vmem>>) semaphore(%arg29 : memref<!tpu.dma_semaphore, #tpu.memory_space<semaphore_mem>>) {add = true}
        %dma_wait3A_517 = arith.constant 0 : i32
        %dma_wait3A_518 = tpu.memref_slice %arg18[%mul3A_327, %dma_wait3A_517] : memref<25x80xf32, #tpu.memory_space<vmem>> -> memref<1x80xf32, #tpu.memory_space<vmem>>
        %dma_wait3A_519 = tpu.memref_squeeze %dma_wait3A_518 : memref<1x80xf32, #tpu.memory_space<vmem>> -> memref<80xf32, #tpu.memory_space<vmem>>
        %dma_wait3A_520 = arith.constant 0 : i32
        %dma_wait3A_521 = tpu.memref_slice %arg11[%mul3A_327, %dma_wait3A_520] : memref<25x80xi32, #tpu.memory_space<vmem>> -> memref<1x80xi32, #tpu.memory_space<vmem>>
        %dma_wait3A_522 = tpu.memref_squeeze %dma_wait3A_521 : memref<1x80xi32, #tpu.memory_space<vmem>> -> memref<80xi32, #tpu.memory_space<vmem>>
        %dma_wait3A_523 = arith.constant 0 : i32
        %dma_wait3A_524 = tpu.memref_slice %arg22[%dma_wait3A_523] : memref<10240xf32, #tpu.memory_space<vmem_shared>> -> memref<10240xf32, #tpu.memory_space<vmem_shared>>
        tpu.wait_indirect_dma semaphore(%arg31 : memref<!tpu.dma_semaphore, #tpu.memory_space<semaphore_mem>>) src(%dma_wait3A_519 : memref<80xf32, #tpu.memory_space<vmem>>) dst(%dma_wait3A_524 : memref<10240xf32, #tpu.memory_space<vmem_shared>>)
        %dma_wait3A_525 = arith.constant 0 : i32
        %dma_wait3A_526 = tpu.memref_slice %arg10[%add3A_331, %dma_wait3A_525] : memref<25x80xi32, #tpu.memory_space<vmem>> -> memref<1x80xi32, #tpu.memory_space<vmem>>
        %dma_wait3A_527 = tpu.memref_squeeze %dma_wait3A_526 : memref<1x80xi32, #tpu.memory_space<vmem>> -> memref<80xi32, #tpu.memory_space<vmem>>
        %dma_wait3A_528 = arith.constant 0 : i32
        %dma_wait3A_529 = tpu.memref_slice %arg23[%dma_wait3A_528] : memref<10240xf32, #tpu.memory_space<vmem_shared>> -> memref<10240xf32, #tpu.memory_space<vmem_shared>>
        tpu.wait_indirect_dma semaphore(%arg28 : memref<!tpu.dma_semaphore, #tpu.memory_space<semaphore_mem>>) src(%dma_wait3A_529 : memref<10240xf32, #tpu.memory_space<vmem_shared>>) dst(%arg16 : memref<80xf32, #tpu.memory_space<vmem>>)
        %dma_wait3A_530 = arith.constant 0 : i32
        %dma_wait3A_531 = tpu.memref_slice %arg11[%add3A_331, %dma_wait3A_530] : memref<25x80xi32, #tpu.memory_space<vmem>> -> memref<1x80xi32, #tpu.memory_space<vmem>>
        %dma_wait3A_532 = tpu.memref_squeeze %dma_wait3A_531 : memref<1x80xi32, #tpu.memory_space<vmem>> -> memref<80xi32, #tpu.memory_space<vmem>>
        %dma_wait3A_533 = arith.constant 0 : i32
        %dma_wait3A_534 = tpu.memref_slice %arg24[%dma_wait3A_533] : memref<10240xf32, #tpu.memory_space<vmem_shared>> -> memref<10240xf32, #tpu.memory_space<vmem_shared>>
        tpu.wait_indirect_dma semaphore(%arg28 : memref<!tpu.dma_semaphore, #tpu.memory_space<semaphore_mem>>) src(%dma_wait3A_534 : memref<10240xf32, #tpu.memory_space<vmem_shared>>) dst(%arg17 : memref<80xf32, #tpu.memory_space<vmem>>)
        %get3A_535 = arith.index_cast %add3A_331 : i32 to index
        %get3A_536 = arith.constant 0 : index
        %get3A_537 = tpu.vector_load %arg10[%get3A_535, %get3A_536] {strides = array<i32>} : memref<25x80xi32, #tpu.memory_space<vmem>>, vector<16xi32>,
        %get3A_538 = arith.index_cast %add3A_331 : i32 to index
        %get3A_539 = arith.constant 0 : index
        %get3A_540 = tpu.vector_load %arg11[%get3A_538, %get3A_539] {strides = array<i32>} : memref<25x80xi32, #tpu.memory_space<vmem>>, vector<16xi32>,
        %get3A_541 = arith.constant 0 : index
        %get3A_542 = tpu.vector_load %arg16[%get3A_541] {strides = array<i32>} : memref<80xf32, #tpu.memory_space<vmem>>, vector<16xf32>,
        %get3A_543 = arith.constant 0 : index
        %get3A_544 = tpu.vector_load %arg17[%get3A_543] {strides = array<i32>} : memref<80xf32, #tpu.memory_space<vmem>>, vector<16xf32>,
        %add3A_545 = arith.addf %get3A_542, %get3A_544 : vector<16xf32>
        %ge3A_546 = arith.constant 0.000000e+00 : f32
        %ge3A_547 = vector.broadcast %ge3A_546 : f32 to vector<16xf32>
        %ge3A_548 = arith.cmpf oge, %add3A_545, %ge3A_547 : vector<16xf32>
        %mul3A_549 = arith.constant 2.000000e-01 : f32
        %mul3A_550 = vector.broadcast %mul3A_549 : f32 to vector<16xf32>
        %mul3A_551 = arith.mulf %mul3A_550, %add3A_545 : vector<16xf32>
        %select_n3A_552 = arith.select %ge3A_548, %add3A_545, %mul3A_551 : vector<16xi1>, vector<16xf32>
        %sub3A_553 = arith.subf %select_n3A_552, %get3A_54 : vector<16xf32>
        %exp3A_554 = math.exp %sub3A_553 : vector<16xf32>
        %ne3A_555 = arith.cmpi ne, %get3A_537, %get3A_540 : vector<16xi32>
        %jit3A_556 = arith.constant 0.000000e+00 : f32
        %broadcast_in_dim3A_557 = vector.broadcast %jit3A_556 : f32 to vector<16xf32>
        %select_n3A_558 = arith.select %ne3A_555, %exp3A_554, %broadcast_in_dim3A_557 : vector<16xi1>, vector<16xf32>
        %swap3A_559 = arith.index_cast %add3A_331 : i32 to index
        %swap3A_560 = arith.constant 0 : index
        %swap3A_561 = tpu.vector_load %arg18[%swap3A_559, %swap3A_560] {strides = array<i32>} : memref<25x80xf32, #tpu.memory_space<vmem>>, vector<16xf32>,
        tpu.vector_store %arg18[%swap3A_559, %swap3A_560], %select_n3A_558 {strides = array<i32>} : memref<25x80xf32, #tpu.memory_space<vmem>>, vector<16xf32>,
        %get3A_562 = arith.index_cast %add3A_331 : i32 to index
        %get3A_563 = arith.constant 16 : index
        %get3A_564 = tpu.vector_load %arg10[%get3A_562, %get3A_563] {strides = array<i32>} : memref<25x80xi32, #tpu.memory_space<vmem>>, vector<16xi32>,
        %get3A_565 = arith.index_cast %add3A_331 : i32 to index
        %get3A_566 = arith.constant 16 : index
        %get3A_567 = tpu.vector_load %arg11[%get3A_565, %get3A_566] {strides = array<i32>} : memref<25x80xi32, #tpu.memory_space<vmem>>, vector<16xi32>,
        %get3A_568 = arith.constant 16 : index
        %get3A_569 = tpu.vector_load %arg16[%get3A_568] {strides = array<i32>} : memref<80xf32, #tpu.memory_space<vmem>>, vector<16xf32>,
        %get3A_570 = arith.constant 16 : index
        %get3A_571 = tpu.vector_load %arg17[%get3A_570] {strides = array<i32>} : memref<80xf32, #tpu.memory_space<vmem>>, vector<16xf32>,
        %add3A_572 = arith.addf %get3A_569, %get3A_571 : vector<16xf32>
        %ge3A_573 = arith.constant 0.000000e+00 : f32
        %ge3A_574 = vector.broadcast %ge3A_573 : f32 to vector<16xf32>
        %ge3A_575 = arith.cmpf oge, %add3A_572, %ge3A_574 : vector<16xf32>
        %mul3A_576 = arith.constant 2.000000e-01 : f32
        %mul3A_577 = vector.broadcast %mul3A_576 : f32 to vector<16xf32>
        %mul3A_578 = arith.mulf %mul3A_577, %add3A_572 : vector<16xf32>
        %select_n3A_579 = arith.select %ge3A_575, %add3A_572, %mul3A_578 : vector<16xi1>, vector<16xf32>
        %sub3A_580 = arith.subf %select_n3A_579, %get3A_54 : vector<16xf32>
        %exp3A_581 = math.exp %sub3A_580 : vector<16xf32>
        %ne3A_582 = arith.cmpi ne, %get3A_564, %get3A_567 : vector<16xi32>
        %jit3A_583 = arith.constant 0.000000e+00 : f32
        %broadcast_in_dim3A_584 = vector.broadcast %jit3A_583 : f32 to vector<16xf32>
        %select_n3A_585 = arith.select %ne3A_582, %exp3A_581, %broadcast_in_dim3A_584 : vector<16xi1>, vector<16xf32>
        %swap3A_586 = arith.index_cast %add3A_331 : i32 to index
        %swap3A_587 = arith.constant 16 : index
        %swap3A_588 = tpu.vector_load %arg18[%swap3A_586, %swap3A_587] {strides = array<i32>} : memref<25x80xf32, #tpu.memory_space<vmem>>, vector<16xf32>,
        tpu.vector_store %arg18[%swap3A_586, %swap3A_587], %select_n3A_585 {strides = array<i32>} : memref<25x80xf32, #tpu.memory_space<vmem>>, vector<16xf32>,
        %get3A_589 = arith.index_cast %add3A_331 : i32 to index
        %get3A_590 = arith.constant 32 : index
        %get3A_591 = tpu.vector_load %arg10[%get3A_589, %get3A_590] {strides = array<i32>} : memref<25x80xi32, #tpu.memory_space<vmem>>, vector<16xi32>,
        %get3A_592 = arith.index_cast %add3A_331 : i32 to index
        %get3A_593 = arith.constant 32 : index
        %get3A_594 = tpu.vector_load %arg11[%get3A_592, %get3A_593] {strides = array<i32>} : memref<25x80xi32, #tpu.memory_space<vmem>>, vector<16xi32>,
        %get3A_595 = arith.constant 32 : index
        %get3A_596 = tpu.vector_load %arg16[%get3A_595] {strides = array<i32>} : memref<80xf32, #tpu.memory_space<vmem>>, vector<16xf32>,
        %get3A_597 = arith.constant 32 : index
        %get3A_598 = tpu.vector_load %arg17[%get3A_597] {strides = array<i32>} : memref<80xf32, #tpu.memory_space<vmem>>, vector<16xf32>,
        %add3A_599 = arith.addf %get3A_596, %get3A_598 : vector<16xf32>
        %ge3A_600 = arith.constant 0.000000e+00 : f32
        %ge3A_601 = vector.broadcast %ge3A_600 : f32 to vector<16xf32>
        %ge3A_602 = arith.cmpf oge, %add3A_599, %ge3A_601 : vector<16xf32>
        %mul3A_603 = arith.constant 2.000000e-01 : f32
        %mul3A_604 = vector.broadcast %mul3A_603 : f32 to vector<16xf32>
        %mul3A_605 = arith.mulf %mul3A_604, %add3A_599 : vector<16xf32>
        %select_n3A_606 = arith.select %ge3A_602, %add3A_599, %mul3A_605 : vector<16xi1>, vector<16xf32>
        %sub3A_607 = arith.subf %select_n3A_606, %get3A_54 : vector<16xf32>
        %exp3A_608 = math.exp %sub3A_607 : vector<16xf32>
        %ne3A_609 = arith.cmpi ne, %get3A_591, %get3A_594 : vector<16xi32>
        %jit3A_610 = arith.constant 0.000000e+00 : f32
        %broadcast_in_dim3A_611 = vector.broadcast %jit3A_610 : f32 to vector<16xf32>
        %select_n3A_612 = arith.select %ne3A_609, %exp3A_608, %broadcast_in_dim3A_611 : vector<16xi1>, vector<16xf32>
        %swap3A_613 = arith.index_cast %add3A_331 : i32 to index
        %swap3A_614 = arith.constant 32 : index
        %swap3A_615 = tpu.vector_load %arg18[%swap3A_613, %swap3A_614] {strides = array<i32>} : memref<25x80xf32, #tpu.memory_space<vmem>>, vector<16xf32>,
        tpu.vector_store %arg18[%swap3A_613, %swap3A_614], %select_n3A_612 {strides = array<i32>} : memref<25x80xf32, #tpu.memory_space<vmem>>, vector<16xf32>,
        %get3A_616 = arith.index_cast %add3A_331 : i32 to index
        %get3A_617 = arith.constant 48 : index
        %get3A_618 = tpu.vector_load %arg10[%get3A_616, %get3A_617] {strides = array<i32>} : memref<25x80xi32, #tpu.memory_space<vmem>>, vector<16xi32>,
        %get3A_619 = arith.index_cast %add3A_331 : i32 to index
        %get3A_620 = arith.constant 48 : index
        %get3A_621 = tpu.vector_load %arg11[%get3A_619, %get3A_620] {strides = array<i32>} : memref<25x80xi32, #tpu.memory_space<vmem>>, vector<16xi32>,
        %get3A_622 = arith.constant 48 : index
        %get3A_623 = tpu.vector_load %arg16[%get3A_622] {strides = array<i32>} : memref<80xf32, #tpu.memory_space<vmem>>, vector<16xf32>,
        %get3A_624 = arith.constant 48 : index
        %get3A_625 = tpu.vector_load %arg17[%get3A_624] {strides = array<i32>} : memref<80xf32, #tpu.memory_space<vmem>>, vector<16xf32>,
        %add3A_626 = arith.addf %get3A_623, %get3A_625 : vector<16xf32>
        %ge3A_627 = arith.constant 0.000000e+00 : f32
        %ge3A_628 = vector.broadcast %ge3A_627 : f32 to vector<16xf32>
        %ge3A_629 = arith.cmpf oge, %add3A_626, %ge3A_628 : vector<16xf32>
        %mul3A_630 = arith.constant 2.000000e-01 : f32
        %mul3A_631 = vector.broadcast %mul3A_630 : f32 to vector<16xf32>
        %mul3A_632 = arith.mulf %mul3A_631, %add3A_626 : vector<16xf32>
        %select_n3A_633 = arith.select %ge3A_629, %add3A_626, %mul3A_632 : vector<16xi1>, vector<16xf32>
        %sub3A_634 = arith.subf %select_n3A_633, %get3A_54 : vector<16xf32>
        %exp3A_635 = math.exp %sub3A_634 : vector<16xf32>
        %ne3A_636 = arith.cmpi ne, %get3A_618, %get3A_621 : vector<16xi32>
        %jit3A_637 = arith.constant 0.000000e+00 : f32
        %broadcast_in_dim3A_638 = vector.broadcast %jit3A_637 : f32 to vector<16xf32>
        %select_n3A_639 = arith.select %ne3A_636, %exp3A_635, %broadcast_in_dim3A_638 : vector<16xi1>, vector<16xf32>
        %swap3A_640 = arith.index_cast %add3A_331 : i32 to index
        %swap3A_641 = arith.constant 48 : index
        %swap3A_642 = tpu.vector_load %arg18[%swap3A_640, %swap3A_641] {strides = array<i32>} : memref<25x80xf32, #tpu.memory_space<vmem>>, vector<16xf32>,
        tpu.vector_store %arg18[%swap3A_640, %swap3A_641], %select_n3A_639 {strides = array<i32>} : memref<25x80xf32, #tpu.memory_space<vmem>>, vector<16xf32>,
        %get3A_643 = arith.index_cast %add3A_331 : i32 to index
        %get3A_644 = arith.constant 64 : index
        %get3A_645 = tpu.vector_load %arg10[%get3A_643, %get3A_644] {strides = array<i32>} : memref<25x80xi32, #tpu.memory_space<vmem>>, vector<16xi32>,
        %get3A_646 = arith.index_cast %add3A_331 : i32 to index
        %get3A_647 = arith.constant 64 : index
        %get3A_648 = tpu.vector_load %arg11[%get3A_646, %get3A_647] {strides = array<i32>} : memref<25x80xi32, #tpu.memory_space<vmem>>, vector<16xi32>,
        %get3A_649 = arith.constant 64 : index
        %get3A_650 = tpu.vector_load %arg16[%get3A_649] {strides = array<i32>} : memref<80xf32, #tpu.memory_space<vmem>>, vector<16xf32>,
        %get3A_651 = arith.constant 64 : index
        %get3A_652 = tpu.vector_load %arg17[%get3A_651] {strides = array<i32>} : memref<80xf32, #tpu.memory_space<vmem>>, vector<16xf32>,
        %add3A_653 = arith.addf %get3A_650, %get3A_652 : vector<16xf32>
        %ge3A_654 = arith.constant 0.000000e+00 : f32
        %ge3A_655 = vector.broadcast %ge3A_654 : f32 to vector<16xf32>
        %ge3A_656 = arith.cmpf oge, %add3A_653, %ge3A_655 : vector<16xf32>
        %mul3A_657 = arith.constant 2.000000e-01 : f32
        %mul3A_658 = vector.broadcast %mul3A_657 : f32 to vector<16xf32>
        %mul3A_659 = arith.mulf %mul3A_658, %add3A_653 : vector<16xf32>
        %select_n3A_660 = arith.select %ge3A_656, %add3A_653, %mul3A_659 : vector<16xi1>, vector<16xf32>
        %sub3A_661 = arith.subf %select_n3A_660, %get3A_54 : vector<16xf32>
        %exp3A_662 = math.exp %sub3A_661 : vector<16xf32>
        %ne3A_663 = arith.cmpi ne, %get3A_645, %get3A_648 : vector<16xi32>
        %jit3A_664 = arith.constant 0.000000e+00 : f32
        %broadcast_in_dim3A_665 = vector.broadcast %jit3A_664 : f32 to vector<16xf32>
        %select_n3A_666 = arith.select %ne3A_663, %exp3A_662, %broadcast_in_dim3A_665 : vector<16xi1>, vector<16xf32>
        %swap3A_667 = arith.index_cast %add3A_331 : i32 to index
        %swap3A_668 = arith.constant 64 : index
        %swap3A_669 = tpu.vector_load %arg18[%swap3A_667, %swap3A_668] {strides = array<i32>} : memref<25x80xf32, #tpu.memory_space<vmem>>, vector<16xf32>,
        tpu.vector_store %arg18[%swap3A_667, %swap3A_668], %select_n3A_666 {strides = array<i32>} : memref<25x80xf32, #tpu.memory_space<vmem>>, vector<16xf32>,
        %dma_start3A_670 = arith.constant 0 : i32
        %dma_start3A_671 = tpu.memref_slice %arg18[%add3A_331, %dma_start3A_670] : memref<25x80xf32, #tpu.memory_space<vmem>> -> memref<1x80xf32, #tpu.memory_space<vmem>>
        %dma_start3A_672 = tpu.memref_squeeze %dma_start3A_671 : memref<1x80xf32, #tpu.memory_space<vmem>> -> memref<80xf32, #tpu.memory_space<vmem>>
        %dma_start3A_673 = arith.constant 0 : i32
        %dma_start3A_674 = tpu.memref_slice %arg11[%add3A_331, %dma_start3A_673] : memref<25x80xi32, #tpu.memory_space<vmem>> -> memref<1x80xi32, #tpu.memory_space<vmem>>
        %dma_start3A_675 = tpu.memref_squeeze %dma_start3A_674 : memref<1x80xi32, #tpu.memory_space<vmem>> -> memref<80xi32, #tpu.memory_space<vmem>>
        %dma_start3A_676 = arith.constant 0 : i32
        %dma_start3A_677 = tpu.memref_slice %arg22[%dma_start3A_676] : memref<10240xf32, #tpu.memory_space<vmem_shared>> -> memref<10240xf32, #tpu.memory_space<vmem_shared>>
        tpu.enqueue_indirect_dma source(%dma_start3A_672 : memref<80xf32, #tpu.memory_space<vmem>>) target(%dma_start3A_677 : memref<10240xf32, #tpu.memory_space<vmem_shared>>) offsets(%dma_start3A_675 : memref<80xi32, #tpu.memory_space<vmem>>) semaphore(%arg32 : memref<!tpu.dma_semaphore, #tpu.memory_space<semaphore_mem>>) {add = true}
        %dma_wait3A_678 = arith.constant 0 : i32
        %dma_wait3A_679 = tpu.memref_slice %arg10[%add3A_331, %dma_wait3A_678] : memref<25x80xi32, #tpu.memory_space<vmem>> -> memref<1x80xi32, #tpu.memory_space<vmem>>
        %dma_wait3A_680 = tpu.memref_squeeze %dma_wait3A_679 : memref<1x80xi32, #tpu.memory_space<vmem>> -> memref<80xi32, #tpu.memory_space<vmem>>
        %dma_wait3A_681 = arith.constant 0 : i32
        %dma_wait3A_682 = arith.constant 0 : i32
        %dma_wait3A_683 = tpu.memref_slice %arg7[%dma_wait3A_681, %dma_wait3A_682] : memref<10240x128xf32, #tpu.memory_space<hbm>> -> memref<10240x128xf32, #tpu.memory_space<hbm>>
        tpu.wait_indirect_dma semaphore(%arg26 : memref<!tpu.dma_semaphore, #tpu.memory_space<semaphore_mem>>) src(%dma_wait3A_683 : memref<10240x128xf32, #tpu.memory_space<hbm>>) dst(%arg13 : memref<80x128xf32, #tpu.memory_space<vmem>>)
        %broadcast_in_dim3A_684 = vector.broadcast %add3A_331 : i32 to vector<16xi32>
        %parallel_loop3A_685 = arith.constant 0 : i32
        %parallel_loop3A_686 = arith.constant 80 : i32
        %parallel_loop3A_687 = arith.constant 1 : i32
        scf.for %parallel_loop3A_732 = %parallel_loop3A_685 to %parallel_loop3A_686 step %parallel_loop3A_687  : i32 {
          %parallel_loop3A_733 = vector.broadcast %parallel_loop3A_732 : i32 to vector<16xi32>
          %parallel_loop3A_734 = tpu.vector_load_idx %arg18[%broadcast_in_dim3A_684, %parallel_loop3A_733] : memref<25x80xf32, #tpu.memory_space<vmem>>[vector<16xi32>, vector<16xi32>], vector<16xf32>,
          %parallel_loop3A_735 = arith.index_cast %parallel_loop3A_732 : i32 to index
          %parallel_loop3A_736 = arith.constant 0 : index
          %parallel_loop3A_737 = tpu.vector_load %arg13[%parallel_loop3A_735, %parallel_loop3A_736] {strides = array<i32>} : memref<80x128xf32, #tpu.memory_space<vmem>>, vector<16xf32>,
          %parallel_loop3A_738 = arith.mulf %parallel_loop3A_737, %parallel_loop3A_734 : vector<16xf32>
          %parallel_loop3A_739 = arith.index_cast %parallel_loop3A_732 : i32 to index
          %parallel_loop3A_740 = arith.constant 0 : index
          %parallel_loop3A_741 = tpu.vector_load %arg13[%parallel_loop3A_739, %parallel_loop3A_740] {strides = array<i32>} : memref<80x128xf32, #tpu.memory_space<vmem>>, vector<16xf32>,
          tpu.vector_store %arg13[%parallel_loop3A_739, %parallel_loop3A_740], %parallel_loop3A_738 {strides = array<i32>} : memref<80x128xf32, #tpu.memory_space<vmem>>, vector<16xf32>,
          %parallel_loop3A_742 = arith.index_cast %parallel_loop3A_732 : i32 to index
          %parallel_loop3A_743 = arith.constant 16 : index
          %parallel_loop3A_744 = tpu.vector_load %arg13[%parallel_loop3A_742, %parallel_loop3A_743] {strides = array<i32>} : memref<80x128xf32, #tpu.memory_space<vmem>>, vector<16xf32>,
          %parallel_loop3A_745 = arith.mulf %parallel_loop3A_744, %parallel_loop3A_734 : vector<16xf32>
          %parallel_loop3A_746 = arith.index_cast %parallel_loop3A_732 : i32 to index
          %parallel_loop3A_747 = arith.constant 16 : index
          %parallel_loop3A_748 = tpu.vector_load %arg13[%parallel_loop3A_746, %parallel_loop3A_747] {strides = array<i32>} : memref<80x128xf32, #tpu.memory_space<vmem>>, vector<16xf32>,
          tpu.vector_store %arg13[%parallel_loop3A_746, %parallel_loop3A_747], %parallel_loop3A_745 {strides = array<i32>} : memref<80x128xf32, #tpu.memory_space<vmem>>, vector<16xf32>,
          %parallel_loop3A_749 = arith.index_cast %parallel_loop3A_732 : i32 to index
          %parallel_loop3A_750 = arith.constant 32 : index
          %parallel_loop3A_751 = tpu.vector_load %arg13[%parallel_loop3A_749, %parallel_loop3A_750] {strides = array<i32>} : memref<80x128xf32, #tpu.memory_space<vmem>>, vector<16xf32>,
          %parallel_loop3A_752 = arith.mulf %parallel_loop3A_751, %parallel_loop3A_734 : vector<16xf32>
          %parallel_loop3A_753 = arith.index_cast %parallel_loop3A_732 : i32 to index
          %parallel_loop3A_754 = arith.constant 32 : index
          %parallel_loop3A_755 = tpu.vector_load %arg13[%parallel_loop3A_753, %parallel_loop3A_754] {strides = array<i32>} : memref<80x128xf32, #tpu.memory_space<vmem>>, vector<16xf32>,
          tpu.vector_store %arg13[%parallel_loop3A_753, %parallel_loop3A_754], %parallel_loop3A_752 {strides = array<i32>} : memref<80x128xf32, #tpu.memory_space<vmem>>, vector<16xf32>,
          %parallel_loop3A_756 = arith.index_cast %parallel_loop3A_732 : i32 to index
          %parallel_loop3A_757 = arith.constant 48 : index
          %parallel_loop3A_758 = tpu.vector_load %arg13[%parallel_loop3A_756, %parallel_loop3A_757] {strides = array<i32>} : memref<80x128xf32, #tpu.memory_space<vmem>>, vector<16xf32>,
          %parallel_loop3A_759 = arith.mulf %parallel_loop3A_758, %parallel_loop3A_734 : vector<16xf32>
          %parallel_loop3A_760 = arith.index_cast %parallel_loop3A_732 : i32 to index
          %parallel_loop3A_761 = arith.constant 48 : index
          %parallel_loop3A_762 = tpu.vector_load %arg13[%parallel_loop3A_760, %parallel_loop3A_761] {strides = array<i32>} : memref<80x128xf32, #tpu.memory_space<vmem>>, vector<16xf32>,
          tpu.vector_store %arg13[%parallel_loop3A_760, %parallel_loop3A_761], %parallel_loop3A_759 {strides = array<i32>} : memref<80x128xf32, #tpu.memory_space<vmem>>, vector<16xf32>,
          %parallel_loop3A_763 = arith.index_cast %parallel_loop3A_732 : i32 to index
          %parallel_loop3A_764 = arith.constant 64 : index
          %parallel_loop3A_765 = tpu.vector_load %arg13[%parallel_loop3A_763, %parallel_loop3A_764] {strides = array<i32>} : memref<80x128xf32, #tpu.memory_space<vmem>>, vector<16xf32>,
          %parallel_loop3A_766 = arith.mulf %parallel_loop3A_765, %parallel_loop3A_734 : vector<16xf32>
          %parallel_loop3A_767 = arith.index_cast %parallel_loop3A_732 : i32 to index
          %parallel_loop3A_768 = arith.constant 64 : index
          %parallel_loop3A_769 = tpu.vector_load %arg13[%parallel_loop3A_767, %parallel_loop3A_768] {strides = array<i32>} : memref<80x128xf32, #tpu.memory_space<vmem>>, vector<16xf32>,
          tpu.vector_store %arg13[%parallel_loop3A_767, %parallel_loop3A_768], %parallel_loop3A_766 {strides = array<i32>} : memref<80x128xf32, #tpu.memory_space<vmem>>, vector<16xf32>,
          %parallel_loop3A_770 = arith.index_cast %parallel_loop3A_732 : i32 to index
          %parallel_loop3A_771 = arith.constant 80 : index
          %parallel_loop3A_772 = tpu.vector_load %arg13[%parallel_loop3A_770, %parallel_loop3A_771] {strides = array<i32>} : memref<80x128xf32, #tpu.memory_space<vmem>>, vector<16xf32>,
          %parallel_loop3A_773 = arith.mulf %parallel_loop3A_772, %parallel_loop3A_734 : vector<16xf32>
          %parallel_loop3A_774 = arith.index_cast %parallel_loop3A_732 : i32 to index
          %parallel_loop3A_775 = arith.constant 80 : index
          %parallel_loop3A_776 = tpu.vector_load %arg13[%parallel_loop3A_774, %parallel_loop3A_775] {strides = array<i32>} : memref<80x128xf32, #tpu.memory_space<vmem>>, vector<16xf32>,
          tpu.vector_store %arg13[%parallel_loop3A_774, %parallel_loop3A_775], %parallel_loop3A_773 {strides = array<i32>} : memref<80x128xf32, #tpu.memory_space<vmem>>, vector<16xf32>,
          %parallel_loop3A_777 = arith.index_cast %parallel_loop3A_732 : i32 to index
          %parallel_loop3A_778 = arith.constant 96 : index
          %parallel_loop3A_779 = tpu.vector_load %arg13[%parallel_loop3A_777, %parallel_loop3A_778] {strides = array<i32>} : memref<80x128xf32, #tpu.memory_space<vmem>>, vector<16xf32>,
          %parallel_loop3A_780 = arith.mulf %parallel_loop3A_779, %parallel_loop3A_734 : vector<16xf32>
          %parallel_loop3A_781 = arith.index_cast %parallel_loop3A_732 : i32 to index
          %parallel_loop3A_782 = arith.constant 96 : index
          %parallel_loop3A_783 = tpu.vector_load %arg13[%parallel_loop3A_781, %parallel_loop3A_782] {strides = array<i32>} : memref<80x128xf32, #tpu.memory_space<vmem>>, vector<16xf32>,
          tpu.vector_store %arg13[%parallel_loop3A_781, %parallel_loop3A_782], %parallel_loop3A_780 {strides = array<i32>} : memref<80x128xf32, #tpu.memory_space<vmem>>, vector<16xf32>,
          %parallel_loop3A_784 = arith.index_cast %parallel_loop3A_732 : i32 to index
          %parallel_loop3A_785 = arith.constant 112 : index
          %parallel_loop3A_786 = tpu.vector_load %arg13[%parallel_loop3A_784, %parallel_loop3A_785] {strides = array<i32>} : memref<80x128xf32, #tpu.memory_space<vmem>>, vector<16xf32>,
          %parallel_loop3A_787 = arith.mulf %parallel_loop3A_786, %parallel_loop3A_734 : vector<16xf32>
          %parallel_loop3A_788 = arith.index_cast %parallel_loop3A_732 : i32 to index
          %parallel_loop3A_789 = arith.constant 112 : index
          %parallel_loop3A_790 = tpu.vector_load %arg13[%parallel_loop3A_788, %parallel_loop3A_789] {strides = array<i32>} : memref<80x128xf32, #tpu.memory_space<vmem>>, vector<16xf32>,
          tpu.vector_store %arg13[%parallel_loop3A_788, %parallel_loop3A_789], %parallel_loop3A_787 {strides = array<i32>} : memref<80x128xf32, #tpu.memory_space<vmem>>, vector<16xf32>,
        } {sc.loop_unroll_factor = 4 : i64, sc.parallel_access}
        %dma_start3A_688 = arith.constant 0 : i32
        %dma_start3A_689 = tpu.memref_slice %arg11[%add3A_331, %dma_start3A_688] : memref<25x80xi32, #tpu.memory_space<vmem>> -> memref<1x80xi32, #tpu.memory_space<vmem>>
        %dma_start3A_690 = tpu.memref_squeeze %dma_start3A_689 : memref<1x80xi32, #tpu.memory_space<vmem>> -> memref<80xi32, #tpu.memory_space<vmem>>
        %dma_start3A_691 = arith.constant 0 : i32
        %dma_start3A_692 = arith.constant 0 : i32
        %dma_start3A_693 = tpu.memref_slice %arg21[%dma_start3A_691, %dma_start3A_692] : memref<10240x128xf32, #tpu.memory_space<vmem_shared>> -> memref<10240x128xf32, #tpu.memory_space<vmem_shared>>
        tpu.enqueue_indirect_dma source(%arg13 : memref<80x128xf32, #tpu.memory_space<vmem>>) target(%dma_start3A_693 : memref<10240x128xf32, #tpu.memory_space<vmem_shared>>) offsets(%dma_start3A_690 : memref<80xi32, #tpu.memory_space<vmem>>) semaphore(%arg30 : memref<!tpu.dma_semaphore, #tpu.memory_space<semaphore_mem>>) {add = true}
        %dma_wait3A_694 = arith.constant 0 : i32
        %dma_wait3A_695 = tpu.memref_slice %arg18[%add3A_331, %dma_wait3A_694] : memref<25x80xf32, #tpu.memory_space<vmem>> -> memref<1x80xf32, #tpu.memory_space<vmem>>
        %dma_wait3A_696 = tpu.memref_squeeze %dma_wait3A_695 : memref<1x80xf32, #tpu.memory_space<vmem>> -> memref<80xf32, #tpu.memory_space<vmem>>
        %dma_wait3A_697 = arith.constant 0 : i32
        %dma_wait3A_698 = tpu.memref_slice %arg11[%add3A_331, %dma_wait3A_697] : memref<25x80xi32, #tpu.memory_space<vmem>> -> memref<1x80xi32, #tpu.memory_space<vmem>>
        %dma_wait3A_699 = tpu.memref_squeeze %dma_wait3A_698 : memref<1x80xi32, #tpu.memory_space<vmem>> -> memref<80xi32, #tpu.memory_space<vmem>>
        %dma_wait3A_700 = arith.constant 0 : i32
        %dma_wait3A_701 = tpu.memref_slice %arg22[%dma_wait3A_700] : memref<10240xf32, #tpu.memory_space<vmem_shared>> -> memref<10240xf32, #tpu.memory_space<vmem_shared>>
        tpu.wait_indirect_dma semaphore(%arg32 : memref<!tpu.dma_semaphore, #tpu.memory_space<semaphore_mem>>) src(%dma_wait3A_696 : memref<80xf32, #tpu.memory_space<vmem>>) dst(%dma_wait3A_701 : memref<10240xf32, #tpu.memory_space<vmem_shared>>)
        %dma_wait3A_702 = arith.constant 0 : i32
        %dma_wait3A_703 = tpu.memref_slice %arg11[%mul3A_327, %dma_wait3A_702] : memref<25x80xi32, #tpu.memory_space<vmem>> -> memref<1x80xi32, #tpu.memory_space<vmem>>
        %dma_wait3A_704 = tpu.memref_squeeze %dma_wait3A_703 : memref<1x80xi32, #tpu.memory_space<vmem>> -> memref<80xi32, #tpu.memory_space<vmem>>
        %dma_wait3A_705 = arith.constant 0 : i32
        %dma_wait3A_706 = arith.constant 0 : i32
        %dma_wait3A_707 = tpu.memref_slice %arg21[%dma_wait3A_705, %dma_wait3A_706] : memref<10240x128xf32, #tpu.memory_space<vmem_shared>> -> memref<10240x128xf32, #tpu.memory_space<vmem_shared>>
        tpu.wait_indirect_dma semaphore(%arg29 : memref<!tpu.dma_semaphore, #tpu.memory_space<semaphore_mem>>) src(%arg12 : memref<80x128xf32, #tpu.memory_space<vmem>>) dst(%dma_wait3A_707 : memref<10240x128xf32, #tpu.memory_space<vmem_shared>>)
        %add3A_708 = arith.constant 1 : i32
        %add3A_709 = arith.addi %add3A_331, %add3A_708 : i32
        %dma_start3A_710 = arith.constant 0 : i32
        %dma_start3A_711 = tpu.memref_slice %arg10[%add3A_709, %dma_start3A_710] : memref<25x80xi32, #tpu.memory_space<vmem>> -> memref<1x80xi32, #tpu.memory_space<vmem>>
        %dma_start3A_712 = tpu.memref_squeeze %dma_start3A_711 : memref<1x80xi32, #tpu.memory_space<vmem>> -> memref<80xi32, #tpu.memory_space<vmem>>
        %dma_start3A_713 = arith.constant 0 : i32
        %dma_start3A_714 = arith.constant 0 : i32
        %dma_start3A_715 = tpu.memref_slice %arg7[%dma_start3A_713, %dma_start3A_714] : memref<10240x128xf32, #tpu.memory_space<hbm>> -> memref<10240x128xf32, #tpu.memory_space<hbm>>
        tpu.enqueue_indirect_dma source(%dma_start3A_715 : memref<10240x128xf32, #tpu.memory_space<hbm>>) target(%arg12 : memref<80x128xf32, #tpu.memory_space<vmem>>) offsets(%dma_start3A_712 : memref<80xi32, #tpu.memory_space<vmem>>) semaphore(%arg25 : memref<!tpu.dma_semaphore, #tpu.memory_space<semaphore_mem>>)
        %dma_start3A_716 = arith.constant 0 : i32
        %dma_start3A_717 = tpu.memref_slice %arg10[%add3A_709, %dma_start3A_716] : memref<25x80xi32, #tpu.memory_space<vmem>> -> memref<1x80xi32, #tpu.memory_space<vmem>>
        %dma_start3A_718 = tpu.memref_squeeze %dma_start3A_717 : memref<1x80xi32, #tpu.memory_space<vmem>> -> memref<80xi32, #tpu.memory_space<vmem>>
        %dma_start3A_719 = arith.constant 0 : i32
        %dma_start3A_720 = tpu.memref_slice %arg23[%dma_start3A_719] : memref<10240xf32, #tpu.memory_space<vmem_shared>> -> memref<10240xf32, #tpu.memory_space<vmem_shared>>
        tpu.enqueue_indirect_dma source(%dma_start3A_720 : memref<10240xf32, #tpu.memory_space<vmem_shared>>) target(%arg14 : memref<80xf32, #tpu.memory_space<vmem>>) offsets(%dma_start3A_718 : memref<80xi32, #tpu.memory_space<vmem>>) semaphore(%arg27 : memref<!tpu.dma_semaphore, #tpu.memory_space<semaphore_mem>>)
        %dma_start3A_721 = arith.constant 0 : i32
        %dma_start3A_722 = tpu.memref_slice %arg11[%add3A_709, %dma_start3A_721] : memref<25x80xi32, #tpu.memory_space<vmem>> -> memref<1x80xi32, #tpu.memory_space<vmem>>
        %dma_start3A_723 = tpu.memref_squeeze %dma_start3A_722 : memref<1x80xi32, #tpu.memory_space<vmem>> -> memref<80xi32, #tpu.memory_space<vmem>>
        %dma_start3A_724 = arith.constant 0 : i32
        %dma_start3A_725 = tpu.memref_slice %arg24[%dma_start3A_724] : memref<10240xf32, #tpu.memory_space<vmem_shared>> -> memref<10240xf32, #tpu.memory_space<vmem_shared>>
        tpu.enqueue_indirect_dma source(%dma_start3A_725 : memref<10240xf32, #tpu.memory_space<vmem_shared>>) target(%arg15 : memref<80xf32, #tpu.memory_space<vmem>>) offsets(%dma_start3A_723 : memref<80xi32, #tpu.memory_space<vmem>>) semaphore(%arg27 : memref<!tpu.dma_semaphore, #tpu.memory_space<semaphore_mem>>)
        %dma_wait3A_726 = arith.constant 0 : i32
        %dma_wait3A_727 = tpu.memref_slice %arg11[%add3A_331, %dma_wait3A_726] : memref<25x80xi32, #tpu.memory_space<vmem>> -> memref<1x80xi32, #tpu.memory_space<vmem>>
        %dma_wait3A_728 = tpu.memref_squeeze %dma_wait3A_727 : memref<1x80xi32, #tpu.memory_space<vmem>> -> memref<80xi32, #tpu.memory_space<vmem>>
        %dma_wait3A_729 = arith.constant 0 : i32
        %dma_wait3A_730 = arith.constant 0 : i32
        %dma_wait3A_731 = tpu.memref_slice %arg21[%dma_wait3A_729, %dma_wait3A_730] : memref<10240x128xf32, #tpu.memory_space<vmem_shared>> -> memref<10240x128xf32, #tpu.memory_space<vmem_shared>>
        tpu.wait_indirect_dma semaphore(%arg30 : memref<!tpu.dma_semaphore, #tpu.memory_space<semaphore_mem>>) src(%arg13 : memref<80x128xf32, #tpu.memory_space<vmem>>) dst(%dma_wait3A_731 : memref<10240x128xf32, #tpu.memory_space<vmem_shared>>)
      }
      %scan3A_125 = arith.constant 12 : i32
      %dma_wait3A_126 = arith.constant 24 : i32
      %dma_wait3A_127 = arith.constant 0 : i32
      %dma_wait3A_128 = tpu.memref_slice %arg10[%dma_wait3A_126, %dma_wait3A_127] : memref<25x80xi32, #tpu.memory_space<vmem>> -> memref<1x80xi32, #tpu.memory_space<vmem>>
      %dma_wait3A_129 = tpu.memref_squeeze %dma_wait3A_128 : memref<1x80xi32, #tpu.memory_space<vmem>> -> memref<80xi32, #tpu.memory_space<vmem>>
      %dma_wait3A_130 = arith.constant 0 : i32
      %dma_wait3A_131 = tpu.memref_slice %arg23[%dma_wait3A_130] : memref<10240xf32, #tpu.memory_space<vmem_shared>> -> memref<10240xf32, #tpu.memory_space<vmem_shared>>
      tpu.wait_indirect_dma semaphore(%arg27 : memref<!tpu.dma_semaphore, #tpu.memory_space<semaphore_mem>>) src(%dma_wait3A_131 : memref<10240xf32, #tpu.memory_space<vmem_shared>>) dst(%arg14 : memref<80xf32, #tpu.memory_space<vmem>>)
      %dma_wait3A_132 = arith.constant 24 : i32
      %dma_wait3A_133 = arith.constant 0 : i32
      %dma_wait3A_134 = tpu.memref_slice %arg11[%dma_wait3A_132, %dma_wait3A_133] : memref<25x80xi32, #tpu.memory_space<vmem>> -> memref<1x80xi32, #tpu.memory_space<vmem>>
      %dma_wait3A_135 = tpu.memref_squeeze %dma_wait3A_134 : memref<1x80xi32, #tpu.memory_space<vmem>> -> memref<80xi32, #tpu.memory_space<vmem>>
      %dma_wait3A_136 = arith.constant 0 : i32
      %dma_wait3A_137 = tpu.memref_slice %arg24[%dma_wait3A_136] : memref<10240xf32, #tpu.memory_space<vmem_shared>> -> memref<10240xf32, #tpu.memory_space<vmem_shared>>
      tpu.wait_indirect_dma semaphore(%arg27 : memref<!tpu.dma_semaphore, #tpu.memory_space<semaphore_mem>>) src(%dma_wait3A_137 : memref<10240xf32, #tpu.memory_space<vmem_shared>>) dst(%arg15 : memref<80xf32, #tpu.memory_space<vmem>>)
      %get3A_138 = arith.constant 24 : i32
      %get3A_139 = arith.index_cast %get3A_138 : i32 to index
      %get3A_140 = arith.constant 0 : index
      %get3A_141 = tpu.vector_load %arg10[%get3A_139, %get3A_140] {strides = array<i32>} : memref<25x80xi32, #tpu.memory_space<vmem>>, vector<16xi32>,
      %get3A_142 = arith.constant 24 : i32
      %get3A_143 = arith.index_cast %get3A_142 : i32 to index
      %get3A_144 = arith.constant 0 : index
      %get3A_145 = tpu.vector_load %arg11[%get3A_143, %get3A_144] {strides = array<i32>} : memref<25x80xi32, #tpu.memory_space<vmem>>, vector<16xi32>,
      %get3A_146 = arith.constant 0 : index
      %get3A_147 = tpu.vector_load %arg14[%get3A_146] {strides = array<i32>} : memref<80xf32, #tpu.memory_space<vmem>>, vector<16xf32>,
      %get3A_148 = arith.constant 0 : index
      %get3A_149 = tpu.vector_load %arg15[%get3A_148] {strides = array<i32>} : memref<80xf32, #tpu.memory_space<vmem>>, vector<16xf32>,
      %add3A_150 = arith.addf %get3A_147, %get3A_149 : vector<16xf32>
      %ge3A = arith.constant 0.000000e+00 : f32
      %ge3A_151 = vector.broadcast %ge3A : f32 to vector<16xf32>
      %ge3A_152 = arith.cmpf oge, %add3A_150, %ge3A_151 : vector<16xf32>
      %mul3A_153 = arith.constant 2.000000e-01 : f32
      %mul3A_154 = vector.broadcast %mul3A_153 : f32 to vector<16xf32>
      %mul3A_155 = arith.mulf %mul3A_154, %add3A_150 : vector<16xf32>
      %select_n3A = arith.select %ge3A_152, %add3A_150, %mul3A_155 : vector<16xi1>, vector<16xf32>
      %sub3A = arith.subf %select_n3A, %get3A_54 : vector<16xf32>
      %exp3A = math.exp %sub3A : vector<16xf32>
      %ne3A = arith.cmpi ne, %get3A_141, %get3A_145 : vector<16xi32>
      %jit3A = arith.constant 0.000000e+00 : f32
      %broadcast_in_dim3A = vector.broadcast %jit3A : f32 to vector<16xf32>
      %select_n3A_156 = arith.select %ne3A, %exp3A, %broadcast_in_dim3A : vector<16xi1>, vector<16xf32>
      %swap3A = arith.constant 24 : i32
      %swap3A_157 = arith.index_cast %swap3A : i32 to index
      %swap3A_158 = arith.constant 0 : index
      %swap3A_159 = tpu.vector_load %arg18[%swap3A_157, %swap3A_158] {strides = array<i32>} : memref<25x80xf32, #tpu.memory_space<vmem>>, vector<16xf32>,
      tpu.vector_store %arg18[%swap3A_157, %swap3A_158], %select_n3A_156 {strides = array<i32>} : memref<25x80xf32, #tpu.memory_space<vmem>>, vector<16xf32>,
      %get3A_160 = arith.constant 24 : i32
      %get3A_161 = arith.index_cast %get3A_160 : i32 to index
      %get3A_162 = arith.constant 16 : index
      %get3A_163 = tpu.vector_load %arg10[%get3A_161, %get3A_162] {strides = array<i32>} : memref<25x80xi32, #tpu.memory_space<vmem>>, vector<16xi32>,
      %get3A_164 = arith.constant 24 : i32
      %get3A_165 = arith.index_cast %get3A_164 : i32 to index
      %get3A_166 = arith.constant 16 : index
      %get3A_167 = tpu.vector_load %arg11[%get3A_165, %get3A_166] {strides = array<i32>} : memref<25x80xi32, #tpu.memory_space<vmem>>, vector<16xi32>,
      %get3A_168 = arith.constant 16 : index
      %get3A_169 = tpu.vector_load %arg14[%get3A_168] {strides = array<i32>} : memref<80xf32, #tpu.memory_space<vmem>>, vector<16xf32>,
      %get3A_170 = arith.constant 16 : index
      %get3A_171 = tpu.vector_load %arg15[%get3A_170] {strides = array<i32>} : memref<80xf32, #tpu.memory_space<vmem>>, vector<16xf32>,
      %add3A_172 = arith.addf %get3A_169, %get3A_171 : vector<16xf32>
      %ge3A_173 = arith.constant 0.000000e+00 : f32
      %ge3A_174 = vector.broadcast %ge3A_173 : f32 to vector<16xf32>
      %ge3A_175 = arith.cmpf oge, %add3A_172, %ge3A_174 : vector<16xf32>
      %mul3A_176 = arith.constant 2.000000e-01 : f32
      %mul3A_177 = vector.broadcast %mul3A_176 : f32 to vector<16xf32>
      %mul3A_178 = arith.mulf %mul3A_177, %add3A_172 : vector<16xf32>
      %select_n3A_179 = arith.select %ge3A_175, %add3A_172, %mul3A_178 : vector<16xi1>, vector<16xf32>
      %sub3A_180 = arith.subf %select_n3A_179, %get3A_54 : vector<16xf32>
      %exp3A_181 = math.exp %sub3A_180 : vector<16xf32>
      %ne3A_182 = arith.cmpi ne, %get3A_163, %get3A_167 : vector<16xi32>
      %jit3A_183 = arith.constant 0.000000e+00 : f32
      %broadcast_in_dim3A_184 = vector.broadcast %jit3A_183 : f32 to vector<16xf32>
      %select_n3A_185 = arith.select %ne3A_182, %exp3A_181, %broadcast_in_dim3A_184 : vector<16xi1>, vector<16xf32>
      %swap3A_186 = arith.constant 24 : i32
      %swap3A_187 = arith.index_cast %swap3A_186 : i32 to index
      %swap3A_188 = arith.constant 16 : index
      %swap3A_189 = tpu.vector_load %arg18[%swap3A_187, %swap3A_188] {strides = array<i32>} : memref<25x80xf32, #tpu.memory_space<vmem>>, vector<16xf32>,
      tpu.vector_store %arg18[%swap3A_187, %swap3A_188], %select_n3A_185 {strides = array<i32>} : memref<25x80xf32, #tpu.memory_space<vmem>>, vector<16xf32>,
      %get3A_190 = arith.constant 24 : i32
      %get3A_191 = arith.index_cast %get3A_190 : i32 to index
      %get3A_192 = arith.constant 32 : index
      %get3A_193 = tpu.vector_load %arg10[%get3A_191, %get3A_192] {strides = array<i32>} : memref<25x80xi32, #tpu.memory_space<vmem>>, vector<16xi32>,
      %get3A_194 = arith.constant 24 : i32
      %get3A_195 = arith.index_cast %get3A_194 : i32 to index
      %get3A_196 = arith.constant 32 : index
      %get3A_197 = tpu.vector_load %arg11[%get3A_195, %get3A_196] {strides = array<i32>} : memref<25x80xi32, #tpu.memory_space<vmem>>, vector<16xi32>,
      %get3A_198 = arith.constant 32 : index
      %get3A_199 = tpu.vector_load %arg14[%get3A_198] {strides = array<i32>} : memref<80xf32, #tpu.memory_space<vmem>>, vector<16xf32>,
      %get3A_200 = arith.constant 32 : index
      %get3A_201 = tpu.vector_load %arg15[%get3A_200] {strides = array<i32>} : memref<80xf32, #tpu.memory_space<vmem>>, vector<16xf32>,
      %add3A_202 = arith.addf %get3A_199, %get3A_201 : vector<16xf32>
      %ge3A_203 = arith.constant 0.000000e+00 : f32
      %ge3A_204 = vector.broadcast %ge3A_203 : f32 to vector<16xf32>
      %ge3A_205 = arith.cmpf oge, %add3A_202, %ge3A_204 : vector<16xf32>
      %mul3A_206 = arith.constant 2.000000e-01 : f32
      %mul3A_207 = vector.broadcast %mul3A_206 : f32 to vector<16xf32>
      %mul3A_208 = arith.mulf %mul3A_207, %add3A_202 : vector<16xf32>
      %select_n3A_209 = arith.select %ge3A_205, %add3A_202, %mul3A_208 : vector<16xi1>, vector<16xf32>
      %sub3A_210 = arith.subf %select_n3A_209, %get3A_54 : vector<16xf32>
      %exp3A_211 = math.exp %sub3A_210 : vector<16xf32>
      %ne3A_212 = arith.cmpi ne, %get3A_193, %get3A_197 : vector<16xi32>
      %jit3A_213 = arith.constant 0.000000e+00 : f32
      %broadcast_in_dim3A_214 = vector.broadcast %jit3A_213 : f32 to vector<16xf32>
      %select_n3A_215 = arith.select %ne3A_212, %exp3A_211, %broadcast_in_dim3A_214 : vector<16xi1>, vector<16xf32>
      %swap3A_216 = arith.constant 24 : i32
      %swap3A_217 = arith.index_cast %swap3A_216 : i32 to index
      %swap3A_218 = arith.constant 32 : index
      %swap3A_219 = tpu.vector_load %arg18[%swap3A_217, %swap3A_218] {strides = array<i32>} : memref<25x80xf32, #tpu.memory_space<vmem>>, vector<16xf32>,
      tpu.vector_store %arg18[%swap3A_217, %swap3A_218], %select_n3A_215 {strides = array<i32>} : memref<25x80xf32, #tpu.memory_space<vmem>>, vector<16xf32>,
      %get3A_220 = arith.constant 24 : i32
      %get3A_221 = arith.index_cast %get3A_220 : i32 to index
      %get3A_222 = arith.constant 48 : index
      %get3A_223 = tpu.vector_load %arg10[%get3A_221, %get3A_222] {strides = array<i32>} : memref<25x80xi32, #tpu.memory_space<vmem>>, vector<16xi32>,
      %get3A_224 = arith.constant 24 : i32
      %get3A_225 = arith.index_cast %get3A_224 : i32 to index
      %get3A_226 = arith.constant 48 : index
      %get3A_227 = tpu.vector_load %arg11[%get3A_225, %get3A_226] {strides = array<i32>} : memref<25x80xi32, #tpu.memory_space<vmem>>, vector<16xi32>,
      %get3A_228 = arith.constant 48 : index
      %get3A_229 = tpu.vector_load %arg14[%get3A_228] {strides = array<i32>} : memref<80xf32, #tpu.memory_space<vmem>>, vector<16xf32>,
      %get3A_230 = arith.constant 48 : index
      %get3A_231 = tpu.vector_load %arg15[%get3A_230] {strides = array<i32>} : memref<80xf32, #tpu.memory_space<vmem>>, vector<16xf32>,
      %add3A_232 = arith.addf %get3A_229, %get3A_231 : vector<16xf32>
      %ge3A_233 = arith.constant 0.000000e+00 : f32
      %ge3A_234 = vector.broadcast %ge3A_233 : f32 to vector<16xf32>
      %ge3A_235 = arith.cmpf oge, %add3A_232, %ge3A_234 : vector<16xf32>
      %mul3A_236 = arith.constant 2.000000e-01 : f32
      %mul3A_237 = vector.broadcast %mul3A_236 : f32 to vector<16xf32>
      %mul3A_238 = arith.mulf %mul3A_237, %add3A_232 : vector<16xf32>
      %select_n3A_239 = arith.select %ge3A_235, %add3A_232, %mul3A_238 : vector<16xi1>, vector<16xf32>
      %sub3A_240 = arith.subf %select_n3A_239, %get3A_54 : vector<16xf32>
      %exp3A_241 = math.exp %sub3A_240 : vector<16xf32>
      %ne3A_242 = arith.cmpi ne, %get3A_223, %get3A_227 : vector<16xi32>
      %jit3A_243 = arith.constant 0.000000e+00 : f32
      %broadcast_in_dim3A_244 = vector.broadcast %jit3A_243 : f32 to vector<16xf32>
      %select_n3A_245 = arith.select %ne3A_242, %exp3A_241, %broadcast_in_dim3A_244 : vector<16xi1>, vector<16xf32>
      %swap3A_246 = arith.constant 24 : i32
      %swap3A_247 = arith.index_cast %swap3A_246 : i32 to index
      %swap3A_248 = arith.constant 48 : index
      %swap3A_249 = tpu.vector_load %arg18[%swap3A_247, %swap3A_248] {strides = array<i32>} : memref<25x80xf32, #tpu.memory_space<vmem>>, vector<16xf32>,
      tpu.vector_store %arg18[%swap3A_247, %swap3A_248], %select_n3A_245 {strides = array<i32>} : memref<25x80xf32, #tpu.memory_space<vmem>>, vector<16xf32>,
      %get3A_250 = arith.constant 24 : i32
      %get3A_251 = arith.index_cast %get3A_250 : i32 to index
      %get3A_252 = arith.constant 64 : index
      %get3A_253 = tpu.vector_load %arg10[%get3A_251, %get3A_252] {strides = array<i32>} : memref<25x80xi32, #tpu.memory_space<vmem>>, vector<16xi32>,
      %get3A_254 = arith.constant 24 : i32
      %get3A_255 = arith.index_cast %get3A_254 : i32 to index
      %get3A_256 = arith.constant 64 : index
      %get3A_257 = tpu.vector_load %arg11[%get3A_255, %get3A_256] {strides = array<i32>} : memref<25x80xi32, #tpu.memory_space<vmem>>, vector<16xi32>,
      %get3A_258 = arith.constant 64 : index
      %get3A_259 = tpu.vector_load %arg14[%get3A_258] {strides = array<i32>} : memref<80xf32, #tpu.memory_space<vmem>>, vector<16xf32>,
      %get3A_260 = arith.constant 64 : index
      %get3A_261 = tpu.vector_load %arg15[%get3A_260] {strides = array<i32>} : memref<80xf32, #tpu.memory_space<vmem>>, vector<16xf32>,
      %add3A_262 = arith.addf %get3A_259, %get3A_261 : vector<16xf32>
      %ge3A_263 = arith.constant 0.000000e+00 : f32
      %ge3A_264 = vector.broadcast %ge3A_263 : f32 to vector<16xf32>
      %ge3A_265 = arith.cmpf oge, %add3A_262, %ge3A_264 : vector<16xf32>
      %mul3A_266 = arith.constant 2.000000e-01 : f32
      %mul3A_267 = vector.broadcast %mul3A_266 : f32 to vector<16xf32>
      %mul3A_268 = arith.mulf %mul3A_267, %add3A_262 : vector<16xf32>
      %select_n3A_269 = arith.select %ge3A_265, %add3A_262, %mul3A_268 : vector<16xi1>, vector<16xf32>
      %sub3A_270 = arith.subf %select_n3A_269, %get3A_54 : vector<16xf32>
      %exp3A_271 = math.exp %sub3A_270 : vector<16xf32>
      %ne3A_272 = arith.cmpi ne, %get3A_253, %get3A_257 : vector<16xi32>
      %jit3A_273 = arith.constant 0.000000e+00 : f32
      %broadcast_in_dim3A_274 = vector.broadcast %jit3A_273 : f32 to vector<16xf32>
      %select_n3A_275 = arith.select %ne3A_272, %exp3A_271, %broadcast_in_dim3A_274 : vector<16xi1>, vector<16xf32>
      %swap3A_276 = arith.constant 24 : i32
      %swap3A_277 = arith.index_cast %swap3A_276 : i32 to index
      %swap3A_278 = arith.constant 64 : index
      %swap3A_279 = tpu.vector_load %arg18[%swap3A_277, %swap3A_278] {strides = array<i32>} : memref<25x80xf32, #tpu.memory_space<vmem>>, vector<16xf32>,
      tpu.vector_store %arg18[%swap3A_277, %swap3A_278], %select_n3A_275 {strides = array<i32>} : memref<25x80xf32, #tpu.memory_space<vmem>>, vector<16xf32>,
      %dma_start3A_280 = arith.constant 24 : i32
      %dma_start3A_281 = arith.constant 24 : i32
      %dma_start3A_282 = arith.constant 0 : i32
      %dma_start3A_283 = tpu.memref_slice %arg18[%dma_start3A_280, %dma_start3A_282] : memref<25x80xf32, #tpu.memory_space<vmem>> -> memref<1x80xf32, #tpu.memory_space<vmem>>
      %dma_start3A_284 = tpu.memref_squeeze %dma_start3A_283 : memref<1x80xf32, #tpu.memory_space<vmem>> -> memref<80xf32, #tpu.memory_space<vmem>>
      %dma_start3A_285 = arith.constant 0 : i32
      %dma_start3A_286 = tpu.memref_slice %arg11[%dma_start3A_281, %dma_start3A_285] : memref<25x80xi32, #tpu.memory_space<vmem>> -> memref<1x80xi32, #tpu.memory_space<vmem>>
      %dma_start3A_287 = tpu.memref_squeeze %dma_start3A_286 : memref<1x80xi32, #tpu.memory_space<vmem>> -> memref<80xi32, #tpu.memory_space<vmem>>
      %dma_start3A_288 = arith.constant 0 : i32
      %dma_start3A_289 = tpu.memref_slice %arg22[%dma_start3A_288] : memref<10240xf32, #tpu.memory_space<vmem_shared>> -> memref<10240xf32, #tpu.memory_space<vmem_shared>>
      tpu.enqueue_indirect_dma source(%dma_start3A_284 : memref<80xf32, #tpu.memory_space<vmem>>) target(%dma_start3A_289 : memref<10240xf32, #tpu.memory_space<vmem_shared>>) offsets(%dma_start3A_287 : memref<80xi32, #tpu.memory_space<vmem>>) semaphore(%arg31 : memref<!tpu.dma_semaphore, #tpu.memory_space<semaphore_mem>>) {add = true}
      %dma_wait3A_290 = arith.constant 24 : i32
      %dma_wait3A_291 = arith.constant 0 : i32
      %dma_wait3A_292 = tpu.memref_slice %arg10[%dma_wait3A_290, %dma_wait3A_291] : memref<25x80xi32, #tpu.memory_space<vmem>> -> memref<1x80xi32, #tpu.memory_space<vmem>>
      %dma_wait3A_293 = tpu.memref_squeeze %dma_wait3A_292 : memref<1x80xi32, #tpu.memory_space<vmem>> -> memref<80xi32, #tpu.memory_space<vmem>>
      %dma_wait3A_294 = arith.constant 0 : i32
      %dma_wait3A_295 = arith.constant 0 : i32
      %dma_wait3A_296 = tpu.memref_slice %arg7[%dma_wait3A_294, %dma_wait3A_295] : memref<10240x128xf32, #tpu.memory_space<hbm>> -> memref<10240x128xf32, #tpu.memory_space<hbm>>
      tpu.wait_indirect_dma semaphore(%arg25 : memref<!tpu.dma_semaphore, #tpu.memory_space<semaphore_mem>>) src(%dma_wait3A_296 : memref<10240x128xf32, #tpu.memory_space<hbm>>) dst(%arg12 : memref<80x128xf32, #tpu.memory_space<vmem>>)
      %broadcast_in_dim3A_297 = arith.constant 24 : i32
      %broadcast_in_dim3A_298 = vector.broadcast %broadcast_in_dim3A_297 : i32 to vector<16xi32>
      %parallel_loop3A = arith.constant 0 : i32
      %parallel_loop3A_299 = arith.constant 80 : i32
      %parallel_loop3A_300 = arith.constant 1 : i32
      scf.for %parallel_loop3A_325 = %parallel_loop3A to %parallel_loop3A_299 step %parallel_loop3A_300  : i32 {
        %parallel_loop3A_326 = vector.broadcast %parallel_loop3A_325 : i32 to vector<16xi32>
        %parallel_loop3A_327 = tpu.vector_load_idx %arg18[%broadcast_in_dim3A_298, %parallel_loop3A_326] : memref<25x80xf32, #tpu.memory_space<vmem>>[vector<16xi32>, vector<16xi32>], vector<16xf32>,
        %parallel_loop3A_328 = arith.index_cast %parallel_loop3A_325 : i32 to index
        %parallel_loop3A_329 = arith.constant 0 : index
        %parallel_loop3A_330 = tpu.vector_load %arg12[%parallel_loop3A_328, %parallel_loop3A_329] {strides = array<i32>} : memref<80x128xf32, #tpu.memory_space<vmem>>, vector<16xf32>,
        %parallel_loop3A_331 = arith.mulf %parallel_loop3A_330, %parallel_loop3A_327 : vector<16xf32>
        %parallel_loop3A_332 = arith.index_cast %parallel_loop3A_325 : i32 to index
        %parallel_loop3A_333 = arith.constant 0 : index
        %parallel_loop3A_334 = tpu.vector_load %arg12[%parallel_loop3A_332, %parallel_loop3A_333] {strides = array<i32>} : memref<80x128xf32, #tpu.memory_space<vmem>>, vector<16xf32>,
        tpu.vector_store %arg12[%parallel_loop3A_332, %parallel_loop3A_333], %parallel_loop3A_331 {strides = array<i32>} : memref<80x128xf32, #tpu.memory_space<vmem>>, vector<16xf32>,
        %parallel_loop3A_335 = arith.index_cast %parallel_loop3A_325 : i32 to index
        %parallel_loop3A_336 = arith.constant 16 : index
        %parallel_loop3A_337 = tpu.vector_load %arg12[%parallel_loop3A_335, %parallel_loop3A_336] {strides = array<i32>} : memref<80x128xf32, #tpu.memory_space<vmem>>, vector<16xf32>,
        %parallel_loop3A_338 = arith.mulf %parallel_loop3A_337, %parallel_loop3A_327 : vector<16xf32>
        %parallel_loop3A_339 = arith.index_cast %parallel_loop3A_325 : i32 to index
        %parallel_loop3A_340 = arith.constant 16 : index
        %parallel_loop3A_341 = tpu.vector_load %arg12[%parallel_loop3A_339, %parallel_loop3A_340] {strides = array<i32>} : memref<80x128xf32, #tpu.memory_space<vmem>>, vector<16xf32>,
        tpu.vector_store %arg12[%parallel_loop3A_339, %parallel_loop3A_340], %parallel_loop3A_338 {strides = array<i32>} : memref<80x128xf32, #tpu.memory_space<vmem>>, vector<16xf32>,
        %parallel_loop3A_342 = arith.index_cast %parallel_loop3A_325 : i32 to index
        %parallel_loop3A_343 = arith.constant 32 : index
        %parallel_loop3A_344 = tpu.vector_load %arg12[%parallel_loop3A_342, %parallel_loop3A_343] {strides = array<i32>} : memref<80x128xf32, #tpu.memory_space<vmem>>, vector<16xf32>,
        %parallel_loop3A_345 = arith.mulf %parallel_loop3A_344, %parallel_loop3A_327 : vector<16xf32>
        %parallel_loop3A_346 = arith.index_cast %parallel_loop3A_325 : i32 to index
        %parallel_loop3A_347 = arith.constant 32 : index
        %parallel_loop3A_348 = tpu.vector_load %arg12[%parallel_loop3A_346, %parallel_loop3A_347] {strides = array<i32>} : memref<80x128xf32, #tpu.memory_space<vmem>>, vector<16xf32>,
        tpu.vector_store %arg12[%parallel_loop3A_346, %parallel_loop3A_347], %parallel_loop3A_345 {strides = array<i32>} : memref<80x128xf32, #tpu.memory_space<vmem>>, vector<16xf32>,
        %parallel_loop3A_349 = arith.index_cast %parallel_loop3A_325 : i32 to index
        %parallel_loop3A_350 = arith.constant 48 : index
        %parallel_loop3A_351 = tpu.vector_load %arg12[%parallel_loop3A_349, %parallel_loop3A_350] {strides = array<i32>} : memref<80x128xf32, #tpu.memory_space<vmem>>, vector<16xf32>,
        %parallel_loop3A_352 = arith.mulf %parallel_loop3A_351, %parallel_loop3A_327 : vector<16xf32>
        %parallel_loop3A_353 = arith.index_cast %parallel_loop3A_325 : i32 to index
        %parallel_loop3A_354 = arith.constant 48 : index
        %parallel_loop3A_355 = tpu.vector_load %arg12[%parallel_loop3A_353, %parallel_loop3A_354] {strides = array<i32>} : memref<80x128xf32, #tpu.memory_space<vmem>>, vector<16xf32>,
        tpu.vector_store %arg12[%parallel_loop3A_353, %parallel_loop3A_354], %parallel_loop3A_352 {strides = array<i32>} : memref<80x128xf32, #tpu.memory_space<vmem>>, vector<16xf32>,
        %parallel_loop3A_356 = arith.index_cast %parallel_loop3A_325 : i32 to index
        %parallel_loop3A_357 = arith.constant 64 : index
        %parallel_loop3A_358 = tpu.vector_load %arg12[%parallel_loop3A_356, %parallel_loop3A_357] {strides = array<i32>} : memref<80x128xf32, #tpu.memory_space<vmem>>, vector<16xf32>,
        %parallel_loop3A_359 = arith.mulf %parallel_loop3A_358, %parallel_loop3A_327 : vector<16xf32>
        %parallel_loop3A_360 = arith.index_cast %parallel_loop3A_325 : i32 to index
        %parallel_loop3A_361 = arith.constant 64 : index
        %parallel_loop3A_362 = tpu.vector_load %arg12[%parallel_loop3A_360, %parallel_loop3A_361] {strides = array<i32>} : memref<80x128xf32, #tpu.memory_space<vmem>>, vector<16xf32>,
        tpu.vector_store %arg12[%parallel_loop3A_360, %parallel_loop3A_361], %parallel_loop3A_359 {strides = array<i32>} : memref<80x128xf32, #tpu.memory_space<vmem>>, vector<16xf32>,
        %parallel_loop3A_363 = arith.index_cast %parallel_loop3A_325 : i32 to index
        %parallel_loop3A_364 = arith.constant 80 : index
        %parallel_loop3A_365 = tpu.vector_load %arg12[%parallel_loop3A_363, %parallel_loop3A_364] {strides = array<i32>} : memref<80x128xf32, #tpu.memory_space<vmem>>, vector<16xf32>,
        %parallel_loop3A_366 = arith.mulf %parallel_loop3A_365, %parallel_loop3A_327 : vector<16xf32>
        %parallel_loop3A_367 = arith.index_cast %parallel_loop3A_325 : i32 to index
        %parallel_loop3A_368 = arith.constant 80 : index
        %parallel_loop3A_369 = tpu.vector_load %arg12[%parallel_loop3A_367, %parallel_loop3A_368] {strides = array<i32>} : memref<80x128xf32, #tpu.memory_space<vmem>>, vector<16xf32>,
        tpu.vector_store %arg12[%parallel_loop3A_367, %parallel_loop3A_368], %parallel_loop3A_366 {strides = array<i32>} : memref<80x128xf32, #tpu.memory_space<vmem>>, vector<16xf32>,
        %parallel_loop3A_370 = arith.index_cast %parallel_loop3A_325 : i32 to index
        %parallel_loop3A_371 = arith.constant 96 : index
        %parallel_loop3A_372 = tpu.vector_load %arg12[%parallel_loop3A_370, %parallel_loop3A_371] {strides = array<i32>} : memref<80x128xf32, #tpu.memory_space<vmem>>, vector<16xf32>,
        %parallel_loop3A_373 = arith.mulf %parallel_loop3A_372, %parallel_loop3A_327 : vector<16xf32>
        %parallel_loop3A_374 = arith.index_cast %parallel_loop3A_325 : i32 to index
        %parallel_loop3A_375 = arith.constant 96 : index
        %parallel_loop3A_376 = tpu.vector_load %arg12[%parallel_loop3A_374, %parallel_loop3A_375] {strides = array<i32>} : memref<80x128xf32, #tpu.memory_space<vmem>>, vector<16xf32>,
        tpu.vector_store %arg12[%parallel_loop3A_374, %parallel_loop3A_375], %parallel_loop3A_373 {strides = array<i32>} : memref<80x128xf32, #tpu.memory_space<vmem>>, vector<16xf32>,
        %parallel_loop3A_377 = arith.index_cast %parallel_loop3A_325 : i32 to index
        %parallel_loop3A_378 = arith.constant 112 : index
        %parallel_loop3A_379 = tpu.vector_load %arg12[%parallel_loop3A_377, %parallel_loop3A_378] {strides = array<i32>} : memref<80x128xf32, #tpu.memory_space<vmem>>, vector<16xf32>,
        %parallel_loop3A_380 = arith.mulf %parallel_loop3A_379, %parallel_loop3A_327 : vector<16xf32>
        %parallel_loop3A_381 = arith.index_cast %parallel_loop3A_325 : i32 to index
        %parallel_loop3A_382 = arith.constant 112 : index
        %parallel_loop3A_383 = tpu.vector_load %arg12[%parallel_loop3A_381, %parallel_loop3A_382] {strides = array<i32>} : memref<80x128xf32, #tpu.memory_space<vmem>>, vector<16xf32>,
        tpu.vector_store %arg12[%parallel_loop3A_381, %parallel_loop3A_382], %parallel_loop3A_380 {strides = array<i32>} : memref<80x128xf32, #tpu.memory_space<vmem>>, vector<16xf32>,
      } {sc.loop_unroll_factor = 4 : i64, sc.parallel_access}
      %dma_start3A_301 = arith.constant 24 : i32
      %dma_start3A_302 = arith.constant 0 : i32
      %dma_start3A_303 = tpu.memref_slice %arg11[%dma_start3A_301, %dma_start3A_302] : memref<25x80xi32, #tpu.memory_space<vmem>> -> memref<1x80xi32, #tpu.memory_space<vmem>>
      %dma_start3A_304 = tpu.memref_squeeze %dma_start3A_303 : memref<1x80xi32, #tpu.memory_space<vmem>> -> memref<80xi32, #tpu.memory_space<vmem>>
      %dma_start3A_305 = arith.constant 0 : i32
      %dma_start3A_306 = arith.constant 0 : i32
      %dma_start3A_307 = tpu.memref_slice %arg21[%dma_start3A_305, %dma_start3A_306] : memref<10240x128xf32, #tpu.memory_space<vmem_shared>> -> memref<10240x128xf32, #tpu.memory_space<vmem_shared>>
      tpu.enqueue_indirect_dma source(%arg12 : memref<80x128xf32, #tpu.memory_space<vmem>>) target(%dma_start3A_307 : memref<10240x128xf32, #tpu.memory_space<vmem_shared>>) offsets(%dma_start3A_304 : memref<80xi32, #tpu.memory_space<vmem>>) semaphore(%arg29 : memref<!tpu.dma_semaphore, #tpu.memory_space<semaphore_mem>>) {add = true}
      %dma_wait3A_308 = arith.constant 24 : i32
      %dma_wait3A_309 = arith.constant 24 : i32
      %dma_wait3A_310 = arith.constant 0 : i32
      %dma_wait3A_311 = tpu.memref_slice %arg18[%dma_wait3A_308, %dma_wait3A_310] : memref<25x80xf32, #tpu.memory_space<vmem>> -> memref<1x80xf32, #tpu.memory_space<vmem>>
      %dma_wait3A_312 = tpu.memref_squeeze %dma_wait3A_311 : memref<1x80xf32, #tpu.memory_space<vmem>> -> memref<80xf32, #tpu.memory_space<vmem>>
      %dma_wait3A_313 = arith.constant 0 : i32
      %dma_wait3A_314 = tpu.memref_slice %arg11[%dma_wait3A_309, %dma_wait3A_313] : memref<25x80xi32, #tpu.memory_space<vmem>> -> memref<1x80xi32, #tpu.memory_space<vmem>>
      %dma_wait3A_315 = tpu.memref_squeeze %dma_wait3A_314 : memref<1x80xi32, #tpu.memory_space<vmem>> -> memref<80xi32, #tpu.memory_space<vmem>>
      %dma_wait3A_316 = arith.constant 0 : i32
      %dma_wait3A_317 = tpu.memref_slice %arg22[%dma_wait3A_316] : memref<10240xf32, #tpu.memory_space<vmem_shared>> -> memref<10240xf32, #tpu.memory_space<vmem_shared>>
      tpu.wait_indirect_dma semaphore(%arg31 : memref<!tpu.dma_semaphore, #tpu.memory_space<semaphore_mem>>) src(%dma_wait3A_312 : memref<80xf32, #tpu.memory_space<vmem>>) dst(%dma_wait3A_317 : memref<10240xf32, #tpu.memory_space<vmem_shared>>)
      %dma_wait3A_318 = arith.constant 24 : i32
      %dma_wait3A_319 = arith.constant 0 : i32
      %dma_wait3A_320 = tpu.memref_slice %arg11[%dma_wait3A_318, %dma_wait3A_319] : memref<25x80xi32, #tpu.memory_space<vmem>> -> memref<1x80xi32, #tpu.memory_space<vmem>>
      %dma_wait3A_321 = tpu.memref_squeeze %dma_wait3A_320 : memref<1x80xi32, #tpu.memory_space<vmem>> -> memref<80xi32, #tpu.memory_space<vmem>>
      %dma_wait3A_322 = arith.constant 0 : i32
      %dma_wait3A_323 = arith.constant 0 : i32
      %dma_wait3A_324 = tpu.memref_slice %arg21[%dma_wait3A_322, %dma_wait3A_323] : memref<10240x128xf32, #tpu.memory_space<vmem_shared>> -> memref<10240x128xf32, #tpu.memory_space<vmem_shared>>
      tpu.wait_indirect_dma semaphore(%arg29 : memref<!tpu.dma_semaphore, #tpu.memory_space<semaphore_mem>>) src(%arg12 : memref<80x128xf32, #tpu.memory_space<vmem>>) dst(%dma_wait3A_324 : memref<10240x128xf32, #tpu.memory_space<vmem_shared>>)
    }
    %scan3A_60 = arith.constant 5 : i32
    %barrier3A_61 = arith.constant 0 : index
    tpu.barrier barrier_id(%barrier3A_61)
    %mul3A_62 = arith.constant 640 : i32
    %mul3A_63 = arith.muli %arg1, %mul3A_62 : i32
    %mul3A_64 = arith.constant 640 : i32
    %mul3A_65 = arith.muli %arg1, %mul3A_64 : i32
    "tpu.region"() ({
      %run_scoped3A = tpu.sem_alloc : memref<!tpu.dma_semaphore, #tpu.memory_space<semaphore_mem>>
      %dma_start3A = arith.constant 0 : i32
      %dma_start3A_70 = tpu.memref_slice %arg8[%arg0, %mul3A_65, %dma_start3A] : memref<2x10240x128xf32, #tpu.memory_space<hbm>> -> memref<1x640x128xf32, #tpu.memory_space<hbm>>
      %dma_start3A_71 = tpu.memref_squeeze %dma_start3A_70 : memref<1x640x128xf32, #tpu.memory_space<hbm>> -> memref<640x128xf32, #tpu.memory_space<hbm>>
      %dma_start3A_72 = arith.constant 0 : i32
      %dma_start3A_73 = tpu.memref_slice %arg21[%mul3A_63, %dma_start3A_72] : memref<10240x128xf32, #tpu.memory_space<vmem_shared>> -> memref<640x128xf32, #tpu.memory_space<vmem_shared>>
      tpu.enqueue_dma source(%dma_start3A_73 : memref<640x128xf32, #tpu.memory_space<vmem_shared>>) target(%dma_start3A_71 : memref<640x128xf32, #tpu.memory_space<hbm>>) target_semaphore(%run_scoped3A : memref<!tpu.dma_semaphore, #tpu.memory_space<semaphore_mem>>)
      %dma_wait3A = arith.constant 0 : i32
      %dma_wait3A_74 = tpu.memref_slice %arg8[%arg0, %mul3A_65, %dma_wait3A] : memref<2x10240x128xf32, #tpu.memory_space<hbm>> -> memref<1x640x128xf32, #tpu.memory_space<hbm>>
      %dma_wait3A_75 = tpu.memref_squeeze %dma_wait3A_74 : memref<1x640x128xf32, #tpu.memory_space<hbm>> -> memref<640x128xf32, #tpu.memory_space<hbm>>
      %dma_wait3A_76 = arith.constant 0 : i32
      %dma_wait3A_77 = tpu.memref_slice %arg21[%mul3A_63, %dma_wait3A_76] : memref<10240x128xf32, #tpu.memory_space<vmem_shared>> -> memref<640x128xf32, #tpu.memory_space<vmem_shared>>
      tpu.wait_dma2 semaphore(%run_scoped3A : memref<!tpu.dma_semaphore, #tpu.memory_space<semaphore_mem>>) src(%dma_wait3A_77 : memref<640x128xf32, #tpu.memory_space<vmem_shared>>) dst(%dma_wait3A_75 : memref<640x128xf32, #tpu.memory_space<hbm>>)
      tpu.yield
    }) : () -> ()
    %mul3A_66 = arith.constant 640 : i32
    %mul3A_67 = arith.muli %arg1, %mul3A_66 : i32
    %mul3A_68 = arith.constant 640 : i32
    %mul3A_69 = arith.muli %arg1, %mul3A_68 : i32
    "tpu.region"() ({
      %run_scoped3A = tpu.sem_alloc : memref<!tpu.dma_semaphore, #tpu.memory_space<semaphore_mem>>
      %dma_start3A = tpu.memref_slice %arg9[%arg0, %mul3A_69] : memref<2x10240xf32, #tpu.memory_space<hbm>> -> memref<1x640xf32, #tpu.memory_space<hbm>>
      %dma_start3A_70 = tpu.memref_squeeze %dma_start3A : memref<1x640xf32, #tpu.memory_space<hbm>> -> memref<640xf32, #tpu.memory_space<hbm>>
      %dma_start3A_71 = tpu.memref_slice %arg22[%mul3A_67] : memref<10240xf32, #tpu.memory_space<vmem_shared>> -> memref<640xf32, #tpu.memory_space<vmem_shared>>
      tpu.enqueue_dma source(%dma_start3A_71 : memref<640xf32, #tpu.memory_space<vmem_shared>>) target(%dma_start3A_70 : memref<640xf32, #tpu.memory_space<hbm>>) target_semaphore(%run_scoped3A : memref<!tpu.dma_semaphore, #tpu.memory_space<semaphore_mem>>)
      %dma_wait3A = tpu.memref_slice %arg9[%arg0, %mul3A_69] : memref<2x10240xf32, #tpu.memory_space<hbm>> -> memref<1x640xf32, #tpu.memory_space<hbm>>
      %dma_wait3A_72 = tpu.memref_squeeze %dma_wait3A : memref<1x640xf32, #tpu.memory_space<hbm>> -> memref<640xf32, #tpu.memory_space<hbm>>
      %dma_wait3A_73 = tpu.memref_slice %arg22[%mul3A_67] : memref<10240xf32, #tpu.memory_space<vmem_shared>> -> memref<640xf32, #tpu.memory_space<vmem_shared>>
      tpu.wait_dma2 semaphore(%run_scoped3A : memref<!tpu.dma_semaphore, #tpu.memory_space<semaphore_mem>>) src(%dma_wait3A_73 : memref<640xf32, #tpu.memory_space<vmem_shared>>) dst(%dma_wait3A_72 : memref<640xf32, #tpu.memory_space<hbm>>)
      tpu.yield
    }) : () -> ()
    return
  }
}

module attributes {stable_mosaic.version = 14 : i64} {
  func.func @body(%arg0: i32, %arg1: memref<1024x128xf32, #tpu.memory_space<vmem>>, %arg2: memref<128x128xf32, #tpu.memory_space<vmem>>, %arg3: memref<1x128xf32, #tpu.memory_space<vmem>>, %arg4: memref<1x128xf32, #tpu.memory_space<vmem>>, %arg5: memref<1024x128xf32, #tpu.memory_space<vmem>>, %arg6: memref<8x128xf32, #tpu.memory_space<vmem>>, %arg7: memref<8x128xf32, #tpu.memory_space<vmem>>, %arg8: memref<8x128xf32, #tpu.memory_space<vmem>>, %arg9: memref<8x128xf32, #tpu.memory_space<vmem>>, %arg10: memref<8x128xf32, #tpu.memory_space<vmem>>) attributes {dimension_semantics = [#tpu.dimension_semantics<arbitrary>], iteration_bounds = array<i64: 10>, scalar_prefetch = 0 : i64, scratch_operands = 2 : i64, tpu.core_type = #tpu.core_type<tc>, window_params = [{transform_indices = @transform_0, window_bounds = array<i64: 1024, 128>}, {pipeline_mode = #tpu.pipeline_mode<synchronous>, transform_indices = @transform_1, window_bounds = array<i64: 128, 128>}, {pipeline_mode = #tpu.pipeline_mode<synchronous>, transform_indices = @transform_2, window_bounds = array<i64: 1, 128>}, {pipeline_mode = #tpu.pipeline_mode<synchronous>, transform_indices = @transform_3, window_bounds = array<i64: 1, 128>}, {transform_indices = @transform_4, window_bounds = array<i64: 1024, 128>}, {transform_indices = @transform_5, window_bounds = array<i64: 8, 128>}, {transform_indices = @transform_6, window_bounds = array<i64: 8, 128>}, {pipeline_mode = #tpu.pipeline_mode<synchronous>, transform_indices = @transform_7, window_bounds = array<i64: 8, 128>}]} {
    %get3A = arith.constant 0 : index
    %get3A_0 = arith.constant 0 : index
    %get3A_1 = vector.load %arg1[%get3A, %get3A_0] : memref<1024x128xf32, #tpu.memory_space<vmem>>, vector<1024x128xf32>
    %get3A_2 = arith.constant 0 : index
    %get3A_3 = arith.constant 0 : index
    %get3A_4 = vector.load %arg2[%get3A_2, %get3A_3] : memref<128x128xf32, #tpu.memory_space<vmem>>, vector<128x128xf32>
    %dot_general3A = arith.constant dense<0.000000e+00> : vector<1024x128xf32>
    %dot_general3A_5 = tpu.matmul %get3A_1, %get3A_4, %dot_general3A {dimension_numbers = #tpu.dot_dimension_numbers<[1], [0], [0], [1], [0, 0, 1, 1], [], []>, transpose_lhs_hint = false} : vector<1024x128xf32>, vector<128x128xf32>, vector<1024x128xf32> -> vector<1024x128xf32>
    %swap3A = arith.constant 0 : index
    %swap3A_6 = arith.constant 0 : index
    %swap3A_7 = vector.load %arg5[%swap3A, %swap3A_6] : memref<1024x128xf32, #tpu.memory_space<vmem>>, vector<1024x128xf32>
    tpu.vector_store %arg5[%swap3A, %swap3A_6], %dot_general3A_5 {strides = array<i32>} : memref<1024x128xf32, #tpu.memory_space<vmem>>, vector<1024x128xf32>,
    %get3A_8 = arith.constant 0 : index
    %get3A_9 = arith.constant 0 : index
    %get3A_10 = vector.load %arg3[%get3A_8, %get3A_9] : memref<1x128xf32, #tpu.memory_space<vmem>>, vector<1x128xf32>
    %mul3A = vector.broadcast %get3A_10 : vector<1x128xf32> to vector<1024x128xf32>
    %mul3A_11 = arith.mulf %dot_general3A_5, %mul3A : vector<1024x128xf32>
    %reduce_sum3A = arith.constant dense<0.000000e+00> : vector<1024xf32>
    %reduce_sum3A_12 = vector.multi_reduction <add>, %mul3A_11, %reduce_sum3A [1] : vector<1024x128xf32> to vector<1024xf32>
    %reshape3A = vector.shape_cast %reduce_sum3A_12 : vector<1024xf32> to vector<8x128xf32>
    %get3A_13 = arith.constant 0 : index
    %get3A_14 = arith.constant 0 : index
    %get3A_15 = vector.load %arg4[%get3A_13, %get3A_14] : memref<1x128xf32, #tpu.memory_space<vmem>>, vector<1x128xf32>
    %mul3A_16 = vector.broadcast %get3A_15 : vector<1x128xf32> to vector<1024x128xf32>
    %mul3A_17 = arith.mulf %dot_general3A_5, %mul3A_16 : vector<1024x128xf32>
    %reduce_sum3A_18 = arith.constant dense<0.000000e+00> : vector<1024xf32>
    %reduce_sum3A_19 = vector.multi_reduction <add>, %mul3A_17, %reduce_sum3A_18 [1] : vector<1024x128xf32> to vector<1024xf32>
    %reshape3A_20 = vector.shape_cast %reduce_sum3A_19 : vector<1024xf32> to vector<8x128xf32>
    %swap3A_21 = arith.constant 0 : index
    %swap3A_22 = arith.constant 0 : index
    %swap3A_23 = vector.load %arg6[%swap3A_21, %swap3A_22] : memref<8x128xf32, #tpu.memory_space<vmem>>, vector<8x128xf32>
    tpu.vector_store %arg6[%swap3A_21, %swap3A_22], %reshape3A {strides = array<i32>} : memref<8x128xf32, #tpu.memory_space<vmem>>, vector<8x128xf32>,
    %swap3A_24 = arith.constant 0 : index
    %swap3A_25 = arith.constant 0 : index
    %swap3A_26 = vector.load %arg7[%swap3A_24, %swap3A_25] : memref<8x128xf32, #tpu.memory_space<vmem>>, vector<8x128xf32>
    tpu.vector_store %arg7[%swap3A_24, %swap3A_25], %reshape3A_20 {strides = array<i32>} : memref<8x128xf32, #tpu.memory_space<vmem>>, vector<8x128xf32>,
    %eq3A = arith.constant 0 : i32
    %eq3A_27 = arith.cmpi eq, %arg0, %eq3A : i32
    %convert_element_type3A = arith.extui %eq3A_27 : i1 to i32
    %cond3A = arith.constant 0 : i32
    %cond3A_28 = arith.cmpi ne, %convert_element_type3A, %cond3A : i32
    scf.if %cond3A_28 {
      %broadcast_in_dim3A = arith.constant 0xFF800000 : f32
      %broadcast_in_dim3A_47 = vector.broadcast %broadcast_in_dim3A : f32 to vector<8x128xf32>
      %swap3A_48 = arith.constant 0 : index
      %swap3A_49 = arith.constant 0 : index
      %swap3A_50 = vector.load %arg9[%swap3A_48, %swap3A_49] : memref<8x128xf32, #tpu.memory_space<vmem>>, vector<8x128xf32>
      tpu.vector_store %arg9[%swap3A_48, %swap3A_49], %broadcast_in_dim3A_47 {strides = array<i32>} : memref<8x128xf32, #tpu.memory_space<vmem>>, vector<8x128xf32>,
      %broadcast_in_dim3A_51 = arith.constant 0xFF800000 : f32
      %broadcast_in_dim3A_52 = vector.broadcast %broadcast_in_dim3A_51 : f32 to vector<8x128xf32>
      %swap3A_53 = arith.constant 0 : index
      %swap3A_54 = arith.constant 0 : index
      %swap3A_55 = vector.load %arg10[%swap3A_53, %swap3A_54] : memref<8x128xf32, #tpu.memory_space<vmem>>, vector<8x128xf32>
      tpu.vector_store %arg10[%swap3A_53, %swap3A_54], %broadcast_in_dim3A_52 {strides = array<i32>} : memref<8x128xf32, #tpu.memory_space<vmem>>, vector<8x128xf32>,
    } else {
    }
    %get3A_29 = arith.constant 0 : index
    %get3A_30 = arith.constant 0 : index
    %get3A_31 = vector.load %arg9[%get3A_29, %get3A_30] : memref<8x128xf32, #tpu.memory_space<vmem>>, vector<8x128xf32>
    %max3A = arith.maximumf %get3A_31, %reshape3A : vector<8x128xf32>
    %swap3A_32 = arith.constant 0 : index
    %swap3A_33 = arith.constant 0 : index
    %swap3A_34 = vector.load %arg9[%swap3A_32, %swap3A_33] : memref<8x128xf32, #tpu.memory_space<vmem>>, vector<8x128xf32>
    tpu.vector_store %arg9[%swap3A_32, %swap3A_33], %max3A {strides = array<i32>} : memref<8x128xf32, #tpu.memory_space<vmem>>, vector<8x128xf32>,
    %get3A_35 = arith.constant 0 : index
    %get3A_36 = arith.constant 0 : index
    %get3A_37 = vector.load %arg10[%get3A_35, %get3A_36] : memref<8x128xf32, #tpu.memory_space<vmem>>, vector<8x128xf32>
    %max3A_38 = arith.maximumf %get3A_37, %reshape3A_20 : vector<8x128xf32>
    %swap3A_39 = arith.constant 0 : index
    %swap3A_40 = arith.constant 0 : index
    %swap3A_41 = vector.load %arg10[%swap3A_39, %swap3A_40] : memref<8x128xf32, #tpu.memory_space<vmem>>, vector<8x128xf32>
    tpu.vector_store %arg10[%swap3A_39, %swap3A_40], %max3A_38 {strides = array<i32>} : memref<8x128xf32, #tpu.memory_space<vmem>>, vector<8x128xf32>,
    %eq3A_42 = arith.constant 9 : i32
    %eq3A_43 = arith.cmpi eq, %arg0, %eq3A_42 : i32
    %convert_element_type3A_44 = arith.extui %eq3A_43 : i1 to i32
    %cond3A_45 = arith.constant 0 : i32
    %cond3A_46 = arith.cmpi ne, %convert_element_type3A_44, %cond3A_45 : i32
    scf.if %cond3A_46 {
      %get3A_47 = arith.constant 0 : index
      %get3A_48 = arith.constant 0 : index
      %get3A_49 = vector.load %arg9[%get3A_47, %get3A_48] : memref<8x128xf32, #tpu.memory_space<vmem>>, vector<8x128xf32>
      %reduce_max3A = vector.shape_cast %get3A_49 : vector<8x128xf32> to vector<1x8x128xf32>
      %reduce_max3A_50 = arith.constant dense<0xFF800000> : vector<1xf32>
      %reduce_max3A_51 = vector.multi_reduction <maximumf>, %reduce_max3A, %reduce_max3A_50 [1, 2] : vector<1x8x128xf32> to vector<1xf32>
      %reduce_max3A_52 = vector.shape_cast %reduce_max3A_51 : vector<1xf32> to vector<1x1x1xf32>
      %reduce_max3A_53 = vector.extract %reduce_max3A_52[0, 0, 0] : f32 from vector<1x1x1xf32>
      %get3A_54 = arith.constant 0 : index
      %get3A_55 = arith.constant 0 : index
      %get3A_56 = vector.load %arg10[%get3A_54, %get3A_55] : memref<8x128xf32, #tpu.memory_space<vmem>>, vector<8x128xf32>
      %reduce_max3A_57 = vector.shape_cast %get3A_56 : vector<8x128xf32> to vector<1x8x128xf32>
      %reduce_max3A_58 = arith.constant dense<0xFF800000> : vector<1xf32>
      %reduce_max3A_59 = vector.multi_reduction <maximumf>, %reduce_max3A_57, %reduce_max3A_58 [1, 2] : vector<1x8x128xf32> to vector<1xf32>
      %reduce_max3A_60 = vector.shape_cast %reduce_max3A_59 : vector<1xf32> to vector<1x1x1xf32>
      %reduce_max3A_61 = vector.extract %reduce_max3A_60[0, 0, 0] : f32 from vector<1x1x1xf32>
      %add3A = arith.addf %reduce_max3A_53, %reduce_max3A_61 : f32
      %max3A_62 = arith.constant 0.000000e+00 : f32
      %max3A_63 = arith.maximumf %add3A, %max3A_62 : f32
      %broadcast_in_dim3A = vector.broadcast %max3A_63 : f32 to vector<8x128xf32>
      %swap3A_64 = arith.constant 0 : index
      %swap3A_65 = arith.constant 0 : index
      %swap3A_66 = vector.load %arg8[%swap3A_64, %swap3A_65] : memref<8x128xf32, #tpu.memory_space<vmem>>, vector<8x128xf32>
      tpu.vector_store %arg8[%swap3A_64, %swap3A_65], %broadcast_in_dim3A {strides = array<i32>} : memref<8x128xf32, #tpu.memory_space<vmem>>, vector<8x128xf32>,
    } else {
    }
    return
  }
  func.func @transform_0(%arg0: i32) -> (i32, i32) {
    %c0_i32 = arith.constant 0 : i32
    %c0_i32_0 = arith.constant 0 : i32
    return %arg0, %c0_i32 : i32, i32
  }
  func.func @transform_1(%arg0: i32) -> (i32, i32) {
    %c0_i32 = arith.constant 0 : i32
    %c0_i32_0 = arith.constant 0 : i32
    %c0_i32_1 = arith.constant 0 : i32
    return %c0_i32, %c0_i32_0 : i32, i32
  }
  func.func @transform_2(%arg0: i32) -> (i32, i32) {
    %c0_i32 = arith.constant 0 : i32
    %c0_i32_0 = arith.constant 0 : i32
    %c0_i32_1 = arith.constant 0 : i32
    return %c0_i32, %c0_i32_0 : i32, i32
  }
  func.func @transform_3(%arg0: i32) -> (i32, i32) {
    %c0_i32 = arith.constant 0 : i32
    %c0_i32_0 = arith.constant 0 : i32
    %c0_i32_1 = arith.constant 0 : i32
    return %c0_i32, %c0_i32_0 : i32, i32
  }
  func.func @transform_4(%arg0: i32) -> (i32, i32) {
    %c0_i32 = arith.constant 0 : i32
    %c0_i32_0 = arith.constant 0 : i32
    return %arg0, %c0_i32 : i32, i32
  }
  func.func @transform_5(%arg0: i32) -> (i32, i32) {
    %c0_i32 = arith.constant 0 : i32
    %c0_i32_0 = arith.constant 0 : i32
    return %arg0, %c0_i32 : i32, i32
  }
  func.func @transform_6(%arg0: i32) -> (i32, i32) {
    %c0_i32 = arith.constant 0 : i32
    %c0_i32_0 = arith.constant 0 : i32
    return %arg0, %c0_i32 : i32, i32
  }
  func.func @transform_7(%arg0: i32) -> (i32, i32) {
    %c0_i32 = arith.constant 0 : i32
    %c0_i32_0 = arith.constant 0 : i32
    %c0_i32_1 = arith.constant 0 : i32
    return %c0_i32, %c0_i32_0 : i32, i32
  }
}

module attributes {stable_mosaic.version = 14 : i64} {
  func.func @body(%arg0: i32, %arg1: memref<2x2048x128xf32, #tpu.memory_space<vmem>>, %arg2: memref<2048x128xf32, #tpu.memory_space<vmem>>, %arg3: memref<2048x1xf32, #tpu.memory_space<vmem>>, %arg4: memref<2048x1xf32, #tpu.memory_space<vmem>>, %arg5: memref<2048x1xf32, #tpu.memory_space<vmem>>, %arg6: memref<2048x1xf32, #tpu.memory_space<vmem>>, %arg7: memref<1x1xf32, #tpu.memory_space<vmem>>, %arg8: memref<1x128xf32, #tpu.memory_space<vmem>>, %arg9: memref<2048x128xf32, #tpu.memory_space<vmem>>) attributes {dimension_semantics = [#tpu.dimension_semantics<arbitrary>], iteration_bounds = array<i64: 5>, scalar_prefetch = 0 : i64, scratch_operands = 0 : i64, tpu.core_type = #tpu.core_type<tc>, window_params = [{transform_indices = @transform_0, window_bounds = array<i64: 2, 2048, 128>}, {transform_indices = @transform_1, window_bounds = array<i64: 2048, 128>}, {transform_indices = @transform_2, window_bounds = array<i64: 2048, 1>}, {transform_indices = @transform_3, window_bounds = array<i64: 2048, 1>}, {transform_indices = @transform_4, window_bounds = array<i64: 2048, 1>}, {transform_indices = @transform_5, window_bounds = array<i64: 2048, 1>}, {pipeline_mode = #tpu.pipeline_mode<synchronous>, transform_indices = @transform_6, window_bounds = array<i64: 1, 1>}, {pipeline_mode = #tpu.pipeline_mode<synchronous>, transform_indices = @transform_7, window_bounds = array<i64: 1, 128>}, {transform_indices = @transform_8, window_bounds = array<i64: 2048, 128>}]} {
    %get3A = arith.constant 0 : index
    %get3A_0 = arith.constant 0 : index
    %get3A_1 = vector.load %arg3[%get3A, %get3A_0] : memref<2048x1xf32, #tpu.memory_space<vmem>>, vector<2048x1xf32>
    %get3A_2 = arith.constant 0 : index
    %get3A_3 = arith.constant 0 : index
    %get3A_4 = vector.load %arg4[%get3A_2, %get3A_3] : memref<2048x1xf32, #tpu.memory_space<vmem>>, vector<2048x1xf32>
    %add3A = arith.addf %get3A_1, %get3A_4 : vector<2048x1xf32>
    %ge3A = arith.constant 0.000000e+00 : f32
    %ge3A_5 = vector.broadcast %ge3A : f32 to vector<2048x1xf32>
    %ge3A_6 = arith.cmpf oge, %add3A, %ge3A_5 : vector<2048x1xf32>
    %mul3A = arith.constant 2.000000e-01 : f32
    %mul3A_7 = vector.broadcast %mul3A : f32 to vector<2048x1xf32>
    %mul3A_8 = arith.mulf %mul3A_7, %add3A : vector<2048x1xf32>
    %select_n3A = arith.select %ge3A_6, %add3A, %mul3A_8 : vector<2048x1xi1>, vector<2048x1xf32>
    %get3A_9 = arith.constant 0 : index
    %get3A_10 = arith.constant 0 : index
    %get3A_11 = vector.load %arg7[%get3A_9, %get3A_10] : memref<1x1xf32, #tpu.memory_space<vmem>>, vector<1x1xf32>
    %sub3A = vector.broadcast %get3A_11 : vector<1x1xf32> to vector<2048x1xf32>
    %sub3A_12 = arith.subf %select_n3A, %sub3A : vector<2048x1xf32>
    %exp3A = math.exp %sub3A_12 : vector<2048x1xf32>
    %get3A_13 = arith.constant 0 : index
    %get3A_14 = arith.constant 0 : index
    %get3A_15 = vector.load %arg5[%get3A_13, %get3A_14] : memref<2048x1xf32, #tpu.memory_space<vmem>>, vector<2048x1xf32>
    %get3A_16 = arith.constant 0 : index
    %get3A_17 = arith.constant 0 : index
    %get3A_18 = vector.load %arg6[%get3A_16, %get3A_17] : memref<2048x1xf32, #tpu.memory_space<vmem>>, vector<2048x1xf32>
    %add3A_19 = arith.addf %get3A_15, %get3A_18 : vector<2048x1xf32>
    %add3A_20 = arith.addf %add3A_19, %exp3A : vector<2048x1xf32>
    %add3A_21 = arith.constant 1.000000e-16 : f32
    %add3A_22 = vector.broadcast %add3A_21 : f32 to vector<2048x1xf32>
    %add3A_23 = arith.addf %add3A_20, %add3A_22 : vector<2048x1xf32>
    %div3A = arith.constant 1.000000e+00 : f32
    %div3A_24 = vector.broadcast %div3A : f32 to vector<2048x1xf32>
    %div3A_25 = arith.divf %div3A_24, %add3A_23 : vector<2048x1xf32>
    %get3A_26 = arith.constant 0 : index
    %get3A_27 = arith.constant 0 : index
    %get3A_28 = arith.constant 0 : index
    %get3A_29 = vector.load %arg1[%get3A_26, %get3A_27, %get3A_28] : memref<2x2048x128xf32, #tpu.memory_space<vmem>>, vector<2x2048x128xf32>
    %slice3A = vector.extract_strided_slice %get3A_29 {offsets = [0, 0, 0], sizes = [1, 2048, 128], strides = [1, 1, 1]} : vector<2x2048x128xf32> to vector<1x2048x128xf32>
    %squeeze3A = vector.shape_cast %slice3A : vector<1x2048x128xf32> to vector<2048x128xf32>
    %slice3A_30 = vector.extract_strided_slice %get3A_29 {offsets = [1, 0, 0], sizes = [1, 2048, 128], strides = [1, 1, 1]} : vector<2x2048x128xf32> to vector<1x2048x128xf32>
    %squeeze3A_31 = vector.shape_cast %slice3A_30 : vector<1x2048x128xf32> to vector<2048x128xf32>
    %add3A_32 = arith.addf %squeeze3A, %squeeze3A_31 : vector<2048x128xf32>
    %get3A_33 = arith.constant 0 : index
    %get3A_34 = arith.constant 0 : index
    %get3A_35 = vector.load %arg2[%get3A_33, %get3A_34] : memref<2048x128xf32, #tpu.memory_space<vmem>>, vector<2048x128xf32>
    %mul3A_36 = vector.broadcast %exp3A : vector<2048x1xf32> to vector<2048x128xf32>
    %mul3A_37 = arith.mulf %get3A_35, %mul3A_36 : vector<2048x128xf32>
    %add3A_38 = arith.addf %add3A_32, %mul3A_37 : vector<2048x128xf32>
    %mul3A_39 = vector.broadcast %div3A_25 : vector<2048x1xf32> to vector<2048x128xf32>
    %mul3A_40 = arith.mulf %add3A_38, %mul3A_39 : vector<2048x128xf32>
    %get3A_41 = arith.constant 0 : index
    %get3A_42 = arith.constant 0 : index
    %get3A_43 = vector.load %arg8[%get3A_41, %get3A_42] : memref<1x128xf32, #tpu.memory_space<vmem>>, vector<1x128xf32>
    %add3A_44 = vector.broadcast %get3A_43 : vector<1x128xf32> to vector<2048x128xf32>
    %add3A_45 = arith.addf %mul3A_40, %add3A_44 : vector<2048x128xf32>
    %swap3A = arith.constant 0 : index
    %swap3A_46 = arith.constant 0 : index
    %swap3A_47 = vector.load %arg9[%swap3A, %swap3A_46] : memref<2048x128xf32, #tpu.memory_space<vmem>>, vector<2048x128xf32>
    tpu.vector_store %arg9[%swap3A, %swap3A_46], %add3A_45 {strides = array<i32>} : memref<2048x128xf32, #tpu.memory_space<vmem>>, vector<2048x128xf32>,
    return
  }
  func.func @transform_0(%arg0: i32) -> (i32, i32, i32) {
    %c0_i32 = arith.constant 0 : i32
    %c0_i32_0 = arith.constant 0 : i32
    %c0_i32_1 = arith.constant 0 : i32
    return %c0_i32, %arg0, %c0_i32_0 : i32, i32, i32
  }
  func.func @transform_1(%arg0: i32) -> (i32, i32) {
    %c0_i32 = arith.constant 0 : i32
    %c0_i32_0 = arith.constant 0 : i32
    return %arg0, %c0_i32 : i32, i32
  }
  func.func @transform_2(%arg0: i32) -> (i32, i32) {
    %c0_i32 = arith.constant 0 : i32
    %c0_i32_0 = arith.constant 0 : i32
    return %arg0, %c0_i32 : i32, i32
  }
  func.func @transform_3(%arg0: i32) -> (i32, i32) {
    %c0_i32 = arith.constant 0 : i32
    %c0_i32_0 = arith.constant 0 : i32
    return %arg0, %c0_i32 : i32, i32
  }
  func.func @transform_4(%arg0: i32) -> (i32, i32) {
    %c0_i32 = arith.constant 0 : i32
    %c0_i32_0 = arith.constant 0 : i32
    return %arg0, %c0_i32 : i32, i32
  }
  func.func @transform_5(%arg0: i32) -> (i32, i32) {
    %c0_i32 = arith.constant 0 : i32
    %c0_i32_0 = arith.constant 0 : i32
    return %arg0, %c0_i32 : i32, i32
  }
  func.func @transform_6(%arg0: i32) -> (i32, i32) {
    %c0_i32 = arith.constant 0 : i32
    %c0_i32_0 = arith.constant 0 : i32
    %c0_i32_1 = arith.constant 0 : i32
    return %c0_i32, %c0_i32_0 : i32, i32
  }
  func.func @transform_7(%arg0: i32) -> (i32, i32) {
    %c0_i32 = arith.constant 0 : i32
    %c0_i32_0 = arith.constant 0 : i32
    %c0_i32_1 = arith.constant 0 : i32
    return %c0_i32, %c0_i32_0 : i32, i32
  }
  func.func @transform_8(%arg0: i32) -> (i32, i32) {
    %c0_i32 = arith.constant 0 : i32
    %c0_i32_0 = arith.constant 0 : i32
    return %arg0, %c0_i32 : i32, i32
  }
}

</mosaic_0001>

<sc_bundles>
// kernel: kernel.5.cloned.1.call-start
scs
__scs_entry_jumppad:
0x0: {  	(pc) =	sbr.rel $0x88, $3  }
0x1: {  	(tag) =	ssettag $0x0;
	lr =	simm.s32 $0x1  }
0x2: {  	[smem:$0x3F9B] =	sst lr;
	_ =	strace $0xD0000000  }
0x3: {  	_ = 	snop  }
0x4: {  	_ = 	snop  }
0x5: {  	_ = 	snop  }
0x6: {  	_ = 	snop  }
0x7: {  	_ = 	snop  }
__scs_overlays_trampoline_lowered:
0x8: {  	[smem:$0x3FAA] =	sst s0  }
0x9: {  	[smem:$0x3FAB] =	sst s1  }
0xa: {  	[smem:$0x3FAC] =	sst s2  }
0xb: {  	[smem:$0x3FAD] =	sst s3  }
0xc: {  	[smem:$0x3FAE] =	sst s4  }
0xd: {  	[smem:$0x3FAF] =	sst s5  }
0xe: {  	[smem:$0x3FB0] =	sst s6  }
0xf: {  	[smem:$0x3FB1] =	sst s7  }
0x10: {  	[smem:$0x3FB2] =	sst s8  }
0x11: {  	[smem:$0x3FB3] =	sst s9;
	s0 =	simm.s32 @!p0 $0x0  }
0x12: {  	s1 =	sld [smem:$0x3F99];
	s0 =	simm.s32 @p0 $0x1  }
0x13: {  	[smem:$0x3FB4] =	sst s0;
	s0 =	simm.s32 @!p1 $0x0  }
0x14: {  	s2 =	sld [smem:$0x3F98];
	s0 =	simm.s32 @p1 $0x1  }
0x15: {  	[smem:$0x3FB5] =	sst s0;
	s0 =	simm.s32 @!p2 $0x0  }
0x16: {  	s3 =	sld [smem:$0x3FDB];
	s0 =	simm.s32 @p2 $0x1  }
0x17: {  	s4 =	simm.s32 $0x1BF5;
	[smem:$0x3FB7] =	sst s0  }
0x18: {  	s0 =	sld [smem:$0x3F9A];
	_ =	swait.ge [sflag:s4], $0x0  }
0x19: {  	s7 =	sld [smem:$0x3F9B]  }
0x1a: {  	s8 =	sadd.s32 $0xFFFFE003, lr  }
0x1b: {  	s9 =	sadd.s32 $0xFFFFFEF7, lr;
	s5 =	simm.s32 $0xFFFFFFFF;
	p2 =	slt.u32 s8, $0xFFFFF086  }
0x1c: {  	p1 =	slt.u32 s9, $0xF7A;
	s5 =	simm.s32 @!p2 $0x0  }
0x1d: {  	s5 =	simm.s32 @p1 $0x1;
	p0 =	seq.s32 s7, s2  }
0x1e: {  	s7 =	smul.u32 @!p0 $0xF7A, s2;
	p2 =	seq.s32 @!p0 s5, $0x0  }
0x1f: {  	s9 =	smul.u32 $0xF7A, s1;
	s8 =	simm.s32 @!p0 $0x1BF5;
	p2 =	por !p2, p0  }
0x20: {  	[sflag:s8] =	ssyncset.s32 @!p0 $0xFFFFF086;
	s6 =	sadd.s32 @!p0 s3, s7;
	s7 =	simm.s32 @!p0 $0x108  }
0x21: {  	s3 =	sadd.s32 s3, s9;
	s6 =	sadd.s32 @!p0 $0x88, s6;
	s7 =	simm.s32 @p2 $0x1082  }
0x22: {  	[simem:s7], [sflag:s8] =	dma.local @!p0 [hbm:s6], $0xF7A  }
0x23: {  	s9 =	sor.u32 $0xD0000000, s2;
	s6 =	simm.s32 $0x108;
	_ =	swait.ge @!p0 [sflag:s8], $0x0  }
0x24: {  	s3 =	sadd.s32 $0x88, s3;
	s6 =	simm.s32 @!p1 $0x1082;
	[sflag:s4] =	ssyncset.s32 $0xFFFFF086  }
0x25: {  	[simem:s6], [sflag:s4] =	dma.local [hbm:s3], $0xF7A  }
0x26: {  	[smem:$0x3F9B] =	sst s1;
	(tag) =	ssettag s2;
	_ =	strace s9  }
0x27: {  	s1 =	sld [smem:$0x3FAB]  }
0x28: {  	s2 =	sld [smem:$0x3FAC]  }
0x29: {  	s4 =	sld [smem:$0x3FAE]  }
0x2a: {  	p0 =	seq.s32 s5, $0x0;
	s5 =	sld [smem:$0x3FAF]  }
0x2b: {  	s6 =	sld [smem:$0x3FB0]  }
0x2c: {  	s7 =	sld [smem:$0x3FB1]  }
0x2d: {  	s3 =	simm.s32 $0x108;
	s8 =	sld [smem:$0x3FB2]  }
0x2e: {  	s3 =	simm.s32 @!p0 $0x1082;
	s9 =	sld [smem:$0x3FB3]  }
0x2f: {  	lr =	sadd.s32 s0, s3;
	s0 =	sld [smem:$0x3FAA]  }
0x30: {  	s3 =	sld [smem:$0x3FAD]  }
0x31: {  	[smem:$0x3FB6] =	sst s10  }
0x32: {  	s10 =	sld [smem:$0x3FB4];
	_ =	sdelay $0x3  }
0x33: {  	p0 =	seq.s32 s10, $0x1;
	s10 =	sld [smem:$0x3FB6];
	_ =	sdelay $0x3  }
0x34: {  	[smem:$0x3FB6] =	sst s10  }
0x35: {  	s10 =	sld [smem:$0x3FB5];
	_ =	sdelay $0x3  }
0x36: {  	p1 =	seq.s32 s10, $0x1;
	s10 =	sld [smem:$0x3FB6];
	_ =	sdelay $0x3  }
0x37: {  	[smem:$0x3FB6] =	sst s10  }
0x38: {  	s10 =	sld [smem:$0x3FB7]  }
0x39: {  	_ = 	snop;
	(pc) =	sbr.ind lr, $3  }
0x3a: {  	_ = 	snop  }
0x3b: {  	_ = 	snop  }
0x3c: {  	p2 =	seq.s32 s10, $0x1;
	s10 =	sld [smem:$0x3FB6]  }
0x3d: {  	_ =	shalt  }
0x3e: {  	_ =	shalt  }
0x3f: {  	_ =	shalt  }
0x40: {  	_ =	shalt  }
0x41: {  	_ =	shalt  }
0x42: {  	_ =	shalt  }
0x43: {  	_ =	shalt  }
0x44: {  	_ =	shalt  }
0x45: {  	_ =	shalt  }
0x46: {  	_ =	shalt  }
0x47: {  	_ =	shalt  }
0x48: {  	_ =	shalt  }
0x49: {  	_ =	shalt  }
0x4a: {  	_ =	shalt  }
0x4b: {  	_ =	shalt  }
0x4c: {  	_ =	shalt  }
0x4d: {  	_ =	shalt  }
0x4e: {  	_ =	shalt  }
0x4f: {  	_ =	shalt  }
0x50: {  	_ =	shalt  }
0x51: {  	_ =	shalt  }
0x52: {  	_ =	shalt  }
0x53: {  	_ =	shalt  }
0x54: {  	_ =	shalt  }
0x55: {  	_ =	shalt  }
0x56: {  	_ =	shalt  }
0x57: {  	_ =	shalt  }
0x58: {  	_ =	shalt  }
0x59: {  	_ =	shalt  }
0x5a: {  	_ =	shalt  }
0x5b: {  	_ =	shalt  }
0x5c: {  	_ =	shalt  }
0x5d: {  	_ =	shalt  }
0x5e: {  	_ =	shalt  }
0x5f: {  	_ =	shalt  }
0x60: {  	_ =	shalt  }
0x61: {  	_ =	shalt  }
0x62: {  	_ =	shalt  }
0x63: {  	_ =	shalt  }
0x64: {  	_ =	shalt  }
0x65: {  	_ =	shalt  }
0x66: {  	_ =	shalt  }
0x67: {  	_ =	shalt  }
0x68: {  	_ =	shalt  }
0x69: {  	_ =	shalt  }
0x6a: {  	_ =	shalt  }
0x6b: {  	_ =	shalt  }
0x6c: {  	_ =	shalt  }
0x6d: {  	_ =	shalt  }
0x6e: {  	_ =	shalt  }
0x6f: {  	_ =	shalt  }
0x70: {  	_ =	shalt  }
0x71: {  	_ =	shalt  }
0x72: {  	_ =	shalt  }
0x73: {  	_ =	shalt  }
0x74: {  	_ =	shalt  }
0x75: {  	_ =	shalt  }
0x76: {  	_ =	shalt  }
0x77: {  	_ =	shalt  }
0x78: {  	_ =	shalt  }
0x79: {  	_ =	shalt  }
0x7a: {  	_ =	shalt  }
0x7b: {  	_ =	shalt  }
0x7c: {  	_ =	shalt  }
0x7d: {  	_ =	shalt  }
0x7e: {  	_ =	shalt  }
0x7f: {  	_ =	shalt  }
0x80: {  	_ =	shalt  }
0x81: {  	_ =	shalt  }
0x82: {  	_ =	shalt  }
0x83: {  	_ =	shalt  }
0x84: {  	_ =	shalt  }
0x85: {  	_ =	shalt  }
0x86: {  	_ =	shalt  }
0x87: {  	_ =	shalt  }
.Lfunc_end0:
.L_simem_size_0:
called_computation_lowered:
.L_overlay_start_0:
0x88: {  	s2 =	sld [smem:$0x3FD9]  }
0x89: {  	s3 =	sld [smem:$0x3FFE];
	_ =	sdelay $0x1  }
0x8a: {  	s1 =	srdreg.scid  }
0x8b: {  	s0 =	sand.u32 $0x1, s1  }
0x8c: {  	s17 =	sshll.u32 s0, $0xA;
	s2 =	sadd.s32 s3, s2  }
0x8d: {  	s2 =	sadd.s32 s2, s17  }
0x8e: {  	[smem:$0x3FC2] =	sst s2  }
0x8f: {  	_ = 	snop  }
0x90: {  	s2 =	sld [smem:$0x3FD0];
	(tm) =	ssettm $0x1  }
0x91: {  	s18 =	sld [smem:$0x3FFB];
	_ =	sdelay $0x3  }
0x92: {  	_ =	strace s18  }
0x93: {  	s3 =	sld [smem:$0x3FFC];
	_ =	sdelay $0x3  }
0x94: {  	_ =	strace s3  }
0x95: {  	s3 =	sld [smem:$0x3FFD];
	_ =	sdelay $0x3  }
0x96: {  	_ =	strace s3  }
0x97: {  	_ =	strace $0x8FFFFFFF  }
0x98: {  	s19 =	sld [smem:$0x3FDB];
	_ =	sdelay $0x1  }
0x99: {  	s4 =	simm.s32 $_scs_section_size  }
0x9a: {  	s5 =	simm.s32 $_size__tile_overlayer_lowered;
	s6 =	simm.s32 $_tile_overlayer_lowered  }
0x9b: {  	s22 =	simm.s32 $0x1BFF;
	s21 =	sshll.u32 s6, $0x1;
	s3 =	sadd.s32 s4, s19  }
0x9c: {  	s7 =	simm.s32 $0x0;
	s20 =	sshll.u32 s5, $0x1;
	s5 =	sadd.s32 s21, s3  }
0x9d: {  	[timem:s7], [sflag:s22] =	dma.local [hbm:s5], s20  }
0x9e: {  	_ =	swait.ge [sflag:s22], s20  }
0x9f: {  	s4 =	ssub.s32 $0x0, s20;
	[sflag:s22] =	ssyncset.done $0x0  }
0xa0: {  	[sflag:s22] =	ssyncadd.s32 s4;
	_ =	sdelay $0x1  }
0xa1: {  	s23 =	simm.s32 $0x1B8B  }
0xa2: {  	_ =	swait.ge [sflag:s23], $0x1  }
0xa3: {  	[sflag:s23] =	ssyncset.done $0x0  }
0xa4: {  	s25 =	simm.s32 $0x1B8E;
	s24 =	sld [smem:$0x3FFE];
	[sflag:s23] =	ssyncadd.s32 $0xFFFFFFFF  }
0xa5: {  	s26 =	simm.s32 $execute0_lowered;
	[smem:$0x3FD2] =	sst s25  }
0xa6: {  	s5 =	sshll.u32 s26, $0x1;
	_ =	strace $0x80000046;
	[dreg:$0x1] =	wrdreg $0xFFFFFFFF  }
0xa7: {  	s28 =	simm.s32 $_size_execute0_lowered;
	s3 =	sadd.s32 s3, s5;
	[dreg:$0x0] =	wrdreg $0x0  }
0xa8: {  	s5 =	sshll.u32 s28, $0x1;
	[dreg:$0x2] =	wrdreg s3  }
0xa9: {  	[dreg:$0x3] =	wrdreg s5  }
0xaa: {  	[dreg:$0x4] =	wrdreg $0xC0  }
0xab: {  	_ =	task [dreg:s7], $0x5FFFF  }
0xac: {  	[dreg:$0x1] =	wrdreg $0xFFFFFFFF  }
0xad: {  	[dreg:$0x0] =	wrdreg $0x60  }
0xae: {  	[dreg:$0x2] =	wrdreg s2  }
0xaf: {  	[dreg:$0x3] =	wrdreg s24  }
0xb0: {  	[dreg:$0x4] =	wrdreg $0x85000  }
0xb1: {  	[dreg:$0x5] =	wrdreg $0x1C7800  }
0xb2: {  	[dreg:$0x6] =	wrdreg $0x1CA000  }
0xb3: {  	[dreg:$0x7] =	wrdreg $0x1C5000  }
0xb4: {  	[dreg:$0x8] =	wrdreg $0x9  }
0xb5: {  	_ =	task.clear_ibuf [dreg:s7], $0x9FFFF;
	_ =	strace $0x90000046  }
0xb6: {  	s29 =	simm.s32 $0x9;
	_ =	strace $0x80000048  }
0xb7: {  	_ =	swait.ge [sflag:s29], $0x1  }
0xb8: {  	[sflag:s29] =	ssyncadd.s32 $0xFFFFFFFF  }
0xb9: {  	_ =	strace $0x90000048  }
0xba: {  	_ =	sfence  }
0xbb: {  	s30 =	sld [smem:$0x0];
	_ =	sdelay $0x2  }
0xbc: {  	s31 =	sshll.u32 s1, $0xD;
	s1 =	sshrl.u32 s1, $0x2  }
0xbd: {  	s3 =	sand.u32 $0x4000, s31;
	s1 =	sadd.s32 s1, s30  }
0xbe: {  	s0 =	sor.u32 s3, s0;
	s1 =	sshll.u32 s1, $0x11  }
0xbf: {  	s0 =	sor.u32 s1, s0  }
0xc0: {  	s0 =	sadd.s32 $0x8F2B, s0  }
0xc1: {  	[sflag:s0] =	ssyncadd.remote.s32 $0x1  }
0xc2: {  	_ =	sfence.sel $0xFFFF  }
0xc3: {  	[dreg:$0x0] =	wrdreg $0xFFFFFFFF;
	(pc) =	sbr.abs _section_cstart, $3  }
0xc4: {  	[dreg:$0x1] =	wrdreg $0xFFFFFFFF  }
0xc5: {  	_ =	task.clear_ibuf [dreg:s7], $0x2FFFF;
	_ =	strace $0x9FFFFFFF  }
0xc6: {  	(tm) =	ssettm $0x7FFFFFFF  }
0xc7: {  	_ =	shalt  }
tec
execute0_lowered:
.L_overlay_start_1:
0x0: {  	(tag) =	ssettag $0x1  }
0x1: {  	s0 =	rddreg [dreg:$0x1]  }
0x2: {  	s2 =	rddreg [dreg:$0x2]  }
0x3: {  	s4 =	rddreg [dreg:$0x3]  }
0x4: {  	s5 =	rddreg [dreg:$0x4]  }
0x5: {  	s6 =	rddreg [dreg:$0x5];
	s14 =	stileid.u32  }
0x6: {  	s1 =	srdreg.scid;
	s7 =	simm.s32 $0x0;
	s3 =	smul.u32 $0x280, s14  }
0x7: {  	s1 =	sand.u32 $0x1, s1;
	[smem:$0x7FF] =	sst s7;
	s9 =	smul.u32 $0x14000, s14  }
0x8: {  	s10 =	sadd.s32 $0x2800, s0;
	s11 =	smul.u32 $0x500, s14;
	s28 =	sadd.s32 $0x3F400, s0  }
0x9: {  	s13 =	smul.u32 $0x50000, s14;
	_ =	strace $0x80000047;
	[dreg:$0x7] =	wrdreg s10  }
0xa: {  	s31 =	simm.s32 $0x2000;
	s26 =	smul.u32 $0x140000, s1;
	[dreg:$0x8] =	wrdreg s28  }
0xb: {  	s29 =	sshll.u32 s1, $0x7;
	s10 =	sadd.s32 $0x16800, s0;
	s30 =	ssub.s32 $0x2, s1  }
0xc: {  	s1 =	sshll.u32 s1, $0x4;
	s8 =	sshrl.u32 s3, $0x3;
	s12 =	sshrl.u32 s30, $0x1  }
0xd: {  	s1 =	sor.u32 s14, s1;
	s14 =	sadd.s32 s3, s4;
	s16 =	sshrl.u32 s13, $0x2  }
0xe: {  	s17 =	sadd.s32 s3, s5;
	s7 =	sadd.s32 s9, s26;
	s26 =	sshrl.u32 s14, $0x3  }
0xf: {  	s8 =	sadd.s32 s8, s0;
	s28 =	sshrl.u32 s17, $0x3;
	[dreg:$0x16] =	wrdreg s26  }
0x10: {  	s9 =	sor.u32 s29, s11;
	s19 =	sadd.s32 s16, s2;
	[dreg:$0x17] =	wrdreg s28  }
0x11: {  	s11 =	ssub.s32 s30, s12;
	s15 =	sadd.s32 $0x3E800, s8;
	[dreg:$0xb] =	wrdreg s19  }
0x12: {  	s1 =	smul.u32 $0x5000, s1;
	s8 =	sadd.s32 $0x3EE00, s8;
	[dreg:$0x9] =	wrdreg s15  }
0x13: {  	s12 =	simm.s32 $0x4800;
	s18 =	sadd.s32 $0x2800, s19;
	[dreg:$0xa] =	wrdreg s8  }
0x14: {  	s14 =	simm.s32 $0x7100;
	s20 =	sadd.s32 $0x5000, s19;
	[dreg:$0xc] =	wrdreg s18  }
0x15: {  	s16 =	simm.s32 $0x3;
	s21 =	sadd.s32 $0x7800, s19;
	[dreg:$0xd] =	wrdreg s20  }
0x16: {  	s17 =	simm.s32 $0x7200;
	s22 =	sadd.s32 $0xA000, s19;
	[dreg:$0xe] =	wrdreg s21  }
0x17: {  	s7 =	sshrl.u32 s7, $0x3;
	s23 =	sadd.s32 $0xC800, s19;
	[dreg:$0xf] =	wrdreg s22  }
0x18: {  	s9 =	sshrl.u32 s9, $0x3;
	s25 =	smax.u32 s11, $0x1;
	[dreg:$0x10] =	wrdreg s23  }
0x19: {  	s29 =	sadd.s32 $0xF000, s19;
	s30 =	sadd.s32 $0x11800, s19;
	[dreg:$0x12] =	wrdreg s1  }
0x1a: {  	s11 =	simm.s32 $0x7080;
	s7 =	sadd.s32 s7, s0;
	[dreg:$0x15] =	wrdreg s25  }
0x1b: {  	s0 =	sadd.s32 s9, s0;
	s20 =	sadd.s32 s3, s6;
	[dreg:$0x18] =	wrdreg s29  }
0x1c: {  	[dreg:$0x19] =	wrdreg s30;
	s25 =	simm.s32 $0x9;
	s3 =	simm.s32 $0x50  }
0x1d: {  	s9 =	simm.s32 $0x7000;
	s15 =	simm.s32 $0x7180;
	s18 =	simm.s32 $0x7  }
0x1e: {  	s21 =	simm.s32 $0x4;
	s22 =	simm.s32 $0x8;
	s23 =	simm.s32 $0x5  }
0x1f: {  	s8 =	simm.s32 $0x0;
	s24 =	sadd.s32 $0x40000, s7;
	[dreg:$0x11] =	wrdreg s20  }
0x20: {  	s0 =	sadd.s32 $0x3F600, s0;
	s7 =	simm.s32 $0x2;
	[dreg:$0x13] =	wrdreg s24  }
0x21: {  	v0 =	vimm.f32 $0.0e+00;
	[dreg:$0x14] =	wrdreg s0;
	s0 =	simm.s32 $0x1;
	s24 =	simm.s32 $0x6  }
.LBB2_1:
0x22: {  	[dreg:$0x1a] =	wrdreg s8  }
0x23: {  	s1 =	simm.s32 $0x0;
	s30 =	rddreg [dreg:$0x8];
	s13 =	simm.s32 $0x8200  }
0x24: {  	[tilespmem:s13], [sflag:$0x9] =	stream.linear.gather [hbm4b:s30+s1], $0x10, $0x38;
	[tilespmem:$0x1CC80] =	vst v63  }
0x25: {  	s13 =	stileid.u32;
	_ =	swait.ge [sflag:s25], $0x10  }
0x26: {  	s1 =	sshll.u32 s13, $0x6;
	[sflag:s25] =	ssyncset.done $0x0;
	s26 =	rddreg [dreg:$0x9]  }
0x27: {  	s13 =	sor.u32 $0x1C09, s1;
	s28 =	rddreg [dreg:$0x16];
	[sflag:s25] =	ssyncadd.s32 $0xFFFFFFF0  }
0x28: {  	[spmem:s28], [sflag:s13] =	dma.local [hbm:s26], $0x50  }
0x29: {  	_ =	swait.ge [sflag:s25], $0x50;
	[dreg:$0x1b] =	wrdreg s13  }
0x2a: {  	[sflag:s25] =	ssyncset.done $0x0;
	s29 =	rddreg [dreg:$0xa]  }
0x2b: {  	s30 =	rddreg [dreg:$0x17];
	[sflag:s25] =	ssyncadd.s32 $0xFFFFFFB0  }
0x2c: {  	[spmem:s30], [sflag:s13] =	dma.local [hbm:s29], $0x50  }
0x2d: {  	_ =	swait.ge [sflag:s25], $0x50  }
0x2e: {  	[sflag:s25] =	ssyncset.done $0x0  }
0x2f: {  	s8 =	simm.s32 $0x200;
	s1 =	simm.s32 $0x0;
	[sflag:s25] =	ssyncadd.s32 $0xFFFFFFB0  }
.LBB2_2:
0x30: {  	p0 =	sne.s32 s8, $0x9E00;
	[tilespmem:s1+$0x2070] =	vst v0  }
0x31: {  	[tilespmem:s1+$0x2000] =	vst v0  }
0x32: {  	[tilespmem:s1+$0x2010] =	vst v0  }
.Ltmp0:
0x33: {  	[tilespmem:s1+$0x2020] =	vst v0;
	(pc) =	sbr.rel @p0 .LBB2_2-.Ltmp0, $4  }
0x34: {  	[tilespmem:s1+$0x2030] =	vst v0  }
0x35: {  	[tilespmem:s1+$0x2040] =	vst v0  }
0x36: {  	[tilespmem:s1+$0x2050] =	vst v0  }
0x37: {  	[tilespmem:s1+$0x2060] =	vst v0;
	s1 =	sshra.s32 s8, $0x2;
	s8 =	sadd.s32 $0x200, s8  }
0x38: {  	[tilespmem:s1+$0x2070] =	vst v0  }
0x39: {  	[tilespmem:s1+$0x2000] =	vst v0  }
0x3a: {  	[tilespmem:s1+$0x2010] =	vst v0  }
0x3b: {  	[tilespmem:s1+$0x2020] =	vst v0  }
0x3c: {  	[tilespmem:s1+$0x2030] =	vst v0  }
0x3d: {  	[tilespmem:s1+$0x2040] =	vst v0  }
0x3e: {  	[tilespmem:s1+$0x2050] =	vst v0  }
0x3f: {  	[tilespmem:s1+$0x2060] =	vst v0  }
0x40: {  	[tilespmem:$0x8280] =	vst v0  }
0x41: {  	[tilespmem:$0x8290] =	vst v0  }
0x42: {  	[tilespmem:$0x82A0] =	vst v0  }
0x43: {  	[tilespmem:$0x82B0] =	vst v0  }
0x44: {  	[tilespmem:$0x82C0] =	vst v0  }
0x45: {  	[tilespmem:$0x82D0] =	vst v0  }
0x46: {  	[tilespmem:$0x82E0] =	vst v0  }
0x47: {  	[tilespmem:$0x82F0] =	vst v0  }
0x48: {  	[tilespmem:$0x8300] =	vst v0  }
0x49: {  	[tilespmem:$0x8310] =	vst v0  }
0x4a: {  	[tilespmem:$0x8320] =	vst v0  }
0x4b: {  	[tilespmem:$0x8330] =	vst v0  }
0x4c: {  	[tilespmem:$0x8340] =	vst v0  }
0x4d: {  	[tilespmem:$0x8350] =	vst v0  }
0x4e: {  	[tilespmem:$0x8360] =	vst v0  }
0x4f: {  	[tilespmem:$0x8370] =	vst v0  }
0x50: {  	[tilespmem:$0x8380] =	vst v0  }
0x51: {  	[tilespmem:$0x8390] =	vst v0  }
0x52: {  	[tilespmem:$0x83A0] =	vst v0  }
0x53: {  	[tilespmem:$0x83B0] =	vst v0  }
0x54: {  	[tilespmem:$0x83C0] =	vst v0  }
0x55: {  	[tilespmem:$0x83D0] =	vst v0  }
0x56: {  	[tilespmem:$0x83E0] =	vst v0  }
0x57: {  	[tilespmem:$0x83F0] =	vst v0  }
0x58: {  	[tilespmem:$0x8400] =	vst v0  }
0x59: {  	[tilespmem:$0x8410] =	vst v0  }
0x5a: {  	[tilespmem:$0x8420] =	vst v0  }
0x5b: {  	[tilespmem:$0x8430] =	vst v0  }
0x5c: {  	[tilespmem:$0x8440] =	vst v0  }
0x5d: {  	[tilespmem:$0x8450] =	vst v0  }
0x5e: {  	[tilespmem:$0x8460] =	vst v0  }
0x5f: {  	[tilespmem:$0x8470] =	vst v0  }
0x60: {  	[tilespmem:$0x8480] =	vst v0  }
0x61: {  	[tilespmem:$0x8490] =	vst v0  }
0x62: {  	[tilespmem:$0x84A0] =	vst v0  }
0x63: {  	[tilespmem:$0x84B0] =	vst v0  }
0x64: {  	[tilespmem:$0x84C0] =	vst v0  }
0x65: {  	[tilespmem:$0x84D0] =	vst v0  }
0x66: {  	[tilespmem:$0x84E0] =	vst v0  }
0x67: {  	[tilespmem:$0x84F0] =	vst v0  }
0x68: {  	[spmem:s19] =	stream.linear.scatter [tilespmem:s31], [sflag:$0x9], $0x2800, $0x38;
	[tilespmem:$0x1CC80] =	vst v63  }
0x69: {  	_ =	swait.ge [sflag:s25], $0x2800  }
0x6a: {  	[sflag:s25] =	ssyncset.done $0x0  }
0x6b: {  	s30 =	rddreg [dreg:$0xc];
	[sflag:s25] =	ssyncadd.s32 $0xFFFFD800  }
0x6c: {  	[spmem:s30] =	stream.linear.scatter [tilespmem:s31], [sflag:$0x9], $0x2800, $0x38;
	[tilespmem:$0x1CC80] =	vst v63  }
0x6d: {  	_ =	swait.ge [sflag:s25], $0x2800  }
0x6e: {  	[sflag:s25] =	ssyncset.done $0x0  }
0x6f: {  	s8 =	rddreg [dreg:$0xd];
	[sflag:s25] =	ssyncadd.s32 $0xFFFFD800  }
0x70: {  	[spmem:s8] =	stream.linear.scatter [tilespmem:s31], [sflag:$0x9], $0x2800, $0x38;
	[tilespmem:$0x1CC80] =	vst v63  }
0x71: {  	_ =	swait.ge [sflag:s25], $0x2800  }
0x72: {  	[sflag:s25] =	ssyncset.done $0x0  }
0x73: {  	s13 =	rddreg [dreg:$0xe];
	[sflag:s25] =	ssyncadd.s32 $0xFFFFD800  }
0x74: {  	[spmem:s13] =	stream.linear.scatter [tilespmem:s31], [sflag:$0x9], $0x2800, $0x38;
	[tilespmem:$0x1CC80] =	vst v63  }
0x75: {  	_ =	swait.ge [sflag:s25], $0x2800  }
0x76: {  	[sflag:s25] =	ssyncset.done $0x0  }
0x77: {  	s19 =	rddreg [dreg:$0xf];
	[sflag:s25] =	ssyncadd.s32 $0xFFFFD800  }
0x78: {  	[spmem:s19] =	stream.linear.scatter [tilespmem:s31], [sflag:$0x9], $0x2800, $0x38;
	[tilespmem:$0x1CC80] =	vst v63  }
0x79: {  	_ =	swait.ge [sflag:s25], $0x2800  }
0x7a: {  	[sflag:s25] =	ssyncset.done $0x0  }
0x7b: {  	s26 =	rddreg [dreg:$0x10];
	[sflag:s25] =	ssyncadd.s32 $0xFFFFD800  }
0x7c: {  	[spmem:s26] =	stream.linear.scatter [tilespmem:s31], [sflag:$0x9], $0x2800, $0x38;
	[tilespmem:$0x1CC80] =	vst v63  }
0x7d: {  	_ =	swait.ge [sflag:s25], $0x2800  }
0x7e: {  	[sflag:s25] =	ssyncset.done $0x0  }
0x7f: {  	s28 =	rddreg [dreg:$0x18];
	[sflag:s25] =	ssyncadd.s32 $0xFFFFD800  }
0x80: {  	[spmem:s28] =	stream.linear.scatter [tilespmem:s31], [sflag:$0x9], $0x2800, $0x38;
	[tilespmem:$0x1CC80] =	vst v63  }
0x81: {  	_ =	swait.ge [sflag:s25], $0x2800  }
0x82: {  	[sflag:s25] =	ssyncset.done $0x0  }
0x83: {  	s29 =	rddreg [dreg:$0x19];
	[sflag:s25] =	ssyncadd.s32 $0xFFFFD800  }
0x84: {  	[spmem:s29] =	stream.linear.scatter [tilespmem:s31], [sflag:$0x9], $0x2800, $0x38;
	[tilespmem:$0x1CC80] =	vst v63  }
0x85: {  	_ =	swait.ge [sflag:s25], $0x2800  }
0x86: {  	[sflag:s25] =	ssyncset.done $0x0  }
0x87: {  	s30 =	simm.s32 $0x8280;
	[sflag:s25] =	ssyncadd.s32 $0xFFFFD800  }
0x88: {  	[spmem:s20] =	stream.linear.scatter [tilespmem:s30], [sflag:$0x9], $0x280, $0x38;
	[tilespmem:$0x1CC80] =	vst v63  }
0x89: {  	_ =	swait.ge [sflag:s25], $0x280  }
0x8a: {  	[sflag:s25] =	ssyncset.done $0x0  }
0x8b: {  	[sflag:s25] =	ssyncadd.s32 $0xFFFFFD80  }
0x8c: {  	[bflag:$0x0] =	sbarrier.arrive $0xFFFF  }
0x8d: {  	s19 =	simm.s32 $0x0;
	v1 =	vld [tilespmem:$0x8200]  }
.LBB2_4:
0x8e: {  	s1 =	sshll.u32 s19, $0xC;
	s8 =	rddreg [dreg:$0x12]  }
0x8f: {  	s1 =	sadd.s32 s8, s1  }
0x90: {  	s26 =	rddreg [dreg:$0x0];
	s1 =	sshrl.u32 s1, $0x3  }
0x91: {  	s13 =	simm.s32 $0x0;
	s29 =	rddreg [dreg:$0x7];
	s8 =	sadd.s32 s26, s1  }
0x92: {  	[tilespmem:s13], [sflag:$0x1] =	stream.linear.gather [hbm4b:s8+s13], $0xC80, $0x38;
	[tilespmem:$0x1CC80] =	vst v63  }
0x93: {  	s30 =	simm.s32 $0x1000;
	s1 =	sadd.s32 s29, s1  }
0x94: {  	[tilespmem:s30], [sflag:$0x2] =	stream.linear.gather [hbm4b:s1+s13], $0xC80, $0x38;
	[tilespmem:$0x1CC80] =	vst v63  }
0x95: {  	_ =	swait.ge [sflag:s0], $0xC80  }
0x96: {  	[sflag:s0] =	ssyncset.done $0x0  }
0x97: {  	[sflag:s0] =	ssyncadd.s32 $0xFFFFF380  }
0x98: {  	_ =	swait.ge [sflag:s7], $0xC80  }
0x99: {  	[sflag:s7] =	ssyncset.done $0x0  }
0x9a: {  	[sflag:s7] =	ssyncadd.s32 $0xFFFFF380  }
0x9b: {  	[tilespmem:s31], [sflag:$0x1] =	stream.indirect.gather [hbm4b:s10+s3], $0x80, s13, s3, $0xb8;
	[tilespmem:$0x1CC80] =	vst v63  }
0x9c: {  	_ = 	snop  }
0x9d: {  	[tilespmem:s9], [sflag:$0x3] =	stream.indirect.gather [spmem:s4], $0x1, s13, s3, $0xb8;
	[tilespmem:$0x1CC80] =	vst v63  }
0x9e: {  	s28 =	simm.s32 $0x0  }
0x9f: {  	[tilespmem:s11], [sflag:$0x3] =	stream.indirect.gather [spmem:s5], $0x1, s30, s3, $0xb8;
	[tilespmem:$0x1CC80] =	vst v63  }
.LBB2_5:
0xa0: {  	s1 =	sshllo.u32 s28, $0x1  }
0xa1: {  	s30 =	sshll.u32 s1, $0x7  }
0xa2: {  	[tilespmem:s12], [sflag:$0x2] =	stream.indirect.gather [hbm4b:s10+s3], $0x80, s30, s3, $0xb8;
	[tilespmem:$0x1CC80] =	vst v63  }
0xa3: {  	_ = 	snop  }
0xa4: {  	[tilespmem:s14], [sflag:$0x4] =	stream.indirect.gather [spmem:s4], $0x1, s30, s3, $0xb8;
	[tilespmem:$0x1CC80] =	vst v63  }
0xa5: {  	s1 =	sadd.s32 $0x1000, s30  }
0xa6: {  	[tilespmem:s15], [sflag:$0x4] =	stream.indirect.gather [spmem:s5], $0x1, s1, s3, $0xb8;
	[tilespmem:$0x1CC80] =	vst v63  }
0xa7: {  	_ =	swait.ge [sflag:s16], $0x50  }
0xa8: {  	[sflag:s16] =	ssyncset.done $0x0  }
0xa9: {  	[sflag:s16] =	ssyncadd.s32 $0xFFFFFFB0  }
0xaa: {  	_ =	swait.ge [sflag:s16], $0x50  }
0xab: {  	[sflag:s16] =	ssyncset.done $0x0  }
0xac: {  	[sflag:s16] =	ssyncadd.s32 $0xFFFFFFB0  }
0xad: {  	v2 =	vld [tilespmem:$0x7000]  }
0xae: {  	v3 =	vld [tilespmem:$0x7080];
	_ =	sdelay $0x4  }
0xaf: {  	v2 =	vadd.f32 v3, v2;
	_ =	sdelay $0x1  }
0xb0: {  	v3 =	vmul.f32 $2.000000030e-01, v2  }
0xb1: {  	vm0 =	vge.f32 v2, $0.0e+00  }
0xb2: {  	v2 =	vsel vm0, v2, v3  }
0xb3: {  	v2 =	vsub.f32 v2, v1;
	_ =	sdelay $0x1  }
0xb4: {  	v2 =	vmul.f32 $1.442695020e+00, v2;
	_ =	sdelay $0x1  }
0xb5: {  	(erf) = vpow2.f32 v2;
	_ =	sdelay $0x1  }
0xb6: {  	s26 =	sshll.u32 s28, $0x8  }
0xb7: {  	v3 =	vld [tilespmem:s26+$0x1000]  }
0xb8: {  	v2 =	vld [tilespmem:s26+$0x0];
	_ =	sdelay $0x4  }
0xb9: {  	vm7 =	veq.s32 v2, v3;
	v4 =	vpop (erf)  }
0xba: {  	v2 =	vsel vm7, $0x0, v4  }
0xbb: {  	[tilespmem:s26+$0x7200] =	vst v2  }
0xbc: {  	v2 =	vld [tilespmem:$0x7010]  }
0xbd: {  	v3 =	vld [tilespmem:$0x7090];
	_ =	sdelay $0x4  }
0xbe: {  	v2 =	vadd.f32 v3, v2;
	_ =	sdelay $0x1  }
0xbf: {  	v3 =	vmul.f32 $2.000000030e-01, v2  }
0xc0: {  	vm8 =	vge.f32 v2, $0.0e+00  }
0xc1: {  	v2 =	vsel vm8, v2, v3  }
0xc2: {  	v2 =	vsub.f32 v2, v1;
	_ =	sdelay $0x1  }
0xc3: {  	v2 =	vmul.f32 $1.442695020e+00, v2;
	_ =	sdelay $0x1  }
0xc4: {  	(erf) = vpow2.f32 v2;
	_ =	sdelay $0x2  }
0xc5: {  	v3 =	vld [tilespmem:s26+$0x1010]  }
0xc6: {  	v2 =	vld [tilespmem:s26+$0x10];
	_ =	sdelay $0x4  }
0xc7: {  	vm9 =	veq.s32 v2, v3;
	v4 =	vpop (erf)  }
0xc8: {  	v2 =	vsel vm9, $0x0, v4  }
0xc9: {  	[tilespmem:s26+$0x7210] =	vst v2  }
0xca: {  	v2 =	vld [tilespmem:$0x7020]  }
0xcb: {  	v3 =	vld [tilespmem:$0x70A0];
	_ =	sdelay $0x4  }
0xcc: {  	v2 =	vadd.f32 v3, v2;
	_ =	sdelay $0x1  }
0xcd: {  	v3 =	vmul.f32 $2.000000030e-01, v2  }
0xce: {  	vm10 =	vge.f32 v2, $0.0e+00  }
0xcf: {  	v2 =	vsel vm10, v2, v3  }
0xd0: {  	v2 =	vsub.f32 v2, v1;
	_ =	sdelay $0x1  }
0xd1: {  	v2 =	vmul.f32 $1.442695020e+00, v2;
	_ =	sdelay $0x1  }
0xd2: {  	(erf) = vpow2.f32 v2;
	_ =	sdelay $0x2  }
0xd3: {  	v3 =	vld [tilespmem:s26+$0x1020]  }
0xd4: {  	v2 =	vld [tilespmem:s26+$0x20];
	_ =	sdelay $0x4  }
0xd5: {  	vm11 =	veq.s32 v2, v3;
	v4 =	vpop (erf)  }
0xd6: {  	v2 =	vsel vm11, $0x0, v4  }
0xd7: {  	[tilespmem:s26+$0x7220] =	vst v2  }
0xd8: {  	v2 =	vld [tilespmem:$0x7030]  }
0xd9: {  	v3 =	vld [tilespmem:$0x70B0];
	_ =	sdelay $0x4  }
0xda: {  	v2 =	vadd.f32 v3, v2;
	_ =	sdelay $0x1  }
0xdb: {  	v3 =	vmul.f32 $2.000000030e-01, v2  }
0xdc: {  	vm12 =	vge.f32 v2, $0.0e+00  }
0xdd: {  	v2 =	vsel vm12, v2, v3  }
0xde: {  	v2 =	vsub.f32 v2, v1;
	_ =	sdelay $0x1  }
0xdf: {  	v2 =	vmul.f32 $1.442695020e+00, v2;
	_ =	sdelay $0x1  }
0xe0: {  	(erf) = vpow2.f32 v2;
	_ =	sdelay $0x2  }
0xe1: {  	v3 =	vld [tilespmem:s26+$0x1030]  }
0xe2: {  	v2 =	vld [tilespmem:s26+$0x30];
	_ =	sdelay $0x4  }
0xe3: {  	vm13 =	veq.s32 v2, v3;
	v4 =	vpop (erf)  }
0xe4: {  	v2 =	vsel vm13, $0x0, v4  }
0xe5: {  	[tilespmem:s26+$0x7230] =	vst v2  }
0xe6: {  	v2 =	vld [tilespmem:$0x7040]  }
0xe7: {  	v3 =	vld [tilespmem:$0x70C0];
	_ =	sdelay $0x4  }
0xe8: {  	v2 =	vadd.f32 v3, v2;
	_ =	sdelay $0x1  }
0xe9: {  	v3 =	vmul.f32 $2.000000030e-01, v2  }
0xea: {  	vm14 =	vge.f32 v2, $0.0e+00  }
0xeb: {  	v2 =	vsel vm14, v2, v3  }
0xec: {  	v2 =	vsub.f32 v2, v1;
	_ =	sdelay $0x1  }
0xed: {  	v2 =	vmul.f32 $1.442695020e+00, v2;
	_ =	sdelay $0x1  }
0xee: {  	(erf) = vpow2.f32 v2;
	_ =	sdelay $0x2  }
0xef: {  	v4 =	vld [tilespmem:s26+$0x1040]  }
0xf0: {  	v3 =	vld [tilespmem:s26+$0x40];
	_ =	sdelay $0x1  }
0xf1: {  	s8 =	simm.s32 $0x0  }
0xf2: {  	s20 =	simm.s32 $0x3;
	v5 =	vmov s8  }
0xf3: {  	v6 =	vmov s20;
	v5 =	vand.u32 $0x7C, v5;
	v2 =	vmov s26  }
0xf4: {  	vm15 =	veq.s32 v3, v4;
	v4 =	vand.u32 $0x7F, v6;
	v3 =	vor.u32 v2, v5;
	v7 =	vpop (erf)  }
0xf5: {  	v4 =	vor.u32 v2, v4;
	v3 =	vbroadcast v3, $0x0;
	v5 =	vsel vm15, $0x0, v7  }
0xf6: {  	s8 =	sadd.s32 $0x1000, s26;
	s13 =	sadd.s32 $0x7200, s26;
	v4 =	vbroadcast v4, $0x0;
	[tilespmem:s26+$0x7240] =	vst v5  }
0xf7: {  	[spmem:s6] =	stream.indirect.scatter.add.f32 [tilespmem:s13], [sflag:$0x7], $0x1, s8, s3, $0xb8;
	[tilespmem:$0x1CC80] =	vst v63  }
0xf8: {  	_ =	swait.ge [sflag:s0], $0x2800  }
0xf9: {  	[sflag:s0] =	ssyncset.done $0x0  }
0xfa: {  	[sflag:s0] =	ssyncadd.s32 $0xFFFFD800  }
0xfb: {  	s25 =	simm.s32 $0x1;
	v5 =	vld.idx.msk [tilespmem:v3+s17+$0x0], $0xffff  }
0xfc: {  	s20 =	simm.s32 $0x2100;
	v6 =	vmov s25;
	v3 =	vld.idx.msk [tilespmem:v4+s17+$0x0], $0xffff  }
0xfd: {  	v4 =	vand.u32 $0x7D, v6;
	v6 =	vld [tilespmem:s20+$0xF0]  }
0xfe: {  	v7 =	vld [tilespmem:s20+$0xFFFFFF00]  }
0xff: {  	v8 =	vld [tilespmem:s20+$0xFFFFFF10];
	v4 =	vor.u32 v2, v4  }
0x100: {  	v9 =	vld [tilespmem:s20+$0xFFFFFF20];
	v4 =	vbroadcast v4, $0x0  }
0x101: {  	v10 =	vld [tilespmem:s20+$0xFFFFFF30]  }
0x102: {  	v11 =	vld [tilespmem:s20+$0xFFFFFF40]  }
0x103: {  	v12 =	vld [tilespmem:s20+$0xFFFFFF50];
	v7 =	vmul.f32 v7, v5  }
0x104: {  	v13 =	vld [tilespmem:s20+$0xFFFFFF60]  }
0x105: {  	s25 =	simm.s32 $0x2;
	v6 =	vmul.f32 v6, v3;
	[tilespmem:s20+$0xFFFFFF00] =	vst v7;
	v7 =	vld [tilespmem:s20+$0xFFFFFF70]  }
0x106: {  	v14 =	vmov s25;
	v8 =	vmul.f32 v8, v5;
	v15 =	vld.idx.msk [tilespmem:v4+s17+$0x0], $0xffff  }
0x107: {  	[tilespmem:s20+$0xF0] =	vst v6;
	v6 =	vmul.f32 v9, v5;
	v4 =	vand.u32 $0x7E, v14;
	v14 =	vld [tilespmem:s20+$0xFFFFFF80]  }
0x108: {  	v9 =	vld [tilespmem:s20+$0xFFFFFF90];
	[tilespmem:s20+$0xFFFFFF10] =	vst v8;
	v8 =	vmul.f32 v10, v5;
	v4 =	vor.u32 v2, v4  }
0x109: {  	v10 =	vld [tilespmem:s20+$0xFFFFFFA0];
	[tilespmem:s20+$0xFFFFFF20] =	vst v6;
	v6 =	vmul.f32 v11, v5;
	v4 =	vbroadcast v4, $0x0  }
0x10a: {  	v11 =	vld [tilespmem:s20+$0xFFFFFFB0];
	[tilespmem:s20+$0xFFFFFF30] =	vst v8;
	v8 =	vmul.f32 v12, v5  }
0x10b: {  	v13 =	vmul.f32 v13, v5;
	v12 =	vld [tilespmem:s20+$0xFFFFFFC0];
	[tilespmem:s20+$0xFFFFFF40] =	vst v6;
	v5 =	vmul.f32 v7, v5  }
0x10c: {  	[tilespmem:s20+$0xFFFFFF50] =	vst v8;
	v8 =	vld [tilespmem:s20+$0xFFFFFFE0];
	v6 =	vmul.f32 v14, v15  }
0x10d: {  	v14 =	vld [tilespmem:s20+$0xFFFFFFD0];
	[tilespmem:s20+$0xFFFFFF70] =	vst v5  }
0x10e: {  	v5 =	vmul.f32 v10, v15;
	[tilespmem:s20+$0xFFFFFF80] =	vst v6;
	v6 =	vmul.f32 v9, v15;
	v9 =	vld [tilespmem:s20+$0x0]  }
0x10f: {  	[tilespmem:s20+$0xFFFFFF60] =	vst v13;
	v4 =	vld.idx.msk [tilespmem:v4+s17+$0x0], $0xffff  }
0x110: {  	v7 =	vld [tilespmem:s20+$0xFFFFFFF0];
	[tilespmem:s20+$0xFFFFFFA0] =	vst v5;
	v5 =	vmul.f32 v12, v15  }
0x111: {  	v10 =	vld [tilespmem:s20+$0x10];
	[tilespmem:s20+$0xFFFFFF90] =	vst v6;
	v6 =	vmul.f32 v11, v15  }
0x112: {  	v8 =	vmul.f32 v8, v15;
	v11 =	vld [tilespmem:s20+$0x20];
	[tilespmem:s20+$0xFFFFFFC0] =	vst v5  }
0x113: {  	s25 =	simm.s32 $0x4;
	v12 =	vld [tilespmem:s20+$0x30];
	[tilespmem:s20+$0xFFFFFFB0] =	vst v6;
	v6 =	vmul.f32 v14, v15  }
0x114: {  	v13 =	vmov s25;
	s25 =	simm.s32 $0x5;
	v5 =	vld [tilespmem:s20+$0x40];
	[tilespmem:s20+$0xFFFFFFE0] =	vst v8;
	v9 =	vmul.f32 v9, v4  }
0x115: {  	v13 =	vand.u32 $0x7C, v13;
	v14 =	vmul.f32 v7, v15;
	v15 =	vmov s25;
	s25 =	simm.s32 $0x6;
	[tilespmem:s20+$0xFFFFFFD0] =	vst v6;
	v6 =	vld [tilespmem:s20+$0x50]  }
0x116: {  	v8 =	vor.u32 v2, v13;
	v7 =	vld [tilespmem:s20+$0x60];
	v10 =	vmul.f32 v10, v4;
	[tilespmem:s20+$0x0] =	vst v9;
	v9 =	vmov s25  }
0x117: {  	[tilespmem:s20+$0xFFFFFFF0] =	vst v14;
	v14 =	vand.u32 $0x7D, v15;
	v11 =	vmul.f32 v11, v4;
	v13 =	vand.u32 $0x7E, v9;
	v9 =	vld [tilespmem:s20+$0x70]  }
0x118: {  	s29 =	simm.s32 $0x2100;
	s13 =	simm.s32 $0x7;
	v8 =	vbroadcast v8, $0x0;
	v12 =	vmul.f32 v12, v4;
	v14 =	vor.u32 v2, v14;
	s25 =	simm.s32 $0x8;
	[tilespmem:s20+$0x10] =	vst v10;
	v10 =	vld [tilespmem:s20+$0x80]  }
.LBB2_6:
0x119: {  	p0 =	slt.u32 s25, $0x4C;
	v13 =	vor.u32 v2, v13;
	v15 =	vmov s13;
	[tilespmem:s20+$0x20] =	vst v11;
	v5 =	vmul.f32 v5, v4;
	v11 =	vld [tilespmem:s20+$0x90]  }
0x11a: {  	v14 =	vbroadcast v14, $0x0;
	v15 =	vand.u32 $0x7F, v15;
	[tilespmem:s20+$0x30] =	vst v12;
	v6 =	vmul.f32 v6, v4;
	v12 =	vld [tilespmem:s20+$0xA0]  }
0x11b: {  	v13 =	vbroadcast v13, $0x0;
	v15 =	vor.u32 v2, v15;
	[tilespmem:s20+$0x40] =	vst v5;
	v5 =	vmul.f32 v7, v4;
	v7 =	vld [tilespmem:s20+$0xB0]  }
0x11c: {  	v15 =	vbroadcast v15, $0x0;
	[tilespmem:s20+$0x50] =	vst v6;
	v4 =	vmul.f32 v9, v4;
	v6 =	vld [tilespmem:s20+$0xC0]  }
0x11d: {  	[tilespmem:s20+$0x60] =	vst v5;
	v5 =	vmul.f32 v10, v3;
	v9 =	vld [tilespmem:s20+$0xD0]  }
0x11e: {  	[tilespmem:s20+$0x70] =	vst v4;
	v4 =	vmul.f32 v11, v3;
	v10 =	vld [tilespmem:s20+$0xE0]  }
0x11f: {  	v8 =	vld.idx.msk [tilespmem:v8+s17+$0x0], $0xffff;
	[tilespmem:s20+$0x80] =	vst v5;
	v5 =	vmul.f32 v12, v3  }
0x120: {  	v11 =	vld.idx.msk [tilespmem:v14+s17+$0x0], $0xffff;
	[tilespmem:s20+$0x90] =	vst v4;
	v7 =	vmul.f32 v7, v3  }
0x121: {  	v4 =	vld.idx.msk [tilespmem:v13+s17+$0x0], $0xffff;
	[tilespmem:s20+$0xA0] =	vst v5;
	v5 =	vmul.f32 v6, v3  }
0x122: {  	s20 =	sadd.s32 $0x200, s20;
	v6 =	vld.idx.msk [tilespmem:v15+s17+$0x0], $0xffff;
	[tilespmem:s29+$0xB0] =	vst v7;
	v7 =	vmul.f32 v9, v3  }
0x123: {  	v9 =	vld [tilespmem:s20+$0xF0];
	[tilespmem:s29+$0xC0] =	vst v5;
	v3 =	vmul.f32 v10, v3  }
0x124: {  	v5 =	vld [tilespmem:s20+$0xFFFFFF00];
	[tilespmem:s29+$0xD0] =	vst v7  }
0x125: {  	v7 =	vld [tilespmem:s20+$0xFFFFFF10];
	[tilespmem:s29+$0xE0] =	vst v3;
	s29 =	smov.u32 s20  }
0x126: {  	v10 =	vld [tilespmem:s20+$0xFFFFFF20]  }
0x127: {  	v12 =	vld [tilespmem:s20+$0xFFFFFF30]  }
0x128: {  	v3 =	vmov v6;
	v13 =	vld [tilespmem:s20+$0xFFFFFF40];
	v9 =	vmul.f32 v9, v6  }
0x129: {  	v5 =	vmul.f32 v5, v8;
	v6 =	vld [tilespmem:s20+$0xFFFFFF50]  }
0x12a: {  	v7 =	vmul.f32 v7, v8;
	v14 =	vld [tilespmem:s20+$0xFFFFFF60];
	[tilespmem:s20+$0xF0] =	vst v9  }
0x12b: {  	[tilespmem:s20+$0xFFFFFF00] =	vst v5;
	v5 =	vmul.f32 v10, v8;
	v9 =	vld [tilespmem:s20+$0xFFFFFF70]  }
0x12c: {  	[tilespmem:s20+$0xFFFFFF10] =	vst v7;
	v7 =	vmul.f32 v12, v8;
	v10 =	vld [tilespmem:s20+$0xFFFFFF80]  }
0x12d: {  	[tilespmem:s20+$0xFFFFFF20] =	vst v5;
	v5 =	vmul.f32 v13, v8;
	v12 =	vld [tilespmem:s20+$0xFFFFFF90]  }
0x12e: {  	[tilespmem:s20+$0xFFFFFF30] =	vst v7;
	v6 =	vmul.f32 v6, v8;
	v7 =	vld [tilespmem:s20+$0xFFFFFFA0]  }
0x12f: {  	[tilespmem:s20+$0xFFFFFF40] =	vst v5;
	v5 =	vmul.f32 v14, v8;
	v13 =	vld [tilespmem:s20+$0xFFFFFFB0]  }
0x130: {  	[tilespmem:s20+$0xFFFFFF50] =	vst v6;
	v6 =	vmul.f32 v9, v8;
	v8 =	vld [tilespmem:s20+$0xFFFFFFC0]  }
0x131: {  	[tilespmem:s20+$0xFFFFFF60] =	vst v5;
	v5 =	vmul.f32 v10, v11;
	v9 =	vld [tilespmem:s20+$0xFFFFFFD0]  }
0x132: {  	[tilespmem:s20+$0xFFFFFF70] =	vst v6;
	v6 =	vmul.f32 v12, v11;
	v10 =	vld [tilespmem:s20+$0xFFFFFFE0]  }
0x133: {  	[tilespmem:s20+$0xFFFFFF80] =	vst v5;
	v5 =	vmul.f32 v7, v11;
	v7 =	vld [tilespmem:s20+$0xFFFFFFF0]  }
0x134: {  	[tilespmem:s20+$0xFFFFFF90] =	vst v6;
	v6 =	vmul.f32 v13, v11;
	v12 =	vld [tilespmem:s20+$0x0]  }
0x135: {  	[tilespmem:s20+$0xFFFFFFA0] =	vst v5;
	v5 =	vmul.f32 v8, v11;
	v8 =	vld [tilespmem:s20+$0x10]  }
0x136: {  	[tilespmem:s20+$0xFFFFFFB0] =	vst v6;
	v6 =	vmul.f32 v9, v11;
	v9 =	vld [tilespmem:s20+$0x20]  }
0x137: {  	[tilespmem:s20+$0xFFFFFFC0] =	vst v5;
	v10 =	vmul.f32 v10, v11;
	v15 =	vld [tilespmem:s20+$0x30]  }
.Ltmp1:
0x138: {  	s13 =	sadd.s32 $0x1, s25;
	v13 =	vmov s25;
	[tilespmem:s20+$0xFFFFFFD0] =	vst v6;
	v7 =	vmul.f32 v7, v11;
	v5 =	vld [tilespmem:s20+$0x40];
	(pc) =	sbr.rel @p0 .LBB2_6-.Ltmp1, $4  }
0x139: {  	v11 =	vand.u32 $0x7C, v13;
	v13 =	vmov s13;
	s13 =	sadd.s32 $0x2, s25;
	[tilespmem:s20+$0xFFFFFFE0] =	vst v10;
	v10 =	vmul.f32 v12, v4;
	v6 =	vld [tilespmem:s20+$0x50]  }
0x13a: {  	v12 =	vor.u32 v2, v11;
	v11 =	vmov s13;
	[tilespmem:s20+$0xFFFFFFF0] =	vst v7;
	v16 =	vmul.f32 v8, v4;
	v7 =	vld [tilespmem:s20+$0x60]  }
0x13b: {  	v14 =	vand.u32 $0x7D, v13;
	v13 =	vand.u32 $0x7E, v11;
	[tilespmem:s20+$0x0] =	vst v10;
	v11 =	vmul.f32 v9, v4;
	v9 =	vld [tilespmem:s20+$0x70]  }
0x13c: {  	s13 =	sadd.s32 $0x3, s25;
	s25 =	sadd.s32 $0x4, s25;
	v8 =	vbroadcast v12, $0x0;
	v14 =	vor.u32 v2, v14;
	[tilespmem:s20+$0x10] =	vst v16;
	v12 =	vmul.f32 v15, v4;
	v10 =	vld [tilespmem:s20+$0x80]  }
0x13d: {  	v16 =	vld [tilespmem:s20+$0x90]  }
0x13e: {  	v17 =	vld [tilespmem:s20+$0xA0]  }
0x13f: {  	v15 =	vmov s13;
	v13 =	vor.u32 v2, v13;
	v18 =	vld [tilespmem:s20+$0xC0]  }
0x140: {  	v14 =	vbroadcast v14, $0x0;
	[tilespmem:s20+$0x20] =	vst v11;
	v5 =	vmul.f32 v5, v4;
	v11 =	vld [tilespmem:s20+$0xD0];
	v15 =	vand.u32 $0x7F, v15  }
0x141: {  	v13 =	vbroadcast v13, $0x0;
	[tilespmem:s20+$0x30] =	vst v12;
	v6 =	vmul.f32 v6, v4;
	v12 =	vld [tilespmem:s20+$0xE0];
	v2 =	vor.u32 v2, v15  }
0x142: {  	v15 =	vld [tilespmem:s20+$0xB0];
	[tilespmem:s20+$0x40] =	vst v5;
	v5 =	vmul.f32 v7, v4;
	v2 =	vbroadcast v2, $0x0  }
0x143: {  	s25 =	sadd.s32 $0x200, s20;
	v7 =	vld.idx.msk [tilespmem:v8+s17+$0x0], $0xffff;
	[tilespmem:s20+$0x50] =	vst v6;
	v4 =	vmul.f32 v9, v4  }
0x144: {  	v9 =	vld [tilespmem:s25+$0xF0];
	[tilespmem:s20+$0x60] =	vst v5;
	v5 =	vmul.f32 v10, v3  }
0x145: {  	v10 =	vld [tilespmem:s25+$0xFFFFFF00];
	[tilespmem:s20+$0x70] =	vst v4;
	v4 =	vmul.f32 v16, v3  }
0x146: {  	v6 =	vld.idx.msk [tilespmem:v14+s17+$0x0], $0xffff;
	[tilespmem:s20+$0x80] =	vst v5;
	v5 =	vmul.f32 v17, v3  }
0x147: {  	v8 =	vld.idx.msk [tilespmem:v13+s17+$0x0], $0xffff;
	[tilespmem:s20+$0x90] =	vst v4;
	v4 =	vmul.f32 v15, v3  }
0x148: {  	[tilespmem:s20+$0xA0] =	vst v5;
	v5 =	vmul.f32 v18, v3;
	v2 =	vld.idx.msk [tilespmem:v2+s17+$0x0], $0xffff  }
0x149: {  	v13 =	vld [tilespmem:s25+$0xFFFFFF10];
	[tilespmem:s29+$0xB0] =	vst v4;
	v4 =	vmul.f32 v11, v3  }
0x14a: {  	v11 =	vld [tilespmem:s25+$0xFFFFFF20];
	v3 =	vmul.f32 v12, v3;
	[tilespmem:s29+$0xC0] =	vst v5  }
0x14b: {  	v5 =	vld [tilespmem:s25+$0xFFFFFF30];
	[tilespmem:s29+$0xD0] =	vst v4  }
0x14c: {  	v4 =	vld [tilespmem:s25+$0xFFFFFF40];
	[tilespmem:s29+$0xE0] =	vst v3;
	v3 =	vmul.f32 v10, v7  }
0x14d: {  	v10 =	vld [tilespmem:s25+$0xFFFFFF50];
	v9 =	vmul.f32 v9, v2  }
0x14e: {  	v12 =	vmul.f32 v13, v7;
	v13 =	vld [tilespmem:s25+$0xFFFFFF60];
	[tilespmem:s25+$0xFFFFFF00] =	vst v3  }
0x14f: {  	v3 =	vmul.f32 v11, v7;
	[tilespmem:s25+$0xF0] =	vst v9;
	v9 =	vld [tilespmem:s25+$0xFFFFFF70]  }
0x150: {  	[tilespmem:s25+$0xFFFFFF10] =	vst v12;
	v11 =	vld [tilespmem:s25+$0xFFFFFF80];
	v5 =	vmul.f32 v5, v7  }
0x151: {  	[tilespmem:s25+$0xFFFFFF20] =	vst v3;
	v3 =	vmul.f32 v4, v7;
	v4 =	vld [tilespmem:s25+$0xFFFFFF90]  }
0x152: {  	[tilespmem:s25+$0xFFFFFF30] =	vst v5;
	v5 =	vmul.f32 v10, v7;
	v10 =	vld [tilespmem:s25+$0xFFFFFFA0]  }
0x153: {  	v12 =	vld [tilespmem:s25+$0xFFFFFFB0];
	[tilespmem:s25+$0xFFFFFF40] =	vst v3;
	v3 =	vmul.f32 v13, v7  }
0x154: {  	[tilespmem:s25+$0xFFFFFF50] =	vst v5;
	v5 =	vmul.f32 v9, v7;
	v7 =	vld [tilespmem:s25+$0xFFFFFFC0]  }
0x155: {  	[tilespmem:s25+$0xFFFFFF60] =	vst v3;
	v3 =	vmul.f32 v11, v6;
	v9 =	vld [tilespmem:s25+$0xFFFFFFD0]  }
0x156: {  	v4 =	vmul.f32 v4, v6;
	[tilespmem:s25+$0xFFFFFF70] =	vst v5;
	v5 =	vld [tilespmem:s25+$0xFFFFFFE0]  }
0x157: {  	[tilespmem:s25+$0xFFFFFF80] =	vst v3;
	v3 =	vmul.f32 v10, v6;
	v10 =	vld [tilespmem:s25+$0xFFFFFFF0]  }
0x158: {  	v11 =	vld [tilespmem:s25+$0x0];
	[tilespmem:s25+$0xFFFFFF90] =	vst v4;
	v4 =	vmul.f32 v12, v6  }
0x159: {  	[tilespmem:s25+$0xFFFFFFA0] =	vst v3;
	v3 =	vmul.f32 v7, v6;
	v7 =	vld [tilespmem:s25+$0x10]  }
0x15a: {  	[tilespmem:s25+$0xFFFFFFB0] =	vst v4;
	v4 =	vmul.f32 v9, v6;
	v9 =	vld [tilespmem:s25+$0x20]  }
0x15b: {  	[tilespmem:s25+$0xFFFFFFC0] =	vst v3;
	v3 =	vmul.f32 v5, v6;
	v5 =	vld [tilespmem:s25+$0x30]  }
0x15c: {  	[tilespmem:s25+$0xFFFFFFD0] =	vst v4;
	v4 =	vmul.f32 v10, v6;
	v6 =	vld [tilespmem:s25+$0x40]  }
0x15d: {  	v10 =	vld [tilespmem:s25+$0x50];
	[tilespmem:s25+$0xFFFFFFE0] =	vst v3;
	v3 =	vmul.f32 v11, v8  }
0x15e: {  	[tilespmem:s25+$0xFFFFFFF0] =	vst v4;
	v4 =	vmul.f32 v7, v8;
	v7 =	vld [tilespmem:s25+$0x60]  }
0x15f: {  	[tilespmem:s25+$0x0] =	vst v3;
	v3 =	vmul.f32 v9, v8;
	v9 =	vld [tilespmem:s25+$0x70]  }
0x160: {  	[tilespmem:s25+$0x10] =	vst v4;
	v4 =	vmul.f32 v5, v8;
	v5 =	vld [tilespmem:s25+$0x80]  }
0x161: {  	[tilespmem:s25+$0x20] =	vst v3;
	v3 =	vmul.f32 v6, v8;
	v6 =	vld [tilespmem:s25+$0x90]  }
0x162: {  	[tilespmem:s25+$0x30] =	vst v4;
	v4 =	vmul.f32 v10, v8;
	v10 =	vld [tilespmem:s25+$0xA0]  }
0x163: {  	[tilespmem:s25+$0x40] =	vst v3;
	v3 =	vmul.f32 v7, v8;
	v7 =	vld [tilespmem:s25+$0xB0]  }
0x164: {  	[tilespmem:s25+$0x50] =	vst v4;
	v4 =	vmul.f32 v9, v8;
	v8 =	vld [tilespmem:s25+$0xC0]  }
0x165: {  	[tilespmem:s25+$0x60] =	vst v3;
	v3 =	vmul.f32 v5, v2;
	v5 =	vld [tilespmem:s25+$0xD0]  }
0x166: {  	[tilespmem:s25+$0x70] =	vst v4;
	v4 =	vmul.f32 v6, v2;
	v6 =	vld [tilespmem:s25+$0xE0]  }
0x167: {  	[tilespmem:s25+$0x80] =	vst v3;
	v3 =	vmul.f32 v10, v2  }
0x168: {  	[tilespmem:s25+$0x90] =	vst v4;
	v4 =	vmul.f32 v7, v2  }
0x169: {  	[tilespmem:s25+$0xA0] =	vst v3;
	v3 =	vmul.f32 v8, v2  }
0x16a: {  	[tilespmem:s25+$0xB0] =	vst v4;
	v4 =	vmul.f32 v5, v2  }
0x16b: {  	[tilespmem:s25+$0xC0] =	vst v3;
	v2 =	vmul.f32 v6, v2  }
0x16c: {  	[tilespmem:s25+$0xD0] =	vst v4  }
0x16d: {  	[tilespmem:s25+$0xE0] =	vst v2  }
0x16e: {  	[spmem:s2] =	stream.indirect.scatter.add.f32 [tilespmem:s31], [sflag:$0x5], $0x80, s8, s3, $0xb8;
	[tilespmem:$0x1CC80] =	vst v63  }
0x16f: {  	_ =	swait.ge [sflag:s18], $0x50  }
0x170: {  	[sflag:s18] =	ssyncset.done $0x0  }
0x171: {  	[sflag:s18] =	ssyncadd.s32 $0xFFFFFFB0  }
0x172: {  	_ =	swait.ge [sflag:s21], $0x50  }
0x173: {  	[sflag:s21] =	ssyncset.done $0x0  }
0x174: {  	[sflag:s21] =	ssyncadd.s32 $0xFFFFFFB0  }
0x175: {  	_ =	swait.ge [sflag:s21], $0x50  }
0x176: {  	[sflag:s21] =	ssyncset.done $0x0  }
0x177: {  	[sflag:s21] =	ssyncadd.s32 $0xFFFFFFB0  }
0x178: {  	v2 =	vld [tilespmem:$0x7100]  }
0x179: {  	v3 =	vld [tilespmem:$0x7180];
	_ =	sdelay $0x4  }
0x17a: {  	v2 =	vadd.f32 v3, v2;
	_ =	sdelay $0x1  }
0x17b: {  	v3 =	vmul.f32 $2.000000030e-01, v2  }
0x17c: {  	vm0 =	vge.f32 v2, $0.0e+00  }
0x17d: {  	v2 =	vsel vm0, v2, v3  }
0x17e: {  	v2 =	vsub.f32 v2, v1;
	_ =	sdelay $0x1  }
0x17f: {  	v2 =	vmul.f32 $1.442695020e+00, v2;
	_ =	sdelay $0x1  }
0x180: {  	(erf) = vpow2.f32 v2;
	_ =	sdelay $0x2  }
0x181: {  	v3 =	vld [tilespmem:s30+$0x1000]  }
0x182: {  	v2 =	vld [tilespmem:s30+$0x0];
	_ =	sdelay $0x4  }
0x183: {  	vm7 =	veq.s32 v2, v3;
	v4 =	vpop (erf)  }
0x184: {  	v2 =	vsel vm7, $0x0, v4  }
0x185: {  	[tilespmem:s30+$0x7200] =	vst v2  }
0x186: {  	v2 =	vld [tilespmem:$0x7110]  }
0x187: {  	v3 =	vld [tilespmem:$0x7190];
	_ =	sdelay $0x4  }
0x188: {  	v2 =	vadd.f32 v3, v2;
	_ =	sdelay $0x1  }
0x189: {  	v3 =	vmul.f32 $2.000000030e-01, v2  }
0x18a: {  	vm8 =	vge.f32 v2, $0.0e+00  }
0x18b: {  	v2 =	vsel vm8, v2, v3  }
0x18c: {  	v2 =	vsub.f32 v2, v1;
	_ =	sdelay $0x1  }
0x18d: {  	v2 =	vmul.f32 $1.442695020e+00, v2;
	_ =	sdelay $0x1  }
0x18e: {  	(erf) = vpow2.f32 v2;
	_ =	sdelay $0x2  }
0x18f: {  	s20 =	sor.u32 $0x10, s30;
	v3 =	vld [tilespmem:s30+$0x1010]  }
0x190: {  	v2 =	vld [tilespmem:s20+$0x0];
	_ =	sdelay $0x4  }
0x191: {  	vm9 =	veq.s32 v2, v3;
	v4 =	vpop (erf)  }
0x192: {  	v2 =	vsel vm9, $0x0, v4  }
0x193: {  	[tilespmem:s30+$0x7210] =	vst v2  }
0x194: {  	v2 =	vld [tilespmem:$0x7120]  }
0x195: {  	v3 =	vld [tilespmem:$0x71A0];
	_ =	sdelay $0x4  }
0x196: {  	v2 =	vadd.f32 v3, v2;
	_ =	sdelay $0x1  }
0x197: {  	v3 =	vmul.f32 $2.000000030e-01, v2  }
0x198: {  	vm10 =	vge.f32 v2, $0.0e+00  }
0x199: {  	v2 =	vsel vm10, v2, v3  }
0x19a: {  	v2 =	vsub.f32 v2, v1;
	_ =	sdelay $0x1  }
0x19b: {  	v2 =	vmul.f32 $1.442695020e+00, v2;
	_ =	sdelay $0x1  }
0x19c: {  	(erf) = vpow2.f32 v2;
	_ =	sdelay $0x2  }
0x19d: {  	s25 =	sor.u32 $0x20, s30;
	v3 =	vld [tilespmem:s30+$0x1020]  }
0x19e: {  	v2 =	vld [tilespmem:s25+$0x0];
	_ =	sdelay $0x4  }
0x19f: {  	vm11 =	veq.s32 v2, v3;
	v4 =	vpop (erf)  }
0x1a0: {  	v2 =	vsel vm11, $0x0, v4  }
0x1a1: {  	[tilespmem:s30+$0x7220] =	vst v2  }
0x1a2: {  	v2 =	vld [tilespmem:$0x7130]  }
0x1a3: {  	v3 =	vld [tilespmem:$0x71B0];
	_ =	sdelay $0x4  }
0x1a4: {  	v2 =	vadd.f32 v3, v2;
	_ =	sdelay $0x1  }
0x1a5: {  	v3 =	vmul.f32 $2.000000030e-01, v2  }
0x1a6: {  	vm12 =	vge.f32 v2, $0.0e+00  }
0x1a7: {  	v2 =	vsel vm12, v2, v3  }
0x1a8: {  	v2 =	vsub.f32 v2, v1;
	_ =	sdelay $0x1  }
0x1a9: {  	v2 =	vmul.f32 $1.442695020e+00, v2;
	_ =	sdelay $0x1  }
0x1aa: {  	(erf) = vpow2.f32 v2;
	_ =	sdelay $0x2  }
0x1ab: {  	s29 =	sor.u32 $0x30, s30;
	v3 =	vld [tilespmem:s30+$0x1030]  }
0x1ac: {  	v2 =	vld [tilespmem:s29+$0x0];
	_ =	sdelay $0x4  }
0x1ad: {  	vm13 =	veq.s32 v2, v3;
	v4 =	vpop (erf)  }
0x1ae: {  	v2 =	vsel vm13, $0x0, v4  }
0x1af: {  	[tilespmem:s30+$0x7230] =	vst v2  }
0x1b0: {  	v2 =	vld [tilespmem:$0x7140]  }
0x1b1: {  	v3 =	vld [tilespmem:$0x71C0];
	_ =	sdelay $0x4  }
0x1b2: {  	v2 =	vadd.f32 v3, v2;
	_ =	sdelay $0x1  }
0x1b3: {  	v3 =	vmul.f32 $2.000000030e-01, v2  }
0x1b4: {  	vm14 =	vge.f32 v2, $0.0e+00  }
0x1b5: {  	v2 =	vsel vm14, v2, v3  }
0x1b6: {  	v2 =	vsub.f32 v2, v1;
	_ =	sdelay $0x1  }
0x1b7: {  	v2 =	vmul.f32 $1.442695020e+00, v2;
	_ =	sdelay $0x1  }
0x1b8: {  	(erf) = vpow2.f32 v2;
	_ =	sdelay $0x2  }
0x1b9: {  	s13 =	sor.u32 $0x40, s30;
	v4 =	vld [tilespmem:s30+$0x1040]  }
0x1ba: {  	v2 =	vld [tilespmem:s13+$0x0];
	_ =	sdelay $0x1  }
0x1bb: {  	s20 =	simm.s32 $0x0  }
0x1bc: {  	v5 =	vmov s20;
	s25 =	simm.s32 $0x3  }
0x1bd: {  	v5 =	vand.u32 $0x7C, v5;
	v6 =	vmov s25;
	v3 =	vmov s30  }
0x1be: {  	vm15 =	veq.s32 v2, v4;
	v2 =	vor.u32 v3, v5;
	v4 =	vand.u32 $0x7F, v6;
	v7 =	vpop (erf)  }
0x1bf: {  	v2 =	vbroadcast v2, $0x0;
	v4 =	vor.u32 v3, v4;
	v5 =	vsel vm15, $0x0, v7  }
0x1c0: {  	s29 =	sadd.s32 $0x7200, s30;
	v4 =	vbroadcast v4, $0x0;
	[tilespmem:s30+$0x7240] =	vst v5  }
0x1c1: {  	[spmem:s6] =	stream.indirect.scatter.add.f32 [tilespmem:s29], [sflag:$0x8], $0x1, s1, s3, $0xb8;
	[tilespmem:$0x1CC80] =	vst v63  }
0x1c2: {  	_ =	swait.ge [sflag:s7], $0x2800  }
0x1c3: {  	[sflag:s7] =	ssyncset.done $0x0  }
0x1c4: {  	[sflag:s7] =	ssyncadd.s32 $0xFFFFD800  }
0x1c5: {  	s30 =	simm.s32 $0x1;
	v5 =	vld.idx.msk [tilespmem:v2+s17+$0x0], $0xffff  }
0x1c6: {  	s8 =	simm.s32 $0x4900;
	v6 =	vmov s30;
	v2 =	vld.idx.msk [tilespmem:v4+s17+$0x0], $0xffff  }
0x1c7: {  	v4 =	vand.u32 $0x7D, v6;
	v6 =	vld [tilespmem:s8+$0xF0]  }
0x1c8: {  	v7 =	vld [tilespmem:s8+$0xFFFFFF00]  }
0x1c9: {  	v8 =	vld [tilespmem:s8+$0xFFFFFF10]  }
0x1ca: {  	v9 =	vld [tilespmem:s8+$0xFFFFFF20];
	v4 =	vor.u32 v3, v4  }
0x1cb: {  	v10 =	vld [tilespmem:s8+$0xFFFFFF30];
	v4 =	vbroadcast v4, $0x0  }
0x1cc: {  	v11 =	vld [tilespmem:s8+$0xFFFFFF40]  }
0x1cd: {  	v12 =	vld [tilespmem:s8+$0xFFFFFF50];
	v7 =	vmul.f32 v7, v5  }
0x1ce: {  	v13 =	vld [tilespmem:s8+$0xFFFFFF60];
	v6 =	vmul.f32 v6, v2  }
0x1cf: {  	[tilespmem:s8+$0xFFFFFF00] =	vst v7;
	v7 =	vld [tilespmem:s8+$0xFFFFFF70]  }
0x1d0: {  	s20 =	simm.s32 $0x2;
	v8 =	vmul.f32 v8, v5;
	[tilespmem:s8+$0xF0] =	vst v6;
	v6 =	vmul.f32 v9, v5;
	v9 =	vld [tilespmem:s8+$0xFFFFFF90]  }
0x1d1: {  	v14 =	vmov s20;
	v15 =	vld.idx.msk [tilespmem:v4+s17+$0x0], $0xffff  }
0x1d2: {  	[tilespmem:s8+$0xFFFFFF10] =	vst v8;
	v8 =	vmul.f32 v10, v5;
	v4 =	vand.u32 $0x7E, v14;
	v14 =	vld [tilespmem:s8+$0xFFFFFF80]  }
0x1d3: {  	v13 =	vmul.f32 v13, v5;
	v10 =	vld [tilespmem:s8+$0xFFFFFFA0];
	v4 =	vor.u32 v3, v4;
	[tilespmem:s8+$0xFFFFFF20] =	vst v6;
	v6 =	vmul.f32 v11, v5  }
0x1d4: {  	v11 =	vld [tilespmem:s8+$0xFFFFFFB0];
	[tilespmem:s8+$0xFFFFFF30] =	vst v8;
	v8 =	vmul.f32 v12, v5;
	v4 =	vbroadcast v4, $0x0  }
0x1d5: {  	[tilespmem:s8+$0xFFFFFF60] =	vst v13;
	v12 =	vld [tilespmem:s8+$0xFFFFFFC0]  }
0x1d6: {  	[tilespmem:s8+$0xFFFFFF50] =	vst v8;
	v8 =	vld [tilespmem:s8+$0xFFFFFFE0];
	v5 =	vmul.f32 v7, v5  }
0x1d7: {  	[tilespmem:s8+$0xFFFFFF40] =	vst v6;
	v7 =	vld [tilespmem:s8+$0xFFFFFFF0];
	v6 =	vmul.f32 v14, v15  }
0x1d8: {  	v14 =	vld [tilespmem:s8+$0xFFFFFFD0];
	[tilespmem:s8+$0xFFFFFF70] =	vst v5;
	v5 =	vmul.f32 v10, v15  }
0x1d9: {  	[tilespmem:s8+$0xFFFFFF80] =	vst v6;
	v6 =	vmul.f32 v9, v15;
	v9 =	vld [tilespmem:s8+$0x0]  }
0x1da: {  	v4 =	vld.idx.msk [tilespmem:v4+s17+$0x0], $0xffff;
	[tilespmem:s8+$0xFFFFFFA0] =	vst v5;
	v5 =	vmul.f32 v12, v15  }
0x1db: {  	v10 =	vld [tilespmem:s8+$0x10];
	[tilespmem:s8+$0xFFFFFF90] =	vst v6;
	v6 =	vmul.f32 v11, v15  }
0x1dc: {  	s25 =	simm.s32 $0x4;
	v8 =	vmul.f32 v8, v15;
	v11 =	vld [tilespmem:s8+$0x20];
	[tilespmem:s8+$0xFFFFFFC0] =	vst v5  }
0x1dd: {  	v13 =	vmov s25;
	v12 =	vld [tilespmem:s8+$0x30];
	[tilespmem:s8+$0xFFFFFFB0] =	vst v6;
	v6 =	vmul.f32 v14, v15  }
0x1de: {  	v13 =	vand.u32 $0x7C, v13;
	v5 =	vld [tilespmem:s8+$0x40];
	[tilespmem:s8+$0xFFFFFFE0] =	vst v8;
	v14 =	vmul.f32 v7, v15  }
0x1df: {  	s29 =	simm.s32 $0x5;
	s30 =	simm.s32 $0x6;
	v8 =	vor.u32 v3, v13;
	[tilespmem:s8+$0xFFFFFFD0] =	vst v6;
	v9 =	vmul.f32 v9, v4;
	v6 =	vld [tilespmem:s8+$0x50]  }
0x1e0: {  	v13 =	vmov s30;
	v15 =	vmov s29;
	v7 =	vld [tilespmem:s8+$0x60];
	v10 =	vmul.f32 v10, v4;
	[tilespmem:s8+$0xFFFFFFF0] =	vst v14  }
0x1e1: {  	v13 =	vand.u32 $0x7E, v13;
	v14 =	vand.u32 $0x7D, v15;
	v11 =	vmul.f32 v11, v4;
	[tilespmem:s8+$0x0] =	vst v9;
	v9 =	vld [tilespmem:s8+$0x70]  }
0x1e2: {  	s20 =	simm.s32 $0x4900;
	s13 =	simm.s32 $0x7;
	s25 =	simm.s32 $0x8;
	v8 =	vbroadcast v8, $0x0;
	v12 =	vmul.f32 v12, v4;
	v14 =	vor.u32 v3, v14;
	[tilespmem:s8+$0x10] =	vst v10;
	v10 =	vld [tilespmem:s8+$0x80]  }
.LBB2_8:
0x1e3: {  	p0 =	slt.u32 s25, $0x4C;
	v13 =	vor.u32 v3, v13;
	v15 =	vmov s13;
	[tilespmem:s8+$0x20] =	vst v11;
	v5 =	vmul.f32 v5, v4;
	v11 =	vld [tilespmem:s8+$0x90]  }
0x1e4: {  	v14 =	vbroadcast v14, $0x0;
	v15 =	vand.u32 $0x7F, v15;
	[tilespmem:s8+$0x30] =	vst v12;
	v6 =	vmul.f32 v6, v4;
	v12 =	vld [tilespmem:s8+$0xA0]  }
0x1e5: {  	v13 =	vbroadcast v13, $0x0;
	v15 =	vor.u32 v3, v15;
	[tilespmem:s8+$0x40] =	vst v5;
	v5 =	vmul.f32 v7, v4;
	v7 =	vld [tilespmem:s8+$0xB0]  }
0x1e6: {  	v15 =	vbroadcast v15, $0x0;
	[tilespmem:s8+$0x50] =	vst v6;
	v4 =	vmul.f32 v9, v4;
	v6 =	vld [tilespmem:s8+$0xC0]  }
0x1e7: {  	[tilespmem:s8+$0x60] =	vst v5;
	v5 =	vmul.f32 v10, v2;
	v9 =	vld [tilespmem:s8+$0xD0]  }
0x1e8: {  	[tilespmem:s8+$0x70] =	vst v4;
	v4 =	vmul.f32 v11, v2;
	v10 =	vld [tilespmem:s8+$0xE0]  }
0x1e9: {  	v8 =	vld.idx.msk [tilespmem:v8+s17+$0x0], $0xffff;
	[tilespmem:s8+$0x80] =	vst v5;
	v5 =	vmul.f32 v12, v2  }
0x1ea: {  	v11 =	vld.idx.msk [tilespmem:v14+s17+$0x0], $0xffff;
	[tilespmem:s8+$0x90] =	vst v4;
	v7 =	vmul.f32 v7, v2  }
0x1eb: {  	v4 =	vld.idx.msk [tilespmem:v13+s17+$0x0], $0xffff;
	[tilespmem:s8+$0xA0] =	vst v5;
	v5 =	vmul.f32 v6, v2  }
0x1ec: {  	s8 =	sadd.s32 $0x200, s8;
	v6 =	vld.idx.msk [tilespmem:v15+s17+$0x0], $0xffff;
	[tilespmem:s20+$0xB0] =	vst v7;
	v7 =	vmul.f32 v9, v2  }
0x1ed: {  	v9 =	vld [tilespmem:s8+$0xF0];
	[tilespmem:s20+$0xC0] =	vst v5;
	v2 =	vmul.f32 v10, v2  }
0x1ee: {  	v5 =	vld [tilespmem:s8+$0xFFFFFF00];
	[tilespmem:s20+$0xD0] =	vst v7  }
0x1ef: {  	v7 =	vld [tilespmem:s8+$0xFFFFFF10];
	[tilespmem:s20+$0xE0] =	vst v2;
	s20 =	smov.u32 s8  }
0x1f0: {  	v10 =	vld [tilespmem:s8+$0xFFFFFF20]  }
0x1f1: {  	v12 =	vld [tilespmem:s8+$0xFFFFFF30]  }
0x1f2: {  	v2 =	vmov v6;
	v13 =	vld [tilespmem:s8+$0xFFFFFF40];
	v9 =	vmul.f32 v9, v6  }
0x1f3: {  	v5 =	vmul.f32 v5, v8;
	v6 =	vld [tilespmem:s8+$0xFFFFFF50]  }
0x1f4: {  	v7 =	vmul.f32 v7, v8;
	v14 =	vld [tilespmem:s8+$0xFFFFFF60];
	[tilespmem:s8+$0xF0] =	vst v9  }
0x1f5: {  	[tilespmem:s8+$0xFFFFFF00] =	vst v5;
	v5 =	vmul.f32 v10, v8;
	v9 =	vld [tilespmem:s8+$0xFFFFFF70]  }
0x1f6: {  	[tilespmem:s8+$0xFFFFFF10] =	vst v7;
	v7 =	vmul.f32 v12, v8;
	v10 =	vld [tilespmem:s8+$0xFFFFFF80]  }
0x1f7: {  	[tilespmem:s8+$0xFFFFFF20] =	vst v5;
	v5 =	vmul.f32 v13, v8;
	v12 =	vld [tilespmem:s8+$0xFFFFFF90]  }
0x1f8: {  	[tilespmem:s8+$0xFFFFFF30] =	vst v7;
	v6 =	vmul.f32 v6, v8;
	v7 =	vld [tilespmem:s8+$0xFFFFFFA0]  }
0x1f9: {  	[tilespmem:s8+$0xFFFFFF40] =	vst v5;
	v5 =	vmul.f32 v14, v8;
	v13 =	vld [tilespmem:s8+$0xFFFFFFB0]  }
0x1fa: {  	[tilespmem:s8+$0xFFFFFF50] =	vst v6;
	v6 =	vmul.f32 v9, v8;
	v8 =	vld [tilespmem:s8+$0xFFFFFFC0]  }
0x1fb: {  	[tilespmem:s8+$0xFFFFFF60] =	vst v5;
	v5 =	vmul.f32 v10, v11;
	v9 =	vld [tilespmem:s8+$0xFFFFFFD0]  }
0x1fc: {  	[tilespmem:s8+$0xFFFFFF70] =	vst v6;
	v6 =	vmul.f32 v12, v11;
	v10 =	vld [tilespmem:s8+$0xFFFFFFE0]  }
0x1fd: {  	[tilespmem:s8+$0xFFFFFF80] =	vst v5;
	v5 =	vmul.f32 v7, v11;
	v7 =	vld [tilespmem:s8+$0xFFFFFFF0]  }
0x1fe: {  	[tilespmem:s8+$0xFFFFFF90] =	vst v6;
	v6 =	vmul.f32 v13, v11;
	v12 =	vld [tilespmem:s8+$0x0]  }
0x1ff: {  	[tilespmem:s8+$0xFFFFFFA0] =	vst v5;
	v5 =	vmul.f32 v8, v11;
	v8 =	vld [tilespmem:s8+$0x10]  }
0x200: {  	[tilespmem:s8+$0xFFFFFFB0] =	vst v6;
	v6 =	vmul.f32 v9, v11;
	v9 =	vld [tilespmem:s8+$0x20]  }
0x201: {  	[tilespmem:s8+$0xFFFFFFC0] =	vst v5;
	v10 =	vmul.f32 v10, v11;
	v15 =	vld [tilespmem:s8+$0x30]  }
.Ltmp2:
0x202: {  	s13 =	sadd.s32 $0x1, s25;
	v13 =	vmov s25;
	[tilespmem:s8+$0xFFFFFFD0] =	vst v6;
	v7 =	vmul.f32 v7, v11;
	v5 =	vld [tilespmem:s8+$0x40];
	(pc) =	sbr.rel @p0 .LBB2_8-.Ltmp2, $4  }
0x203: {  	v11 =	vand.u32 $0x7C, v13;
	v13 =	vmov s13;
	s13 =	sadd.s32 $0x2, s25;
	[tilespmem:s8+$0xFFFFFFE0] =	vst v10;
	v10 =	vmul.f32 v12, v4;
	v6 =	vld [tilespmem:s8+$0x50]  }
0x204: {  	v12 =	vor.u32 v3, v11;
	v11 =	vmov s13;
	[tilespmem:s8+$0xFFFFFFF0] =	vst v7;
	v16 =	vmul.f32 v8, v4;
	v7 =	vld [tilespmem:s8+$0x60]  }
0x205: {  	v14 =	vand.u32 $0x7D, v13;
	v13 =	vand.u32 $0x7E, v11;
	[tilespmem:s8+$0x0] =	vst v10;
	v11 =	vmul.f32 v9, v4;
	v9 =	vld [tilespmem:s8+$0x70]  }
0x206: {  	s13 =	sadd.s32 $0x3, s25;
	s25 =	sadd.s32 $0x4, s25;
	v8 =	vbroadcast v12, $0x0;
	v14 =	vor.u32 v3, v14;
	[tilespmem:s8+$0x10] =	vst v16;
	v12 =	vmul.f32 v15, v4;
	v10 =	vld [tilespmem:s8+$0x80]  }
0x207: {  	v16 =	vld [tilespmem:s8+$0x90]  }
0x208: {  	v17 =	vld [tilespmem:s8+$0xA0]  }
0x209: {  	v52 =	vld [tilespmem:s8+$0xB0]  }
0x20a: {  	v18 =	vld [tilespmem:s8+$0xC0]  }
0x20b: {  	[tilespmem:s8+$0x20] =	vst v11;
	v5 =	vmul.f32 v5, v4;
	v53 =	vld [tilespmem:s8+$0xD0]  }
0x20c: {  	v54 =	vld [tilespmem:s8+$0xE0];
	[tilespmem:s8+$0x30] =	vst v12;
	v6 =	vmul.f32 v6, v4  }
0x20d: {  	s25 =	sadd.s32 $0x200, s8;
	v56 =	vld.idx.msk [tilespmem:v8+s17+$0x0], $0xffff;
	[tilespmem:s8+$0x40] =	vst v5;
	v55 =	vmul.f32 v7, v4  }
0x20e: {  	v63 =	vld [tilespmem:s25+$0xF0];
	[tilespmem:s8+$0x50] =	vst v6;
	v57 =	vmul.f32 v9, v4  }
0x20f: {  	v20 =	vld [tilespmem:s25+$0xFFFFFF10];
	[tilespmem:s8+$0x60] =	vst v55;
	v59 =	vmul.f32 v10, v2  }
0x210: {  	v22 =	vld [tilespmem:s25+$0xFFFFFF20];
	[tilespmem:s8+$0x70] =	vst v57;
	v61 =	vmul.f32 v16, v2  }
0x211: {  	v23 =	vld [tilespmem:s25+$0xFFFFFF30];
	v62 =	vmul.f32 v17, v2;
	[tilespmem:s8+$0x80] =	vst v59  }
0x212: {  	v16 =	vmul.f32 v52, v2;
	v17 =	vld [tilespmem:s25+$0xFFFFFF00];
	[tilespmem:s8+$0x90] =	vst v61  }
0x213: {  	v14 =	vbroadcast v14, $0x0;
	v24 =	vld [tilespmem:s25+$0xFFFFFF40];
	v19 =	vmul.f32 v18, v2;
	[tilespmem:s8+$0xA0] =	vst v62  }
0x214: {  	v25 =	vld [tilespmem:s25+$0xFFFFFF50];
	v21 =	vmul.f32 v53, v2;
	[tilespmem:s20+$0xB0] =	vst v16  }
0x215: {  	v27 =	vld [tilespmem:s25+$0xFFFFFF60];
	v2 =	vmul.f32 v54, v2;
	[tilespmem:s20+$0xC0] =	vst v19  }
0x216: {  	v28 =	vld [tilespmem:s25+$0xFFFFFF70];
	v26 =	vmul.f32 v20, v56;
	[tilespmem:s20+$0xD0] =	vst v21  }
0x217: {  	v29 =	vld [tilespmem:s25+$0xFFFFFF80];
	[tilespmem:s20+$0xE0] =	vst v2;
	v2 =	vmul.f32 v17, v56  }
0x218: {  	v30 =	vld [tilespmem:s25+$0xFFFFFF90];
	v5 =	vmul.f32 v23, v56;
	[tilespmem:s25+$0xFFFFFF10] =	vst v26  }
0x219: {  	v58 =	vld.idx.msk [tilespmem:v14+s17+$0x0], $0xffff;
	[tilespmem:s25+$0xFFFFFF00] =	vst v2;
	v2 =	vmul.f32 v22, v56  }
0x21a: {  	v13 =	vor.u32 v3, v13;
	v32 =	vld [tilespmem:s25+$0xFFFFFFA0];
	v31 =	vmul.f32 v25, v56;
	[tilespmem:s25+$0xFFFFFF30] =	vst v5  }
0x21b: {  	v13 =	vbroadcast v13, $0x0;
	v33 =	vld [tilespmem:s25+$0xFFFFFFB0];
	[tilespmem:s25+$0xFFFFFF20] =	vst v2;
	v2 =	vmul.f32 v24, v56  }
0x21c: {  	v35 =	vld [tilespmem:s25+$0xFFFFFFC0];
	v34 =	vmul.f32 v28, v56;
	[tilespmem:s25+$0xFFFFFF50] =	vst v31  }
0x21d: {  	v36 =	vld [tilespmem:s25+$0xFFFFFFD0];
	[tilespmem:s25+$0xFFFFFF40] =	vst v2;
	v2 =	vmul.f32 v27, v56  }
0x21e: {  	v37 =	vld [tilespmem:s25+$0xFFFFFFE0];
	[tilespmem:s25+$0xFFFFFF70] =	vst v34;
	v4 =	vmul.f32 v30, v58  }
0x21f: {  	v38 =	vld [tilespmem:s25+$0xFFFFFFF0];
	[tilespmem:s25+$0xFFFFFF60] =	vst v2;
	v2 =	vmul.f32 v29, v58  }
0x220: {  	v15 =	vmov s13;
	v41 =	vld [tilespmem:s25+$0x10];
	v39 =	vmul.f32 v33, v58;
	[tilespmem:s25+$0xFFFFFF90] =	vst v4  }
0x221: {  	v15 =	vand.u32 $0x7F, v15;
	v60 =	vld.idx.msk [tilespmem:v13+s17+$0x0], $0xffff;
	[tilespmem:s25+$0xFFFFFF80] =	vst v2;
	v2 =	vmul.f32 v32, v58  }
0x222: {  	v40 =	vld [tilespmem:s25+$0x0];
	v3 =	vor.u32 v3, v15;
	v42 =	vmul.f32 v36, v58;
	[tilespmem:s25+$0xFFFFFFB0] =	vst v39  }
0x223: {  	v44 =	vld [tilespmem:s25+$0x30];
	v3 =	vbroadcast v3, $0x0;
	[tilespmem:s25+$0xFFFFFFA0] =	vst v2;
	v2 =	vmul.f32 v35, v58  }
0x224: {  	v43 =	vld [tilespmem:s25+$0x20];
	v45 =	vmul.f32 v38, v58;
	[tilespmem:s25+$0xFFFFFFD0] =	vst v42  }
0x225: {  	v47 =	vld [tilespmem:s25+$0x50];
	[tilespmem:s25+$0xFFFFFFC0] =	vst v2;
	v2 =	vmul.f32 v37, v58  }
0x226: {  	v46 =	vld [tilespmem:s25+$0x40];
	v48 =	vmul.f32 v41, v60;
	[tilespmem:s25+$0xFFFFFFF0] =	vst v45  }
0x227: {  	v50 =	vld [tilespmem:s25+$0x70];
	[tilespmem:s25+$0xFFFFFFE0] =	vst v2;
	v2 =	vmul.f32 v40, v60  }
0x228: {  	v49 =	vld [tilespmem:s25+$0x60];
	v51 =	vmul.f32 v44, v60;
	[tilespmem:s25+$0x10] =	vst v48  }
0x229: {  	v3 =	vld.idx.msk [tilespmem:v3+s17+$0x0], $0xffff;
	[tilespmem:s25+$0x0] =	vst v2;
	v2 =	vmul.f32 v43, v60  }
0x22a: {  	v52 =	vld [tilespmem:s25+$0x80];
	v54 =	vmul.f32 v47, v60;
	[tilespmem:s25+$0x30] =	vst v51  }
0x22b: {  	v59 =	vld [tilespmem:s25+$0xD0];
	[tilespmem:s25+$0x20] =	vst v2;
	v2 =	vmul.f32 v46, v60  }
0x22c: {  	v55 =	vld [tilespmem:s25+$0xA0];
	v57 =	vmul.f32 v50, v60;
	[tilespmem:s25+$0x50] =	vst v54  }
0x22d: {  	v56 =	vld [tilespmem:s25+$0xB0];
	[tilespmem:s25+$0x40] =	vst v2;
	v2 =	vmul.f32 v49, v60  }
0x22e: {  	v9 =	vmul.f32 v63, v3;
	[tilespmem:s25+$0x70] =	vst v57;
	v58 =	vld [tilespmem:s25+$0xC0]  }
0x22f: {  	v53 =	vld [tilespmem:s25+$0x90];
	[tilespmem:s25+$0x60] =	vst v2;
	v2 =	vmul.f32 v52, v3  }
0x230: {  	v61 =	vld [tilespmem:s25+$0xE0];
	v63 =	vmul.f32 v59, v3;
	[tilespmem:s25+$0xF0] =	vst v9  }
0x231: {  	[tilespmem:s25+$0x80] =	vst v2;
	v2 =	vmul.f32 v55, v3  }
0x232: {  	[tilespmem:s25+$0xD0] =	vst v63;
	v62 =	vmul.f32 v56, v3  }
0x233: {  	[tilespmem:s25+$0xA0] =	vst v2;
	v2 =	vmul.f32 v58, v3  }
0x234: {  	[tilespmem:s25+$0xB0] =	vst v62;
	v60 =	vmul.f32 v53, v3  }
0x235: {  	[tilespmem:s25+$0xC0] =	vst v2;
	v2 =	vmul.f32 v61, v3  }
0x236: {  	[tilespmem:s25+$0x90] =	vst v60  }
0x237: {  	[tilespmem:s25+$0xE0] =	vst v2  }
0x238: {  	[spmem:s2] =	stream.indirect.scatter.add.f32 [tilespmem:s12], [sflag:$0x6], $0x80, s1, s3, $0xb8;
	[tilespmem:$0x1CC80] =	vst v63  }
0x239: {  	_ =	swait.ge [sflag:s22], $0x50  }
0x23a: {  	[sflag:s22] =	ssyncset.done $0x0  }
0x23b: {  	[sflag:s22] =	ssyncadd.s32 $0xFFFFFFB0  }
0x23c: {  	_ =	swait.ge [sflag:s23], $0x2800  }
0x23d: {  	[sflag:s23] =	ssyncset.done $0x0  }
0x23e: {  	s29 =	sadd.s32 $0x100, s26;
	s28 =	sadd.s32 $0x1, s28;
	[sflag:s23] =	ssyncadd.s32 $0xFFFFD800  }
0x23f: {  	[tilespmem:s31], [sflag:$0x1] =	stream.indirect.gather [hbm4b:s10+s3], $0x80, s29, s3, $0xb8;
	[tilespmem:$0x1CC80] =	vst v63  }
0x240: {  	p0 =	sne.s32 s28, $0xC  }
0x241: {  	[tilespmem:s9], [sflag:$0x3] =	stream.indirect.gather [spmem:s4], $0x1, s29, s3, $0xb8;
	[tilespmem:$0x1CC80] =	vst v63  }
.Ltmp3:
0x242: {  	s30 =	sadd.s32 $0x1100, s26;
	(pc) =	sbr.rel @p0 .LBB2_5-.Ltmp3, $4  }
0x243: {  	[tilespmem:s11], [sflag:$0x3] =	stream.indirect.gather [spmem:s5], $0x1, s30, s3, $0xb8;
	[tilespmem:$0x1CC80] =	vst v63  }
0x244: {  	_ =	swait.ge [sflag:s24], $0x2800  }
0x245: {  	[sflag:s24] =	ssyncset.done $0x0  }
0x246: {  	[sflag:s24] =	ssyncadd.s32 $0xFFFFD800  }
0x247: {  	_ =	swait.ge [sflag:s16], $0x50  }
0x248: {  	[sflag:s16] =	ssyncset.done $0x0  }
0x249: {  	[sflag:s16] =	ssyncadd.s32 $0xFFFFFFB0  }
0x24a: {  	_ =	swait.ge [sflag:s16], $0x50  }
0x24b: {  	[sflag:s16] =	ssyncset.done $0x0  }
0x24c: {  	[sflag:s16] =	ssyncadd.s32 $0xFFFFFFB0  }
0x24d: {  	v2 =	vld [tilespmem:$0x7000]  }
0x24e: {  	v3 =	vld [tilespmem:$0x7080]  }
0x24f: {  	v4 =	vld [tilespmem:$0x7010]  }
0x250: {  	v5 =	vld [tilespmem:$0x7090]  }
0x251: {  	v6 =	vld [tilespmem:$0x7020]  }
0x252: {  	v7 =	vld [tilespmem:$0x70A0];
	_ =	sdelay $0x1  }
0x253: {  	v8 =	vld [tilespmem:$0x70B0]  }
0x254: {  	v10 =	vld [tilespmem:$0x7040]  }
0x255: {  	v2 =	vadd.f32 v3, v2;
	v3 =	vld [tilespmem:$0x7030]  }
0x256: {  	v4 =	vadd.f32 v5, v4;
	v5 =	vld [tilespmem:$0x70C0];
	v6 =	vadd.f32 v7, v6  }
0x257: {  	v9 =	vmul.f32 $2.000000030e-01, v2  }
0x258: {  	vm0 =	vge.f32 v2, $0.0e+00;
	v7 =	vmul.f32 $2.000000030e-01, v6  }
0x259: {  	vm9 =	vge.f32 v6, $0.0e+00;
	v2 =	vsel vm0, v2, v9;
	v9 =	vmul.f32 $2.000000030e-01, v4  }
0x25a: {  	vm8 =	vge.f32 v4, $0.0e+00;
	v6 =	vsel vm9, v6, v7;
	v3 =	vadd.f32 v8, v3  }
0x25b: {  	v2 =	vsub.f32 v2, v1;
	v5 =	vadd.f32 v5, v10;
	v4 =	vsel vm8, v4, v9  }
0x25c: {  	v6 =	vsub.f32 v6, v1;
	v8 =	vmul.f32 $2.000000030e-01, v3;
	v4 =	vsub.f32 v4, v1  }
0x25d: {  	v2 =	vmul.f32 $1.442695020e+00, v2;
	vm10 =	vge.f32 v3, $0.0e+00;
	v7 =	vmul.f32 $2.000000030e-01, v5  }
0x25e: {  	vm11 =	vge.f32 v5, $0.0e+00;
	v3 =	vsel vm10, v3, v8;
	v4 =	vmul.f32 $1.442695020e+00, v4  }
0x25f: {  	(erf) = vpow2.f32 v2;
	v2 =	vmul.f32 $1.442695020e+00, v6;
	v3 =	vsub.f32 v3, v1  }
0x260: {  	v8 =	vld [tilespmem:$0xC00];
	v5 =	vsel vm11, v5, v7;
	(erf) = vpow2.f32 v4  }
0x261: {  	v6 =	vld [tilespmem:$0x1C00];
	v4 =	vsub.f32 v5, v1;
	v3 =	vmul.f32 $1.442695020e+00, v3;
	(erf) = vpow2.f32 v2  }
0x262: {  	v7 =	vld [tilespmem:$0x1C20]  }
0x263: {  	v5 =	vld [tilespmem:$0xC10];
	(erf) = vpow2.f32 v3;
	v3 =	vmul.f32 $1.442695020e+00, v4  }
0x264: {  	v2 =	vld [tilespmem:$0x1C10]  }
0x265: {  	v4 =	vld [tilespmem:$0xC20];
	(erf) = vpow2.f32 v3  }
0x266: {  	v9 =	vld [tilespmem:$0x1C30]  }
0x267: {  	v3 =	vld [tilespmem:$0xC30]  }
0x268: {  	v12 =	vld [tilespmem:$0x1C40];
	v11 =	vpop (erf)  }
0x269: {  	v10 =	vld [tilespmem:$0xC40];
	vm12 =	veq.s32 v8, v6;
	v13 =	vpop (erf)  }
0x26a: {  	vm1 =	veq.s32 v5, v2;
	v2 =	vsel vm12, $0x0, v11;
	vm13 =	veq.s32 v4, v7;
	v5 =	vpop (erf)  }
0x26b: {  	s1 =	simm.s32 $0x0;
	[tilespmem:$0x7E00] =	vst v2;
	v2 =	vsel vm13, $0x0, v5  }
0x26c: {  	v6 =	vsel vm1, $0x0, v13;
	vm14 =	veq.s32 v3, v9;
	v3 =	vmov s1  }
0x26d: {  	[tilespmem:$0x7E10] =	vst v6;
	v3 =	vand.u32 $0x7C, v3;
	v4 =	vpop (erf)  }
0x26e: {  	vm15 =	veq.s32 v10, v12;
	[tilespmem:$0x7E20] =	vst v2;
	v3 =	vor.u32 $0xC00, v3;
	v4 =	vsel vm14, $0x0, v4;
	v2 =	vpop (erf)  }
0x26f: {  	v3 =	vbroadcast v3, $0x0;
	[tilespmem:$0x7E30] =	vst v4;
	v2 =	vsel vm15, $0x0, v2  }
0x270: {  	s13 =	simm.s32 $0x3;
	s25 =	simm.s32 $0x1C00;
	s20 =	simm.s32 $0x7E00;
	[tilespmem:$0x7E40] =	vst v2  }
0x271: {  	[spmem:s6] =	stream.indirect.scatter.add.f32 [tilespmem:s20], [sflag:$0x7], $0x1, s25, s3, $0xb8;
	[tilespmem:$0x1CC80] =	vst v63  }
0x272: {  	v5 =	vmov s13;
	_ =	swait.ge [sflag:s0], $0x2800  }
0x273: {  	v5 =	vand.u32 $0x7F, v5;
	[sflag:s0] =	ssyncset.done $0x0  }
0x274: {  	v4 =	vor.u32 $0xC00, v5;
	[sflag:s0] =	ssyncadd.s32 $0xFFFFD800  }
0x275: {  	s8 =	simm.s32 $0x1;
	s1 =	simm.s32 $0x2100;
	v2 =	vbroadcast v4, $0x0;
	v3 =	vld.idx.msk [tilespmem:v3+s17+$0x0], $0xffff  }
0x276: {  	v4 =	vmov s8;
	v5 =	vld [tilespmem:s1+$0xF0]  }
0x277: {  	v4 =	vand.u32 $0x7D, v4;
	v6 =	vld [tilespmem:s1+$0xFFFFFF00]  }
0x278: {  	v4 =	vor.u32 $0xC00, v4;
	v7 =	vld [tilespmem:s1+$0xFFFFFF10]  }
0x279: {  	v4 =	vbroadcast v4, $0x0;
	v8 =	vld [tilespmem:s1+$0xFFFFFF20]  }
0x27a: {  	v9 =	vld [tilespmem:s1+$0xFFFFFF30]  }
0x27b: {  	v2 =	vld.idx.msk [tilespmem:v2+s17+$0x0], $0xffff  }
0x27c: {  	v10 =	vld [tilespmem:s1+$0xFFFFFF40]  }
0x27d: {  	v11 =	vld [tilespmem:s1+$0xFFFFFF50]  }
0x27e: {  	s26 =	simm.s32 $0x2;
	v12 =	vld [tilespmem:s1+$0xFFFFFF60];
	v6 =	vmul.f32 v6, v3  }
0x27f: {  	v13 =	vmov s26;
	v14 =	vld.idx.msk [tilespmem:v4+s17+$0x0], $0xffff;
	v7 =	vmul.f32 v7, v3  }
0x280: {  	v4 =	vand.u32 $0x7E, v13;
	v13 =	vld [tilespmem:s1+$0xFFFFFF80];
	v5 =	vmul.f32 v5, v2;
	[tilespmem:s1+$0xFFFFFF00] =	vst v6  }
0x281: {  	v4 =	vor.u32 $0xC00, v4;
	v6 =	vld [tilespmem:s1+$0xFFFFFF70];
	[tilespmem:s1+$0xFFFFFF10] =	vst v7;
	v7 =	vmul.f32 v9, v3  }
0x282: {  	v4 =	vbroadcast v4, $0x0;
	v9 =	vld [tilespmem:s1+$0xFFFFFFA0];
	[tilespmem:s1+$0xF0] =	vst v5;
	v5 =	vmul.f32 v8, v3  }
0x283: {  	v8 =	vld [tilespmem:s1+$0xFFFFFF90];
	[tilespmem:s1+$0xFFFFFF30] =	vst v7;
	v7 =	vmul.f32 v11, v3  }
0x284: {  	v11 =	vld [tilespmem:s1+$0xFFFFFFC0];
	[tilespmem:s1+$0xFFFFFF20] =	vst v5;
	v5 =	vmul.f32 v10, v3  }
0x285: {  	v12 =	vmul.f32 v12, v3;
	v10 =	vld [tilespmem:s1+$0xFFFFFFB0];
	[tilespmem:s1+$0xFFFFFF50] =	vst v7  }
0x286: {  	v7 =	vld [tilespmem:s1+$0xFFFFFFE0];
	[tilespmem:s1+$0xFFFFFF40] =	vst v5;
	v5 =	vmul.f32 v13, v14  }
0x287: {  	[tilespmem:s1+$0xFFFFFF60] =	vst v12;
	v13 =	vld [tilespmem:s1+$0xFFFFFFD0];
	v6 =	vmul.f32 v6, v3  }
0x288: {  	v3 =	vld.idx.msk [tilespmem:v4+s17+$0x0], $0xffff;
	v4 =	vmul.f32 v8, v14;
	[tilespmem:s1+$0xFFFFFF80] =	vst v5  }
0x289: {  	v8 =	vld [tilespmem:s1+$0xFFFFFFF0];
	[tilespmem:s1+$0xFFFFFF70] =	vst v6;
	v5 =	vmul.f32 v9, v14  }
0x28a: {  	v6 =	vld [tilespmem:s1+$0x0];
	[tilespmem:s1+$0xFFFFFF90] =	vst v4;
	v4 =	vmul.f32 v10, v14  }
0x28b: {  	v9 =	vld [tilespmem:s1+$0x10];
	[tilespmem:s1+$0xFFFFFFA0] =	vst v5;
	v5 =	vmul.f32 v11, v14  }
0x28c: {  	v10 =	vld [tilespmem:s1+$0x20];
	v7 =	vmul.f32 v7, v14;
	[tilespmem:s1+$0xFFFFFFB0] =	vst v4  }
0x28d: {  	s28 =	simm.s32 $0x4;
	v15 =	vld [tilespmem:s1+$0x30];
	v11 =	vmul.f32 v13, v14;
	[tilespmem:s1+$0xFFFFFFC0] =	vst v5  }
0x28e: {  	s29 =	simm.s32 $0x5;
	v12 =	vmov s28;
	v4 =	vld [tilespmem:s1+$0x40];
	v8 =	vmul.f32 v8, v14;
	[tilespmem:s1+$0xFFFFFFE0] =	vst v7  }
0x28f: {  	v12 =	vand.u32 $0x7C, v12;
	v13 =	vmov s29;
	v5 =	vld [tilespmem:s1+$0x50];
	[tilespmem:s1+$0xFFFFFFD0] =	vst v11;
	v11 =	vmul.f32 v6, v3  }
0x290: {  	s30 =	simm.s32 $0x6;
	v7 =	vor.u32 $0xC00, v12;
	v13 =	vand.u32 $0x7D, v13;
	v6 =	vld [tilespmem:s1+$0x60];
	v9 =	vmul.f32 v9, v3;
	[tilespmem:s1+$0xFFFFFFF0] =	vst v8  }
0x291: {  	v7 =	vbroadcast v7, $0x0;
	v10 =	vmul.f32 v10, v3;
	v8 =	vld [tilespmem:s1+$0x70];
	[tilespmem:s1+$0x0] =	vst v11;
	v11 =	vmov s30  }
0x292: {  	s13 =	simm.s32 $0x7;
	s8 =	simm.s32 $0x2100;
	s20 =	simm.s32 $0x8;
	v13 =	vor.u32 $0xC00, v13;
	[tilespmem:s1+$0x10] =	vst v9;
	v9 =	vld [tilespmem:s1+$0x80];
	v12 =	vand.u32 $0x7E, v11;
	v11 =	vmul.f32 v15, v3  }
.LBB2_11:
0x293: {  	p0 =	slt.u32 s20, $0x4C;
	v12 =	vor.u32 $0xC00, v12;
	v14 =	vmov s13;
	[tilespmem:s1+$0x20] =	vst v10;
	v4 =	vmul.f32 v4, v3;
	v10 =	vld [tilespmem:s1+$0x90]  }
0x294: {  	v13 =	vbroadcast v13, $0x0;
	v14 =	vand.u32 $0x7F, v14;
	[tilespmem:s1+$0x30] =	vst v11;
	v5 =	vmul.f32 v5, v3;
	v11 =	vld [tilespmem:s1+$0xA0]  }
0x295: {  	v12 =	vbroadcast v12, $0x0;
	v14 =	vor.u32 $0xC00, v14;
	[tilespmem:s1+$0x40] =	vst v4;
	v4 =	vmul.f32 v6, v3;
	v6 =	vld [tilespmem:s1+$0xB0]  }
0x296: {  	v14 =	vbroadcast v14, $0x0;
	[tilespmem:s1+$0x50] =	vst v5;
	v3 =	vmul.f32 v8, v3;
	v5 =	vld [tilespmem:s1+$0xC0]  }
0x297: {  	[tilespmem:s1+$0x60] =	vst v4;
	v4 =	vmul.f32 v9, v2;
	v8 =	vld [tilespmem:s1+$0xD0]  }
0x298: {  	[tilespmem:s1+$0x70] =	vst v3;
	v3 =	vmul.f32 v10, v2;
	v9 =	vld [tilespmem:s1+$0xE0]  }
0x299: {  	v7 =	vld.idx.msk [tilespmem:v7+s17+$0x0], $0xffff;
	[tilespmem:s1+$0x80] =	vst v4;
	v4 =	vmul.f32 v11, v2  }
0x29a: {  	v10 =	vld.idx.msk [tilespmem:v13+s17+$0x0], $0xffff;
	[tilespmem:s1+$0x90] =	vst v3;
	v6 =	vmul.f32 v6, v2  }
0x29b: {  	v3 =	vld.idx.msk [tilespmem:v12+s17+$0x0], $0xffff;
	[tilespmem:s1+$0xA0] =	vst v4;
	v4 =	vmul.f32 v5, v2  }
0x29c: {  	s1 =	sadd.s32 $0x200, s1;
	v5 =	vld.idx.msk [tilespmem:v14+s17+$0x0], $0xffff;
	[tilespmem:s8+$0xB0] =	vst v6;
	v6 =	vmul.f32 v8, v2  }
0x29d: {  	v8 =	vld [tilespmem:s1+$0xF0];
	[tilespmem:s8+$0xC0] =	vst v4;
	v2 =	vmul.f32 v9, v2  }
0x29e: {  	v4 =	vld [tilespmem:s1+$0xFFFFFF00];
	[tilespmem:s8+$0xD0] =	vst v6  }
0x29f: {  	v6 =	vld [tilespmem:s1+$0xFFFFFF10];
	[tilespmem:s8+$0xE0] =	vst v2;
	s8 =	smov.u32 s1  }
0x2a0: {  	v9 =	vld [tilespmem:s1+$0xFFFFFF20]  }
0x2a1: {  	v11 =	vld [tilespmem:s1+$0xFFFFFF30]  }
0x2a2: {  	v2 =	vmov v5;
	v12 =	vld [tilespmem:s1+$0xFFFFFF40];
	v8 =	vmul.f32 v8, v5  }
0x2a3: {  	v4 =	vmul.f32 v4, v7;
	v5 =	vld [tilespmem:s1+$0xFFFFFF50]  }
0x2a4: {  	v6 =	vmul.f32 v6, v7;
	v13 =	vld [tilespmem:s1+$0xFFFFFF60];
	[tilespmem:s1+$0xF0] =	vst v8  }
0x2a5: {  	[tilespmem:s1+$0xFFFFFF00] =	vst v4;
	v4 =	vmul.f32 v9, v7;
	v8 =	vld [tilespmem:s1+$0xFFFFFF70]  }
0x2a6: {  	[tilespmem:s1+$0xFFFFFF10] =	vst v6;
	v6 =	vmul.f32 v11, v7;
	v9 =	vld [tilespmem:s1+$0xFFFFFF80]  }
0x2a7: {  	[tilespmem:s1+$0xFFFFFF20] =	vst v4;
	v4 =	vmul.f32 v12, v7;
	v11 =	vld [tilespmem:s1+$0xFFFFFF90]  }
0x2a8: {  	[tilespmem:s1+$0xFFFFFF30] =	vst v6;
	v5 =	vmul.f32 v5, v7;
	v6 =	vld [tilespmem:s1+$0xFFFFFFA0]  }
0x2a9: {  	[tilespmem:s1+$0xFFFFFF40] =	vst v4;
	v4 =	vmul.f32 v13, v7;
	v12 =	vld [tilespmem:s1+$0xFFFFFFB0]  }
0x2aa: {  	[tilespmem:s1+$0xFFFFFF50] =	vst v5;
	v5 =	vmul.f32 v8, v7;
	v7 =	vld [tilespmem:s1+$0xFFFFFFC0]  }
0x2ab: {  	[tilespmem:s1+$0xFFFFFF60] =	vst v4;
	v4 =	vmul.f32 v9, v10;
	v8 =	vld [tilespmem:s1+$0xFFFFFFD0]  }
0x2ac: {  	[tilespmem:s1+$0xFFFFFF70] =	vst v5;
	v5 =	vmul.f32 v11, v10;
	v9 =	vld [tilespmem:s1+$0xFFFFFFE0]  }
0x2ad: {  	[tilespmem:s1+$0xFFFFFF80] =	vst v4;
	v4 =	vmul.f32 v6, v10;
	v6 =	vld [tilespmem:s1+$0xFFFFFFF0]  }
0x2ae: {  	[tilespmem:s1+$0xFFFFFF90] =	vst v5;
	v5 =	vmul.f32 v12, v10;
	v11 =	vld [tilespmem:s1+$0x0]  }
0x2af: {  	[tilespmem:s1+$0xFFFFFFA0] =	vst v4;
	v4 =	vmul.f32 v7, v10;
	v7 =	vld [tilespmem:s1+$0x10]  }
0x2b0: {  	[tilespmem:s1+$0xFFFFFFB0] =	vst v5;
	v5 =	vmul.f32 v8, v10;
	v8 =	vld [tilespmem:s1+$0x20]  }
0x2b1: {  	[tilespmem:s1+$0xFFFFFFC0] =	vst v4;
	v9 =	vmul.f32 v9, v10;
	v14 =	vld [tilespmem:s1+$0x30]  }
.Ltmp4:
0x2b2: {  	s13 =	sadd.s32 $0x1, s20;
	v12 =	vmov s20;
	[tilespmem:s1+$0xFFFFFFD0] =	vst v5;
	v6 =	vmul.f32 v6, v10;
	v4 =	vld [tilespmem:s1+$0x40];
	(pc) =	sbr.rel @p0 .LBB2_11-.Ltmp4, $4  }
0x2b3: {  	v10 =	vand.u32 $0x7C, v12;
	v12 =	vmov s13;
	s13 =	sadd.s32 $0x2, s20;
	[tilespmem:s1+$0xFFFFFFE0] =	vst v9;
	v9 =	vmul.f32 v11, v3;
	v5 =	vld [tilespmem:s1+$0x50]  }
0x2b4: {  	v11 =	vor.u32 $0xC00, v10;
	v10 =	vmov s13;
	[tilespmem:s1+$0xFFFFFFF0] =	vst v6;
	v15 =	vmul.f32 v7, v3;
	v6 =	vld [tilespmem:s1+$0x60]  }
0x2b5: {  	v13 =	vand.u32 $0x7D, v12;
	v12 =	vand.u32 $0x7E, v10;
	[tilespmem:s1+$0x0] =	vst v9;
	v10 =	vmul.f32 v8, v3;
	v8 =	vld [tilespmem:s1+$0x70]  }
0x2b6: {  	s13 =	sadd.s32 $0x3, s20;
	s20 =	sadd.s32 $0x4, s20;
	v7 =	vbroadcast v11, $0x0;
	v13 =	vor.u32 $0xC00, v13;
	[tilespmem:s1+$0x10] =	vst v15;
	v11 =	vmul.f32 v14, v3;
	v9 =	vld [tilespmem:s1+$0x80]  }
0x2b7: {  	v15 =	vld [tilespmem:s1+$0x90]  }
0x2b8: {  	v16 =	vld [tilespmem:s1+$0xA0]  }
0x2b9: {  	v17 =	vld [tilespmem:s1+$0xB0]  }
0x2ba: {  	v18 =	vld [tilespmem:s1+$0xC0]  }
0x2bb: {  	[tilespmem:s1+$0x20] =	vst v10;
	v4 =	vmul.f32 v4, v3;
	v21 =	vld [tilespmem:s1+$0xD0]  }
0x2bc: {  	v22 =	vld [tilespmem:s1+$0xE0];
	[tilespmem:s1+$0x30] =	vst v11;
	v5 =	vmul.f32 v5, v3  }
0x2bd: {  	s20 =	sadd.s32 $0x200, s1;
	v24 =	vld.idx.msk [tilespmem:v7+s17+$0x0], $0xffff;
	[tilespmem:s1+$0x40] =	vst v4;
	v23 =	vmul.f32 v6, v3  }
0x2be: {  	v30 =	vld [tilespmem:s20+$0xF0];
	[tilespmem:s1+$0x50] =	vst v5;
	v3 =	vmul.f32 v8, v3  }
0x2bf: {  	v31 =	vld [tilespmem:s20+$0xFFFFFF00];
	[tilespmem:s1+$0x60] =	vst v23;
	v26 =	vmul.f32 v9, v2  }
0x2c0: {  	v14 =	vmov s13;
	v33 =	vld [tilespmem:s20+$0xFFFFFF10];
	[tilespmem:s1+$0x70] =	vst v3;
	v3 =	vmul.f32 v15, v2  }
0x2c1: {  	v14 =	vand.u32 $0x7F, v14;
	v34 =	vld [tilespmem:s20+$0xFFFFFF20];
	v29 =	vmul.f32 v16, v2;
	[tilespmem:s1+$0x80] =	vst v26  }
0x2c2: {  	v35 =	vld [tilespmem:s20+$0xFFFFFF30];
	v14 =	vor.u32 $0xC00, v14;
	[tilespmem:s1+$0x90] =	vst v3;
	v3 =	vmul.f32 v17, v2  }
0x2c3: {  	v36 =	vld [tilespmem:s20+$0xFFFFFF50];
	v14 =	vbroadcast v14, $0x0;
	v32 =	vmul.f32 v18, v2;
	[tilespmem:s1+$0xA0] =	vst v29  }
0x2c4: {  	v13 =	vbroadcast v13, $0x0;
	v38 =	vld [tilespmem:s20+$0xFFFFFF60];
	[tilespmem:s8+$0xB0] =	vst v3;
	v3 =	vmul.f32 v21, v2  }
0x2c5: {  	v39 =	vld [tilespmem:s20+$0xFFFFFF70];
	[tilespmem:s8+$0xC0] =	vst v32;
	v2 =	vmul.f32 v22, v2  }
0x2c6: {  	v37 =	vmul.f32 v33, v24;
	[tilespmem:s8+$0xD0] =	vst v3;
	v3 =	vld [tilespmem:s20+$0xFFFFFF40]  }
0x2c7: {  	v40 =	vld [tilespmem:s20+$0xFFFFFF80];
	[tilespmem:s8+$0xE0] =	vst v2;
	v2 =	vmul.f32 v31, v24  }
0x2c8: {  	v42 =	vld [tilespmem:s20+$0xFFFFFFA0];
	v4 =	vmul.f32 v35, v24;
	[tilespmem:s20+$0xFFFFFF10] =	vst v37  }
0x2c9: {  	v28 =	vld.idx.msk [tilespmem:v14+s17+$0x0], $0xffff;
	[tilespmem:s20+$0xFFFFFF00] =	vst v2;
	v2 =	vmul.f32 v34, v24  }
0x2ca: {  	v25 =	vld.idx.msk [tilespmem:v13+s17+$0x0], $0xffff;
	v41 =	vmul.f32 v36, v24;
	[tilespmem:s20+$0xFFFFFF30] =	vst v4  }
0x2cb: {  	v12 =	vor.u32 $0xC00, v12;
	[tilespmem:s20+$0xFFFFFF20] =	vst v2;
	v2 =	vmul.f32 v3, v24;
	v3 =	vld [tilespmem:s20+$0xFFFFFF90]  }
0x2cc: {  	v12 =	vbroadcast v12, $0x0;
	v43 =	vld [tilespmem:s20+$0xFFFFFFB0];
	v44 =	vmul.f32 v39, v24;
	[tilespmem:s20+$0xFFFFFF50] =	vst v41  }
0x2cd: {  	v45 =	vld [tilespmem:s20+$0xFFFFFFC0];
	[tilespmem:s20+$0xFFFFFF40] =	vst v2;
	v2 =	vmul.f32 v38, v24  }
0x2ce: {  	v46 =	vld [tilespmem:s20+$0xFFFFFFD0];
	[tilespmem:s20+$0xFFFFFF70] =	vst v44;
	v9 =	vmul.f32 v30, v28  }
0x2cf: {  	v47 =	vld [tilespmem:s20+$0xFFFFFFE0];
	[tilespmem:s20+$0xFFFFFF60] =	vst v2;
	v2 =	vmul.f32 v40, v25  }
0x2d0: {  	v48 =	vld [tilespmem:s20+$0xFFFFFFF0];
	[tilespmem:s20+$0xF0] =	vst v9;
	v3 =	vmul.f32 v3, v25  }
0x2d1: {  	v49 =	vld [tilespmem:s20+$0x0];
	[tilespmem:s20+$0xFFFFFF80] =	vst v2;
	v2 =	vmul.f32 v42, v25  }
0x2d2: {  	v27 =	vld.idx.msk [tilespmem:v12+s17+$0x0], $0xffff;
	[tilespmem:s20+$0xFFFFFF90] =	vst v3;
	v3 =	vmul.f32 v43, v25  }
0x2d3: {  	v50 =	vld [tilespmem:s20+$0x10];
	[tilespmem:s20+$0xFFFFFFA0] =	vst v2;
	v2 =	vmul.f32 v45, v25  }
0x2d4: {  	v51 =	vld [tilespmem:s20+$0x20];
	[tilespmem:s20+$0xFFFFFFB0] =	vst v3;
	v3 =	vmul.f32 v46, v25  }
0x2d5: {  	v52 =	vld [tilespmem:s20+$0x30];
	[tilespmem:s20+$0xFFFFFFC0] =	vst v2;
	v2 =	vmul.f32 v47, v25  }
0x2d6: {  	v53 =	vld [tilespmem:s20+$0x40];
	[tilespmem:s20+$0xFFFFFFD0] =	vst v3;
	v3 =	vmul.f32 v48, v25  }
0x2d7: {  	v54 =	vld [tilespmem:s20+$0x50];
	[tilespmem:s20+$0xFFFFFFE0] =	vst v2;
	v2 =	vmul.f32 v49, v27  }
0x2d8: {  	v55 =	vld [tilespmem:s20+$0x60];
	[tilespmem:s20+$0xFFFFFFF0] =	vst v3;
	v3 =	vmul.f32 v50, v27  }
0x2d9: {  	v56 =	vld [tilespmem:s20+$0x70];
	[tilespmem:s20+$0x0] =	vst v2;
	v2 =	vmul.f32 v51, v27  }
0x2da: {  	v57 =	vld [tilespmem:s20+$0x80];
	[tilespmem:s20+$0x10] =	vst v3;
	v3 =	vmul.f32 v52, v27  }
0x2db: {  	v58 =	vld [tilespmem:s20+$0x90];
	[tilespmem:s20+$0x20] =	vst v2;
	v2 =	vmul.f32 v53, v27  }
0x2dc: {  	v59 =	vld [tilespmem:s20+$0xA0];
	[tilespmem:s20+$0x30] =	vst v3;
	v3 =	vmul.f32 v54, v27  }
0x2dd: {  	v60 =	vld [tilespmem:s20+$0xB0];
	[tilespmem:s20+$0x40] =	vst v2;
	v2 =	vmul.f32 v55, v27  }
0x2de: {  	v61 =	vld [tilespmem:s20+$0xC0];
	[tilespmem:s20+$0x50] =	vst v3;
	v3 =	vmul.f32 v56, v27  }
0x2df: {  	v62 =	vld [tilespmem:s20+$0xD0];
	[tilespmem:s20+$0x60] =	vst v2;
	v2 =	vmul.f32 v57, v28  }
0x2e0: {  	v63 =	vld [tilespmem:s20+$0xE0];
	[tilespmem:s20+$0x70] =	vst v3;
	v3 =	vmul.f32 v58, v28  }
0x2e1: {  	[tilespmem:s20+$0x80] =	vst v2;
	v2 =	vmul.f32 v59, v28  }
0x2e2: {  	[tilespmem:s20+$0x90] =	vst v3;
	v3 =	vmul.f32 v60, v28  }
0x2e3: {  	[tilespmem:s20+$0xA0] =	vst v2;
	v2 =	vmul.f32 v61, v28  }
0x2e4: {  	[tilespmem:s20+$0xB0] =	vst v3;
	v3 =	vmul.f32 v62, v28  }
0x2e5: {  	[tilespmem:s20+$0xC0] =	vst v2;
	v2 =	vmul.f32 v63, v28  }
0x2e6: {  	[tilespmem:s20+$0xD0] =	vst v3  }
0x2e7: {  	s19 =	sadd.s32 $0x1, s19;
	[tilespmem:s20+$0xE0] =	vst v2  }
0x2e8: {  	[spmem:s2] =	stream.indirect.scatter.add.f32 [tilespmem:s31], [sflag:$0x5], $0x80, s25, s3, $0xb8;
	[tilespmem:$0x1CC80] =	vst v63  }
0x2e9: {  	p0 =	sne.s32 s19, $0x5;
	_ =	swait.ge [sflag:s18], $0x50  }
.Ltmp5:
0x2ea: {  	[sflag:s18] =	ssyncset.done $0x0;
	(pc) =	sbr.rel @p0 .LBB2_4-.Ltmp5, $4  }
0x2eb: {  	[sflag:s18] =	ssyncadd.s32 $0xFFFFFFB0  }
0x2ec: {  	_ =	swait.ge [sflag:s23], $0x2800  }
0x2ed: {  	[sflag:s23] =	ssyncset.done $0x0  }
0x2ee: {  	[sflag:s23] =	ssyncadd.s32 $0xFFFFD800  }
0x2ef: {  	[bflag:$0x0] =	sbarrier.arrive $0xFFFF  }
0x2f0: {  	s19 =	rddreg [dreg:$0xb]  }
0x2f1: {  	s8 =	rddreg [dreg:$0x13]  }
0x2f2: {  	s25 =	simm.s32 $0x9;
	s28 =	rddreg [dreg:$0x1b];
	s1 =	sshrl.u32 s19, $0x3  }
0x2f3: {  	[hbm:s8], [sflag:s28] =	dma.local [spmem:s1], $0x2800  }
0x2f4: {  	s13 =	simm.s32 $0x20;
	_ =	swait.ge [sflag:s25], $0x2800  }
0x2f5: {  	s26 =	simm.s32 $0x10;
	[sflag:s25] =	ssyncset.done $0x0;
	s20 =	rddreg [dreg:$0x11]  }
0x2f6: {  	s30 =	rddreg [dreg:$0x14];
	[sflag:s25] =	ssyncadd.s32 $0xFFFFD800;
	s29 =	sshrl.u32 s20, $0x3  }
0x2f7: {  	[hbm:s30@s13], [sflag:s28] =	dma.strided [spmem:s29@s26], $0x50, s0, $0x10   }
0x2f8: {  	_ =	swait.ge [sflag:s25], $0x50  }
0x2f9: {  	s29 =	rddreg [dreg:$0x1a]  }
0x2fa: {  	s30 =	rddreg [dreg:$0x15];
	s8 =	sadd.s32 $0x1, s29  }
0x2fb: {  	p0 =	sne.s32 s8, s30  }
.Ltmp6:
0x2fc: {  	_ = 	snop;
	(pc) =	sbr.rel @p0 .LBB2_1-.Ltmp6, $3  }
0x2fd: {  	_ =	sdelay $0x1  }
0x2fe: {  	[sflag:s25] =	ssyncset.done $0x0  }
0x2ff: {  	[sflag:s25] =	ssyncadd.s32 $0xFFFFFFB0  }
0x300: {  	_ =	sfence.sel $0x180000  }
0x301: {  	[bflag:$0x0] =	sbarrier.arrive $0xFFFF  }
0x302: {  	_ =	strace $0x90000047  }
0x303: {  	s0 =	stileid.u32;
	[bflag:$0x2] =	sbarrier.arrive $0xFFFF  }
0x304: {  	p0 =	sne.s32 s0, $0x0;
	s0 =	rddreg [dreg:$0x6]  }
0x305: {  	s0 =	sadd.s32 @!p0 $0x100000, s0  }
0x306: {  	[sflag:s0] =	ssyncadd.tile.s32 @!p0 $0x1;
	_ =	shalt  }
.Lfunc_end2:
_tile_overlayer_lowered:
.L_overlay_start_2:
0x307: {  	(tag) =	ssettag $0x2  }
0x308: {  	s0 =	rddreg [dreg:$0x0];
	s2 =	stileid.u32  }
0x309: {  	s1 =	rddreg [dreg:$0x1];
	p0 =	sne.s32 s2, $0x0  }
0x30a: {  	s3 =	rddreg [dreg:$0x2];
	[bflag:$0x3] =	sbarrier.arrive $0xFFFF;
	s2 =	simm.s32 @!p0 $0x1C09  }
0x30b: {  	[timem:s3], [sflag:s2] =	dma.local @!p0 [hbm:s0], s1  }
0x30c: {  	s0 =	simm.s32 @!p0 $0x9  }
0x30d: {  	_ =	swait.ge @!p0 [sflag:s0], s1  }
0x30e: {  	s1 =	ssub.s32 @!p0 $0x0, s1;
	[sflag:s0] =	ssyncset.done @!p0 $0x0  }
0x30f: {  	[sflag:s0] =	ssyncadd.s32 @!p0 s1  }
0x310: {  	[bflag:$0x3] =	sbarrier.arrive $0xFFFF  }
0x311: {  	_ =	shalt  }

</sc_bundles>
